<compile_context>
chip_gen: v7x
topology: tpu7x:2x2x1
jax: 0.10.2.dev20260603
libtpu: 0.0.44.dev20260713+nightly
codegen_flags: <defaults>
</compile_context>

<pallas_src>
import functools

import jax
import jax.numpy as jnp
from jax import lax
from jax.experimental import pallas as pl
from jax.experimental.pallas import tpu as pltpu
from jax.experimental.pallas import tpu_sc as plsc

N_ATOMS = 100000
D = 128
NC = 2
NS = 16
NW = NC * NS
CHUNK = 128
PER_W = 3200
NSTEP = PER_W // CHUNK
NBUF = 6


def _sc_gather(table, idx):
  mesh = plsc.VectorSubcoreMesh(core_axis_name="c", subcore_axis_name="s")

  @functools.partial(
      pl.kernel,
      mesh=mesh,
      out_type=jax.ShapeDtypeStruct((N_ATOMS, D), jnp.float32),
      scratch_types=(
          [pltpu.VMEM_SHARED((93, D), jnp.float32),
           pltpu.VMEM((PER_W,), jnp.int32),
           pltpu.VMEM((NBUF * CHUNK, D), jnp.float32),
           pltpu.SemaphoreType.DMA]
          + [pltpu.SemaphoreType.DMA for _ in range(NBUF)]
          + [pltpu.SemaphoreType.DMA for _ in range(2)]
      ),
  )
  def k(table_hbm, idx_hbm, out_hbm, table_sp, idx_v, ring, isem, *sems):
    gsems = sems[:NBUF]
    ssems = sems[NBUF:]

    wid = lax.axis_index("s") * NC + lax.axis_index("c")
    base = jnp.minimum(wid * PER_W, N_ATOMS - PER_W)

    @pl.when(lax.axis_index("s") == 0)
    def _():
      pltpu.sync_copy(table_hbm, table_sp)

    pltpu.async_copy(idx_hbm.at[pl.ds(base, PER_W)], idx_v, isem).wait()
    for v in range(PER_W // 16):
      idx_v[pl.ds(v * 16, 16)] = idx_v[pl.ds(v * 16, 16)] - 1
    plsc.subcore_barrier()

    NBATCH = NSTEP // 3
    gh = [None] * NSTEP
    sh = [None] * (NBATCH + 1)

    def gather(i):
      s = i % NBUF
      return pltpu.async_copy(
          table_sp.at[idx_v.at[pl.ds(i * CHUNK, CHUNK)]],
          ring.at[pl.ds(s * CHUNK, CHUNK)], gsems[s])

    def writeback(b, nchunks):
      s = (3 * b) % NBUF
      return pltpu.async_copy(
          ring.at[pl.ds(s * CHUNK, nchunks * CHUNK)],
          out_hbm.at[pl.ds(base + 3 * b * CHUNK, nchunks * CHUNK)],
          ssems[b % 2])

    for i in range(NSTEP):
      if i >= NBUF and (i - NBUF) % 3 == 0:
        sh[(i - NBUF) // 3].wait()
      gh[i] = gather(i)
      if i % 3 == 2 and i >= 5:
        b = (i - 5) // 3
        gh[3 * b].wait()
        gh[3 * b + 1].wait()
        gh[3 * b + 2].wait()
        sh[b] = writeback(b, 3)
    gh[NSTEP - 4].wait()
    gh[NSTEP - 3].wait()
    gh[NSTEP - 2].wait()
    sh[NBATCH - 1] = writeback(NBATCH - 1, 3)
    gh[NSTEP - 1].wait()
    sh[NBATCH] = writeback(NBATCH, 1)
    sh[NBATCH - 1].wait()
    sh[NBATCH].wait()

  return k(table, idx)


def kernel(inputs, embeddings):
  return _sc_gather(embeddings.astype(jnp.float32), inputs.astype(jnp.int32))

# --- scband reference (transcript-rebuilt; emitter-appended) ---
"""Pipeline reference for scband-atom-embedding-76639396430002 (READ-ONLY COPY).

The authoritative reference and input builder live on the scoring server;
editing this copy changes nothing except your own understanding.
"""

import jax, jax.numpy as jnp
import numpy as np

N_ATOMS = 100000
VOCAB = 93
EMB_SIZE = 128

def setup_inputs(seed: int = 0) -> dict:
    key = jax.random.key(seed)
    k1, k2 = jax.random.split(key)
    # Atomic numbers Z are 1-indexed (1..93); module gathers at Z-1.
    Z = jax.random.randint(k1, (N_ATOMS,), 1, VOCAB + 1, dtype=jnp.int64 if jax.config.jax_enable_x64 else jnp.int32)
    # Embedding table init: RandomUniform(-sqrt(3), sqrt(3))
    s = np.sqrt(3.0)
    embeddings = jax.random.uniform(k2, (VOCAB, EMB_SIZE), minval=-s, maxval=s, dtype=jnp.float32)
    return {"inputs": Z, "embeddings": embeddings}

def reference(inputs, embeddings):
    # h = tf.gather(self.embeddings, Z - 1)
    Z = inputs
    h = jnp.take(embeddings, Z - 1, axis=0)
    return h

if __name__ == "__main__":
    import jax
    _d = setup_inputs()
    print(jax.jit(kernel)(*tuple(_d.values())))

</pallas_src>

<mosaic_0001>
#map = affine_map<(d0, d1) -> (0, 0)>
#map1 = affine_map<(d0, d1) -> (0)>
module attributes {stable_mosaic.version = 14 : i64} {
  func.func @k(%arg0: i32, %arg1: i32, %arg2: memref<93x128xf32, #tpu.memory_space<hbm>>, %arg3: memref<100000xi32, #tpu.memory_space<hbm>>, %arg4: memref<100000x128xf32, #tpu.memory_space<hbm>>, %arg5: memref<93x128xf32, #tpu.memory_space<vmem_shared>>, %arg6: memref<3200xi32, #tpu.memory_space<vmem>>, %arg7: memref<768x128xf32, #tpu.memory_space<vmem>>, %arg8: memref<!tpu.dma_semaphore, #tpu.memory_space<semaphore_mem>>, %arg9: memref<!tpu.dma_semaphore, #tpu.memory_space<semaphore_mem>>, %arg10: memref<!tpu.dma_semaphore, #tpu.memory_space<semaphore_mem>>, %arg11: memref<!tpu.dma_semaphore, #tpu.memory_space<semaphore_mem>>, %arg12: memref<!tpu.dma_semaphore, #tpu.memory_space<semaphore_mem>>, %arg13: memref<!tpu.dma_semaphore, #tpu.memory_space<semaphore_mem>>, %arg14: memref<!tpu.dma_semaphore, #tpu.memory_space<semaphore_mem>>, %arg15: memref<!tpu.dma_semaphore, #tpu.memory_space<semaphore_mem>>, %arg16: memref<!tpu.dma_semaphore, #tpu.memory_space<semaphore_mem>>) attributes {dimension_semantics = [#tpu.dimension_semantics<core_parallel>, #tpu.dimension_semantics<subcore_parallel>], iteration_bounds = array<i64: 2, 16>, scalar_prefetch = 0 : i64, scratch_operands = 12 : i64, tpu.core_type = #tpu.core_type<sc_vector_subcore>, window_params = [{transform_indices = #map}, {transform_indices = #map1}, {transform_indices = #map}]} {
    %mul3A = arith.constant 2 : i32
    %mul3A_0 = arith.muli %arg1, %mul3A : i32
    %add3A = arith.addi %mul3A_0, %arg0 : i32
    %mul3A_1 = arith.constant 3200 : i32
    %mul3A_2 = arith.muli %add3A, %mul3A_1 : i32
    %min3A = arith.constant 96800 : i32
    %min3A_3 = arith.minsi %mul3A_2, %min3A : i32
    %eq3A = arith.constant 0 : i32
    %eq3A_4 = arith.cmpi eq, %arg1, %eq3A : i32
    %convert_element_type3A = arith.extui %eq3A_4 : i1 to i32
    %cond3A = arith.constant 0 : i32
    %cond3A_5 = arith.cmpi ne, %convert_element_type3A, %cond3A : i32
    scf.if %cond3A_5 {
      "tpu.region"() ({
        %run_scoped3A = tpu.sem_alloc : memref<!tpu.dma_semaphore, #tpu.memory_space<semaphore_mem>>
        tpu.enqueue_dma source(%arg2 : memref<93x128xf32, #tpu.memory_space<hbm>>) target(%arg5 : memref<93x128xf32, #tpu.memory_space<vmem_shared>>) target_semaphore(%run_scoped3A : memref<!tpu.dma_semaphore, #tpu.memory_space<semaphore_mem>>)
        tpu.wait_dma2 semaphore(%run_scoped3A : memref<!tpu.dma_semaphore, #tpu.memory_space<semaphore_mem>>) src(%arg2 : memref<93x128xf32, #tpu.memory_space<hbm>>) dst(%arg5 : memref<93x128xf32, #tpu.memory_space<vmem_shared>>)
        tpu.yield
      }) : () -> ()
    } else {
    }
    %dma_start3A = tpu.memref_slice %arg3[%min3A_3] : memref<100000xi32, #tpu.memory_space<hbm>> -> memref<3200xi32, #tpu.memory_space<hbm>>
    %dma_start3A_6 = tpu.memref_slice %arg3[%min3A_3] : memref<100000xi32, #tpu.memory_space<hbm>> -> memref<3200xi32, #tpu.memory_space<hbm>>
    tpu.enqueue_dma source(%dma_start3A_6 : memref<3200xi32, #tpu.memory_space<hbm>>) target(%arg6 : memref<3200xi32, #tpu.memory_space<vmem>>) target_semaphore(%arg8 : memref<!tpu.dma_semaphore, #tpu.memory_space<semaphore_mem>>)
    %dma_wait3A = tpu.memref_slice %arg3[%min3A_3] : memref<100000xi32, #tpu.memory_space<hbm>> -> memref<3200xi32, #tpu.memory_space<hbm>>
    %dma_wait3A_7 = tpu.memref_slice %arg3[%min3A_3] : memref<100000xi32, #tpu.memory_space<hbm>> -> memref<3200xi32, #tpu.memory_space<hbm>>
    tpu.wait_dma2 semaphore(%arg8 : memref<!tpu.dma_semaphore, #tpu.memory_space<semaphore_mem>>) src(%dma_wait3A_7 : memref<3200xi32, #tpu.memory_space<hbm>>) dst(%arg6 : memref<3200xi32, #tpu.memory_space<vmem>>)
    %get3A = arith.constant 0 : index
    %get3A_8 = tpu.vector_load %arg6[%get3A] {strides = array<i32>} : memref<3200xi32, #tpu.memory_space<vmem>>, vector<16xi32>,
    %get3A_9 = vector.shape_cast %get3A_8 : vector<16xi32> to vector<16xi32>
    %sub3A = arith.constant 1 : i32
    %sub3A_10 = vector.broadcast %sub3A : i32 to vector<16xi32>
    %sub3A_11 = arith.subi %get3A_9, %sub3A_10 : vector<16xi32>
    %swap3A = arith.constant 0 : index
    %swap3A_12 = tpu.vector_load %arg6[%swap3A] {strides = array<i32>} : memref<3200xi32, #tpu.memory_space<vmem>>, vector<16xi32>,
    %swap3A_13 = vector.shape_cast %swap3A_12 : vector<16xi32> to vector<16xi32>
    %swap3A_14 = vector.shape_cast %sub3A_11 : vector<16xi32> to vector<16xi32>
    tpu.vector_store %arg6[%swap3A], %swap3A_14 {strides = array<i32>} : memref<3200xi32, #tpu.memory_space<vmem>>, vector<16xi32>,
    %get3A_15 = arith.constant 16 : index
    %get3A_16 = tpu.vector_load %arg6[%get3A_15] {strides = array<i32>} : memref<3200xi32, #tpu.memory_space<vmem>>, vector<16xi32>,
    %get3A_17 = vector.shape_cast %get3A_16 : vector<16xi32> to vector<16xi32>
    %sub3A_18 = arith.constant 1 : i32
    %sub3A_19 = vector.broadcast %sub3A_18 : i32 to vector<16xi32>
    %sub3A_20 = arith.subi %get3A_17, %sub3A_19 : vector<16xi32>
    %swap3A_21 = arith.constant 16 : index
    %swap3A_22 = tpu.vector_load %arg6[%swap3A_21] {strides = array<i32>} : memref<3200xi32, #tpu.memory_space<vmem>>, vector<16xi32>,
    %swap3A_23 = vector.shape_cast %swap3A_22 : vector<16xi32> to vector<16xi32>
    %swap3A_24 = vector.shape_cast %sub3A_20 : vector<16xi32> to vector<16xi32>
    tpu.vector_store %arg6[%swap3A_21], %swap3A_24 {strides = array<i32>} : memref<3200xi32, #tpu.memory_space<vmem>>, vector<16xi32>,
    %get3A_25 = arith.constant 32 : index
    %get3A_26 = tpu.vector_load %arg6[%get3A_25] {strides = array<i32>} : memref<3200xi32, #tpu.memory_space<vmem>>, vector<16xi32>,
    %get3A_27 = vector.shape_cast %get3A_26 : vector<16xi32> to vector<16xi32>
    %sub3A_28 = arith.constant 1 : i32
    %sub3A_29 = vector.broadcast %sub3A_28 : i32 to vector<16xi32>
    %sub3A_30 = arith.subi %get3A_27, %sub3A_29 : vector<16xi32>
    %swap3A_31 = arith.constant 32 : index
    %swap3A_32 = tpu.vector_load %arg6[%swap3A_31] {strides = array<i32>} : memref<3200xi32, #tpu.memory_space<vmem>>, vector<16xi32>,
    %swap3A_33 = vector.shape_cast %swap3A_32 : vector<16xi32> to vector<16xi32>
    %swap3A_34 = vector.shape_cast %sub3A_30 : vector<16xi32> to vector<16xi32>
    tpu.vector_store %arg6[%swap3A_31], %swap3A_34 {strides = array<i32>} : memref<3200xi32, #tpu.memory_space<vmem>>, vector<16xi32>,
    %get3A_35 = arith.constant 48 : index
    %get3A_36 = tpu.vector_load %arg6[%get3A_35] {strides = array<i32>} : memref<3200xi32, #tpu.memory_space<vmem>>, vector<16xi32>,
    %get3A_37 = vector.shape_cast %get3A_36 : vector<16xi32> to vector<16xi32>
    %sub3A_38 = arith.constant 1 : i32
    %sub3A_39 = vector.broadcast %sub3A_38 : i32 to vector<16xi32>
    %sub3A_40 = arith.subi %get3A_37, %sub3A_39 : vector<16xi32>
    %swap3A_41 = arith.constant 48 : index
    %swap3A_42 = tpu.vector_load %arg6[%swap3A_41] {strides = array<i32>} : memref<3200xi32, #tpu.memory_space<vmem>>, vector<16xi32>,
    %swap3A_43 = vector.shape_cast %swap3A_42 : vector<16xi32> to vector<16xi32>
    %swap3A_44 = vector.shape_cast %sub3A_40 : vector<16xi32> to vector<16xi32>
    tpu.vector_store %arg6[%swap3A_41], %swap3A_44 {strides = array<i32>} : memref<3200xi32, #tpu.memory_space<vmem>>, vector<16xi32>,
    %get3A_45 = arith.constant 64 : index
    %get3A_46 = tpu.vector_load %arg6[%get3A_45] {strides = array<i32>} : memref<3200xi32, #tpu.memory_space<vmem>>, vector<16xi32>,
    %get3A_47 = vector.shape_cast %get3A_46 : vector<16xi32> to vector<16xi32>
    %sub3A_48 = arith.constant 1 : i32
    %sub3A_49 = vector.broadcast %sub3A_48 : i32 to vector<16xi32>
    %sub3A_50 = arith.subi %get3A_47, %sub3A_49 : vector<16xi32>
    %swap3A_51 = arith.constant 64 : index
    %swap3A_52 = tpu.vector_load %arg6[%swap3A_51] {strides = array<i32>} : memref<3200xi32, #tpu.memory_space<vmem>>, vector<16xi32>,
    %swap3A_53 = vector.shape_cast %swap3A_52 : vector<16xi32> to vector<16xi32>
    %swap3A_54 = vector.shape_cast %sub3A_50 : vector<16xi32> to vector<16xi32>
    tpu.vector_store %arg6[%swap3A_51], %swap3A_54 {strides = array<i32>} : memref<3200xi32, #tpu.memory_space<vmem>>, vector<16xi32>,
    %get3A_55 = arith.constant 80 : index
    %get3A_56 = tpu.vector_load %arg6[%get3A_55] {strides = array<i32>} : memref<3200xi32, #tpu.memory_space<vmem>>, vector<16xi32>,
    %get3A_57 = vector.shape_cast %get3A_56 : vector<16xi32> to vector<16xi32>
    %sub3A_58 = arith.constant 1 : i32
    %sub3A_59 = vector.broadcast %sub3A_58 : i32 to vector<16xi32>
    %sub3A_60 = arith.subi %get3A_57, %sub3A_59 : vector<16xi32>
    %swap3A_61 = arith.constant 80 : index
    %swap3A_62 = tpu.vector_load %arg6[%swap3A_61] {strides = array<i32>} : memref<3200xi32, #tpu.memory_space<vmem>>, vector<16xi32>,
    %swap3A_63 = vector.shape_cast %swap3A_62 : vector<16xi32> to vector<16xi32>
    %swap3A_64 = vector.shape_cast %sub3A_60 : vector<16xi32> to vector<16xi32>
    tpu.vector_store %arg6[%swap3A_61], %swap3A_64 {strides = array<i32>} : memref<3200xi32, #tpu.memory_space<vmem>>, vector<16xi32>,
    %get3A_65 = arith.constant 96 : index
    %get3A_66 = tpu.vector_load %arg6[%get3A_65] {strides = array<i32>} : memref<3200xi32, #tpu.memory_space<vmem>>, vector<16xi32>,
    %get3A_67 = vector.shape_cast %get3A_66 : vector<16xi32> to vector<16xi32>
    %sub3A_68 = arith.constant 1 : i32
    %sub3A_69 = vector.broadcast %sub3A_68 : i32 to vector<16xi32>
    %sub3A_70 = arith.subi %get3A_67, %sub3A_69 : vector<16xi32>
    %swap3A_71 = arith.constant 96 : index
    %swap3A_72 = tpu.vector_load %arg6[%swap3A_71] {strides = array<i32>} : memref<3200xi32, #tpu.memory_space<vmem>>, vector<16xi32>,
    %swap3A_73 = vector.shape_cast %swap3A_72 : vector<16xi32> to vector<16xi32>
    %swap3A_74 = vector.shape_cast %sub3A_70 : vector<16xi32> to vector<16xi32>
    tpu.vector_store %arg6[%swap3A_71], %swap3A_74 {strides = array<i32>} : memref<3200xi32, #tpu.memory_space<vmem>>, vector<16xi32>,
    %get3A_75 = arith.constant 112 : index
    %get3A_76 = tpu.vector_load %arg6[%get3A_75] {strides = array<i32>} : memref<3200xi32, #tpu.memory_space<vmem>>, vector<16xi32>,
    %get3A_77 = vector.shape_cast %get3A_76 : vector<16xi32> to vector<16xi32>
    %sub3A_78 = arith.constant 1 : i32
    %sub3A_79 = vector.broadcast %sub3A_78 : i32 to vector<16xi32>
    %sub3A_80 = arith.subi %get3A_77, %sub3A_79 : vector<16xi32>
    %swap3A_81 = arith.constant 112 : index
    %swap3A_82 = tpu.vector_load %arg6[%swap3A_81] {strides = array<i32>} : memref<3200xi32, #tpu.memory_space<vmem>>, vector<16xi32>,
    %swap3A_83 = vector.shape_cast %swap3A_82 : vector<16xi32> to vector<16xi32>
    %swap3A_84 = vector.shape_cast %sub3A_80 : vector<16xi32> to vector<16xi32>
    tpu.vector_store %arg6[%swap3A_81], %swap3A_84 {strides = array<i32>} : memref<3200xi32, #tpu.memory_space<vmem>>, vector<16xi32>,
    %get3A_85 = arith.constant 128 : index
    %get3A_86 = tpu.vector_load %arg6[%get3A_85] {strides = array<i32>} : memref<3200xi32, #tpu.memory_space<vmem>>, vector<16xi32>,
    %get3A_87 = vector.shape_cast %get3A_86 : vector<16xi32> to vector<16xi32>
    %sub3A_88 = arith.constant 1 : i32
    %sub3A_89 = vector.broadcast %sub3A_88 : i32 to vector<16xi32>
    %sub3A_90 = arith.subi %get3A_87, %sub3A_89 : vector<16xi32>
    %swap3A_91 = arith.constant 128 : index
    %swap3A_92 = tpu.vector_load %arg6[%swap3A_91] {strides = array<i32>} : memref<3200xi32, #tpu.memory_space<vmem>>, vector<16xi32>,
    %swap3A_93 = vector.shape_cast %swap3A_92 : vector<16xi32> to vector<16xi32>
    %swap3A_94 = vector.shape_cast %sub3A_90 : vector<16xi32> to vector<16xi32>
    tpu.vector_store %arg6[%swap3A_91], %swap3A_94 {strides = array<i32>} : memref<3200xi32, #tpu.memory_space<vmem>>, vector<16xi32>,
    %get3A_95 = arith.constant 144 : index
    %get3A_96 = tpu.vector_load %arg6[%get3A_95] {strides = array<i32>} : memref<3200xi32, #tpu.memory_space<vmem>>, vector<16xi32>,
    %get3A_97 = vector.shape_cast %get3A_96 : vector<16xi32> to vector<16xi32>
    %sub3A_98 = arith.constant 1 : i32
    %sub3A_99 = vector.broadcast %sub3A_98 : i32 to vector<16xi32>
    %sub3A_100 = arith.subi %get3A_97, %sub3A_99 : vector<16xi32>
    %swap3A_101 = arith.constant 144 : index
    %swap3A_102 = tpu.vector_load %arg6[%swap3A_101] {strides = array<i32>} : memref<3200xi32, #tpu.memory_space<vmem>>, vector<16xi32>,
    %swap3A_103 = vector.shape_cast %swap3A_102 : vector<16xi32> to vector<16xi32>
    %swap3A_104 = vector.shape_cast %sub3A_100 : vector<16xi32> to vector<16xi32>
    tpu.vector_store %arg6[%swap3A_101], %swap3A_104 {strides = array<i32>} : memref<3200xi32, #tpu.memory_space<vmem>>, vector<16xi32>,
    %get3A_105 = arith.constant 160 : index
    %get3A_106 = tpu.vector_load %arg6[%get3A_105] {strides = array<i32>} : memref<3200xi32, #tpu.memory_space<vmem>>, vector<16xi32>,
    %get3A_107 = vector.shape_cast %get3A_106 : vector<16xi32> to vector<16xi32>
    %sub3A_108 = arith.constant 1 : i32
    %sub3A_109 = vector.broadcast %sub3A_108 : i32 to vector<16xi32>
    %sub3A_110 = arith.subi %get3A_107, %sub3A_109 : vector<16xi32>
    %swap3A_111 = arith.constant 160 : index
    %swap3A_112 = tpu.vector_load %arg6[%swap3A_111] {strides = array<i32>} : memref<3200xi32, #tpu.memory_space<vmem>>, vector<16xi32>,
    %swap3A_113 = vector.shape_cast %swap3A_112 : vector<16xi32> to vector<16xi32>
    %swap3A_114 = vector.shape_cast %sub3A_110 : vector<16xi32> to vector<16xi32>
    tpu.vector_store %arg6[%swap3A_111], %swap3A_114 {strides = array<i32>} : memref<3200xi32, #tpu.memory_space<vmem>>, vector<16xi32>,
    %get3A_115 = arith.constant 176 : index
    %get3A_116 = tpu.vector_load %arg6[%get3A_115] {strides = array<i32>} : memref<3200xi32, #tpu.memory_space<vmem>>, vector<16xi32>,
    %get3A_117 = vector.shape_cast %get3A_116 : vector<16xi32> to vector<16xi32>
    %sub3A_118 = arith.constant 1 : i32
    %sub3A_119 = vector.broadcast %sub3A_118 : i32 to vector<16xi32>
    %sub3A_120 = arith.subi %get3A_117, %sub3A_119 : vector<16xi32>
    %swap3A_121 = arith.constant 176 : index
    %swap3A_122 = tpu.vector_load %arg6[%swap3A_121] {strides = array<i32>} : memref<3200xi32, #tpu.memory_space<vmem>>, vector<16xi32>,
    %swap3A_123 = vector.shape_cast %swap3A_122 : vector<16xi32> to vector<16xi32>
    %swap3A_124 = vector.shape_cast %sub3A_120 : vector<16xi32> to vector<16xi32>
    tpu.vector_store %arg6[%swap3A_121], %swap3A_124 {strides = array<i32>} : memref<3200xi32, #tpu.memory_space<vmem>>, vector<16xi32>,
    %get3A_125 = arith.constant 192 : index
    %get3A_126 = tpu.vector_load %arg6[%get3A_125] {strides = array<i32>} : memref<3200xi32, #tpu.memory_space<vmem>>, vector<16xi32>,
    %get3A_127 = vector.shape_cast %get3A_126 : vector<16xi32> to vector<16xi32>
    %sub3A_128 = arith.constant 1 : i32
    %sub3A_129 = vector.broadcast %sub3A_128 : i32 to vector<16xi32>
    %sub3A_130 = arith.subi %get3A_127, %sub3A_129 : vector<16xi32>
    %swap3A_131 = arith.constant 192 : index
    %swap3A_132 = tpu.vector_load %arg6[%swap3A_131] {strides = array<i32>} : memref<3200xi32, #tpu.memory_space<vmem>>, vector<16xi32>,
    %swap3A_133 = vector.shape_cast %swap3A_132 : vector<16xi32> to vector<16xi32>
    %swap3A_134 = vector.shape_cast %sub3A_130 : vector<16xi32> to vector<16xi32>
    tpu.vector_store %arg6[%swap3A_131], %swap3A_134 {strides = array<i32>} : memref<3200xi32, #tpu.memory_space<vmem>>, vector<16xi32>,
    %get3A_135 = arith.constant 208 : index
    %get3A_136 = tpu.vector_load %arg6[%get3A_135] {strides = array<i32>} : memref<3200xi32, #tpu.memory_space<vmem>>, vector<16xi32>,
    %get3A_137 = vector.shape_cast %get3A_136 : vector<16xi32> to vector<16xi32>
    %sub3A_138 = arith.constant 1 : i32
    %sub3A_139 = vector.broadcast %sub3A_138 : i32 to vector<16xi32>
    %sub3A_140 = arith.subi %get3A_137, %sub3A_139 : vector<16xi32>
    %swap3A_141 = arith.constant 208 : index
    %swap3A_142 = tpu.vector_load %arg6[%swap3A_141] {strides = array<i32>} : memref<3200xi32, #tpu.memory_space<vmem>>, vector<16xi32>,
    %swap3A_143 = vector.shape_cast %swap3A_142 : vector<16xi32> to vector<16xi32>
    %swap3A_144 = vector.shape_cast %sub3A_140 : vector<16xi32> to vector<16xi32>
    tpu.vector_store %arg6[%swap3A_141], %swap3A_144 {strides = array<i32>} : memref<3200xi32, #tpu.memory_space<vmem>>, vector<16xi32>,
    %get3A_145 = arith.constant 224 : index
    %get3A_146 = tpu.vector_load %arg6[%get3A_145] {strides = array<i32>} : memref<3200xi32, #tpu.memory_space<vmem>>, vector<16xi32>,
    %get3A_147 = vector.shape_cast %get3A_146 : vector<16xi32> to vector<16xi32>
    %sub3A_148 = arith.constant 1 : i32
    %sub3A_149 = vector.broadcast %sub3A_148 : i32 to vector<16xi32>
    %sub3A_150 = arith.subi %get3A_147, %sub3A_149 : vector<16xi32>
    %swap3A_151 = arith.constant 224 : index
    %swap3A_152 = tpu.vector_load %arg6[%swap3A_151] {strides = array<i32>} : memref<3200xi32, #tpu.memory_space<vmem>>, vector<16xi32>,
    %swap3A_153 = vector.shape_cast %swap3A_152 : vector<16xi32> to vector<16xi32>
    %swap3A_154 = vector.shape_cast %sub3A_150 : vector<16xi32> to vector<16xi32>
    tpu.vector_store %arg6[%swap3A_151], %swap3A_154 {strides = array<i32>} : memref<3200xi32, #tpu.memory_space<vmem>>, vector<16xi32>,
    %get3A_155 = arith.constant 240 : index
    %get3A_156 = tpu.vector_load %arg6[%get3A_155] {strides = array<i32>} : memref<3200xi32, #tpu.memory_space<vmem>>, vector<16xi32>,
    %get3A_157 = vector.shape_cast %get3A_156 : vector<16xi32> to vector<16xi32>
    %sub3A_158 = arith.constant 1 : i32
    %sub3A_159 = vector.broadcast %sub3A_158 : i32 to vector<16xi32>
    %sub3A_160 = arith.subi %get3A_157, %sub3A_159 : vector<16xi32>
    %swap3A_161 = arith.constant 240 : index
    %swap3A_162 = tpu.vector_load %arg6[%swap3A_161] {strides = array<i32>} : memref<3200xi32, #tpu.memory_space<vmem>>, vector<16xi32>,
    %swap3A_163 = vector.shape_cast %swap3A_162 : vector<16xi32> to vector<16xi32>
    %swap3A_164 = vector.shape_cast %sub3A_160 : vector<16xi32> to vector<16xi32>
    tpu.vector_store %arg6[%swap3A_161], %swap3A_164 {strides = array<i32>} : memref<3200xi32, #tpu.memory_space<vmem>>, vector<16xi32>,
    %get3A_165 = arith.constant 256 : index
    %get3A_166 = tpu.vector_load %arg6[%get3A_165] {strides = array<i32>} : memref<3200xi32, #tpu.memory_space<vmem>>, vector<16xi32>,
    %get3A_167 = vector.shape_cast %get3A_166 : vector<16xi32> to vector<16xi32>
    %sub3A_168 = arith.constant 1 : i32
    %sub3A_169 = vector.broadcast %sub3A_168 : i32 to vector<16xi32>
    %sub3A_170 = arith.subi %get3A_167, %sub3A_169 : vector<16xi32>
    %swap3A_171 = arith.constant 256 : index
    %swap3A_172 = tpu.vector_load %arg6[%swap3A_171] {strides = array<i32>} : memref<3200xi32, #tpu.memory_space<vmem>>, vector<16xi32>,
    %swap3A_173 = vector.shape_cast %swap3A_172 : vector<16xi32> to vector<16xi32>
    %swap3A_174 = vector.shape_cast %sub3A_170 : vector<16xi32> to vector<16xi32>
    tpu.vector_store %arg6[%swap3A_171], %swap3A_174 {strides = array<i32>} : memref<3200xi32, #tpu.memory_space<vmem>>, vector<16xi32>,
    %get3A_175 = arith.constant 272 : index
    %get3A_176 = tpu.vector_load %arg6[%get3A_175] {strides = array<i32>} : memref<3200xi32, #tpu.memory_space<vmem>>, vector<16xi32>,
    %get3A_177 = vector.shape_cast %get3A_176 : vector<16xi32> to vector<16xi32>
    %sub3A_178 = arith.constant 1 : i32
    %sub3A_179 = vector.broadcast %sub3A_178 : i32 to vector<16xi32>
    %sub3A_180 = arith.subi %get3A_177, %sub3A_179 : vector<16xi32>
    %swap3A_181 = arith.constant 272 : index
    %swap3A_182 = tpu.vector_load %arg6[%swap3A_181] {strides = array<i32>} : memref<3200xi32, #tpu.memory_space<vmem>>, vector<16xi32>,
    %swap3A_183 = vector.shape_cast %swap3A_182 : vector<16xi32> to vector<16xi32>
    %swap3A_184 = vector.shape_cast %sub3A_180 : vector<16xi32> to vector<16xi32>
    tpu.vector_store %arg6[%swap3A_181], %swap3A_184 {strides = array<i32>} : memref<3200xi32, #tpu.memory_space<vmem>>, vector<16xi32>,
    %get3A_185 = arith.constant 288 : index
    %get3A_186 = tpu.vector_load %arg6[%get3A_185] {strides = array<i32>} : memref<3200xi32, #tpu.memory_space<vmem>>, vector<16xi32>,
    %get3A_187 = vector.shape_cast %get3A_186 : vector<16xi32> to vector<16xi32>
    %sub3A_188 = arith.constant 1 : i32
    %sub3A_189 = vector.broadcast %sub3A_188 : i32 to vector<16xi32>
    %sub3A_190 = arith.subi %get3A_187, %sub3A_189 : vector<16xi32>
    %swap3A_191 = arith.constant 288 : index
    %swap3A_192 = tpu.vector_load %arg6[%swap3A_191] {strides = array<i32>} : memref<3200xi32, #tpu.memory_space<vmem>>, vector<16xi32>,
    %swap3A_193 = vector.shape_cast %swap3A_192 : vector<16xi32> to vector<16xi32>
    %swap3A_194 = vector.shape_cast %sub3A_190 : vector<16xi32> to vector<16xi32>
    tpu.vector_store %arg6[%swap3A_191], %swap3A_194 {strides = array<i32>} : memref<3200xi32, #tpu.memory_space<vmem>>, vector<16xi32>,
    %get3A_195 = arith.constant 304 : index
    %get3A_196 = tpu.vector_load %arg6[%get3A_195] {strides = array<i32>} : memref<3200xi32, #tpu.memory_space<vmem>>, vector<16xi32>,
    %get3A_197 = vector.shape_cast %get3A_196 : vector<16xi32> to vector<16xi32>
    %sub3A_198 = arith.constant 1 : i32
    %sub3A_199 = vector.broadcast %sub3A_198 : i32 to vector<16xi32>
    %sub3A_200 = arith.subi %get3A_197, %sub3A_199 : vector<16xi32>
    %swap3A_201 = arith.constant 304 : index
    %swap3A_202 = tpu.vector_load %arg6[%swap3A_201] {strides = array<i32>} : memref<3200xi32, #tpu.memory_space<vmem>>, vector<16xi32>,
    %swap3A_203 = vector.shape_cast %swap3A_202 : vector<16xi32> to vector<16xi32>
    %swap3A_204 = vector.shape_cast %sub3A_200 : vector<16xi32> to vector<16xi32>
    tpu.vector_store %arg6[%swap3A_201], %swap3A_204 {strides = array<i32>} : memref<3200xi32, #tpu.memory_space<vmem>>, vector<16xi32>,
    %get3A_205 = arith.constant 320 : index
    %get3A_206 = tpu.vector_load %arg6[%get3A_205] {strides = array<i32>} : memref<3200xi32, #tpu.memory_space<vmem>>, vector<16xi32>,
    %get3A_207 = vector.shape_cast %get3A_206 : vector<16xi32> to vector<16xi32>
    %sub3A_208 = arith.constant 1 : i32
    %sub3A_209 = vector.broadcast %sub3A_208 : i32 to vector<16xi32>
    %sub3A_210 = arith.subi %get3A_207, %sub3A_209 : vector<16xi32>
    %swap3A_211 = arith.constant 320 : index
    %swap3A_212 = tpu.vector_load %arg6[%swap3A_211] {strides = array<i32>} : memref<3200xi32, #tpu.memory_space<vmem>>, vector<16xi32>,
    %swap3A_213 = vector.shape_cast %swap3A_212 : vector<16xi32> to vector<16xi32>
    %swap3A_214 = vector.shape_cast %sub3A_210 : vector<16xi32> to vector<16xi32>
    tpu.vector_store %arg6[%swap3A_211], %swap3A_214 {strides = array<i32>} : memref<3200xi32, #tpu.memory_space<vmem>>, vector<16xi32>,
    %get3A_215 = arith.constant 336 : index
    %get3A_216 = tpu.vector_load %arg6[%get3A_215] {strides = array<i32>} : memref<3200xi32, #tpu.memory_space<vmem>>, vector<16xi32>,
    %get3A_217 = vector.shape_cast %get3A_216 : vector<16xi32> to vector<16xi32>
    %sub3A_218 = arith.constant 1 : i32
    %sub3A_219 = vector.broadcast %sub3A_218 : i32 to vector<16xi32>
    %sub3A_220 = arith.subi %get3A_217, %sub3A_219 : vector<16xi32>
    %swap3A_221 = arith.constant 336 : index
    %swap3A_222 = tpu.vector_load %arg6[%swap3A_221] {strides = array<i32>} : memref<3200xi32, #tpu.memory_space<vmem>>, vector<16xi32>,
    %swap3A_223 = vector.shape_cast %swap3A_222 : vector<16xi32> to vector<16xi32>
    %swap3A_224 = vector.shape_cast %sub3A_220 : vector<16xi32> to vector<16xi32>
    tpu.vector_store %arg6[%swap3A_221], %swap3A_224 {strides = array<i32>} : memref<3200xi32, #tpu.memory_space<vmem>>, vector<16xi32>,
    %get3A_225 = arith.constant 352 : index
    %get3A_226 = tpu.vector_load %arg6[%get3A_225] {strides = array<i32>} : memref<3200xi32, #tpu.memory_space<vmem>>, vector<16xi32>,
    %get3A_227 = vector.shape_cast %get3A_226 : vector<16xi32> to vector<16xi32>
    %sub3A_228 = arith.constant 1 : i32
    %sub3A_229 = vector.broadcast %sub3A_228 : i32 to vector<16xi32>
    %sub3A_230 = arith.subi %get3A_227, %sub3A_229 : vector<16xi32>
    %swap3A_231 = arith.constant 352 : index
    %swap3A_232 = tpu.vector_load %arg6[%swap3A_231] {strides = array<i32>} : memref<3200xi32, #tpu.memory_space<vmem>>, vector<16xi32>,
    %swap3A_233 = vector.shape_cast %swap3A_232 : vector<16xi32> to vector<16xi32>
    %swap3A_234 = vector.shape_cast %sub3A_230 : vector<16xi32> to vector<16xi32>
    tpu.vector_store %arg6[%swap3A_231], %swap3A_234 {strides = array<i32>} : memref<3200xi32, #tpu.memory_space<vmem>>, vector<16xi32>,
    %get3A_235 = arith.constant 368 : index
    %get3A_236 = tpu.vector_load %arg6[%get3A_235] {strides = array<i32>} : memref<3200xi32, #tpu.memory_space<vmem>>, vector<16xi32>,
    %get3A_237 = vector.shape_cast %get3A_236 : vector<16xi32> to vector<16xi32>
    %sub3A_238 = arith.constant 1 : i32
    %sub3A_239 = vector.broadcast %sub3A_238 : i32 to vector<16xi32>
    %sub3A_240 = arith.subi %get3A_237, %sub3A_239 : vector<16xi32>
    %swap3A_241 = arith.constant 368 : index
    %swap3A_242 = tpu.vector_load %arg6[%swap3A_241] {strides = array<i32>} : memref<3200xi32, #tpu.memory_space<vmem>>, vector<16xi32>,
    %swap3A_243 = vector.shape_cast %swap3A_242 : vector<16xi32> to vector<16xi32>
    %swap3A_244 = vector.shape_cast %sub3A_240 : vector<16xi32> to vector<16xi32>
    tpu.vector_store %arg6[%swap3A_241], %swap3A_244 {strides = array<i32>} : memref<3200xi32, #tpu.memory_space<vmem>>, vector<16xi32>,
    %get3A_245 = arith.constant 384 : index
    %get3A_246 = tpu.vector_load %arg6[%get3A_245] {strides = array<i32>} : memref<3200xi32, #tpu.memory_space<vmem>>, vector<16xi32>,
    %get3A_247 = vector.shape_cast %get3A_246 : vector<16xi32> to vector<16xi32>
    %sub3A_248 = arith.constant 1 : i32
    %sub3A_249 = vector.broadcast %sub3A_248 : i32 to vector<16xi32>
    %sub3A_250 = arith.subi %get3A_247, %sub3A_249 : vector<16xi32>
    %swap3A_251 = arith.constant 384 : index
    %swap3A_252 = tpu.vector_load %arg6[%swap3A_251] {strides = array<i32>} : memref<3200xi32, #tpu.memory_space<vmem>>, vector<16xi32>,
    %swap3A_253 = vector.shape_cast %swap3A_252 : vector<16xi32> to vector<16xi32>
    %swap3A_254 = vector.shape_cast %sub3A_250 : vector<16xi32> to vector<16xi32>
    tpu.vector_store %arg6[%swap3A_251], %swap3A_254 {strides = array<i32>} : memref<3200xi32, #tpu.memory_space<vmem>>, vector<16xi32>,
    %get3A_255 = arith.constant 400 : index
    %get3A_256 = tpu.vector_load %arg6[%get3A_255] {strides = array<i32>} : memref<3200xi32, #tpu.memory_space<vmem>>, vector<16xi32>,
    %get3A_257 = vector.shape_cast %get3A_256 : vector<16xi32> to vector<16xi32>
    %sub3A_258 = arith.constant 1 : i32
    %sub3A_259 = vector.broadcast %sub3A_258 : i32 to vector<16xi32>
    %sub3A_260 = arith.subi %get3A_257, %sub3A_259 : vector<16xi32>
    %swap3A_261 = arith.constant 400 : index
    %swap3A_262 = tpu.vector_load %arg6[%swap3A_261] {strides = array<i32>} : memref<3200xi32, #tpu.memory_space<vmem>>, vector<16xi32>,
    %swap3A_263 = vector.shape_cast %swap3A_262 : vector<16xi32> to vector<16xi32>
    %swap3A_264 = vector.shape_cast %sub3A_260 : vector<16xi32> to vector<16xi32>
    tpu.vector_store %arg6[%swap3A_261], %swap3A_264 {strides = array<i32>} : memref<3200xi32, #tpu.memory_space<vmem>>, vector<16xi32>,
    %get3A_265 = arith.constant 416 : index
    %get3A_266 = tpu.vector_load %arg6[%get3A_265] {strides = array<i32>} : memref<3200xi32, #tpu.memory_space<vmem>>, vector<16xi32>,
    %get3A_267 = vector.shape_cast %get3A_266 : vector<16xi32> to vector<16xi32>
    %sub3A_268 = arith.constant 1 : i32
    %sub3A_269 = vector.broadcast %sub3A_268 : i32 to vector<16xi32>
    %sub3A_270 = arith.subi %get3A_267, %sub3A_269 : vector<16xi32>
    %swap3A_271 = arith.constant 416 : index
    %swap3A_272 = tpu.vector_load %arg6[%swap3A_271] {strides = array<i32>} : memref<3200xi32, #tpu.memory_space<vmem>>, vector<16xi32>,
    %swap3A_273 = vector.shape_cast %swap3A_272 : vector<16xi32> to vector<16xi32>
    %swap3A_274 = vector.shape_cast %sub3A_270 : vector<16xi32> to vector<16xi32>
    tpu.vector_store %arg6[%swap3A_271], %swap3A_274 {strides = array<i32>} : memref<3200xi32, #tpu.memory_space<vmem>>, vector<16xi32>,
    %get3A_275 = arith.constant 432 : index
    %get3A_276 = tpu.vector_load %arg6[%get3A_275] {strides = array<i32>} : memref<3200xi32, #tpu.memory_space<vmem>>, vector<16xi32>,
    %get3A_277 = vector.shape_cast %get3A_276 : vector<16xi32> to vector<16xi32>
    %sub3A_278 = arith.constant 1 : i32
    %sub3A_279 = vector.broadcast %sub3A_278 : i32 to vector<16xi32>
    %sub3A_280 = arith.subi %get3A_277, %sub3A_279 : vector<16xi32>
    %swap3A_281 = arith.constant 432 : index
    %swap3A_282 = tpu.vector_load %arg6[%swap3A_281] {strides = array<i32>} : memref<3200xi32, #tpu.memory_space<vmem>>, vector<16xi32>,
    %swap3A_283 = vector.shape_cast %swap3A_282 : vector<16xi32> to vector<16xi32>
    %swap3A_284 = vector.shape_cast %sub3A_280 : vector<16xi32> to vector<16xi32>
    tpu.vector_store %arg6[%swap3A_281], %swap3A_284 {strides = array<i32>} : memref<3200xi32, #tpu.memory_space<vmem>>, vector<16xi32>,
    %get3A_285 = arith.constant 448 : index
    %get3A_286 = tpu.vector_load %arg6[%get3A_285] {strides = array<i32>} : memref<3200xi32, #tpu.memory_space<vmem>>, vector<16xi32>,
    %get3A_287 = vector.shape_cast %get3A_286 : vector<16xi32> to vector<16xi32>
    %sub3A_288 = arith.constant 1 : i32
    %sub3A_289 = vector.broadcast %sub3A_288 : i32 to vector<16xi32>
    %sub3A_290 = arith.subi %get3A_287, %sub3A_289 : vector<16xi32>
    %swap3A_291 = arith.constant 448 : index
    %swap3A_292 = tpu.vector_load %arg6[%swap3A_291] {strides = array<i32>} : memref<3200xi32, #tpu.memory_space<vmem>>, vector<16xi32>,
    %swap3A_293 = vector.shape_cast %swap3A_292 : vector<16xi32> to vector<16xi32>
    %swap3A_294 = vector.shape_cast %sub3A_290 : vector<16xi32> to vector<16xi32>
    tpu.vector_store %arg6[%swap3A_291], %swap3A_294 {strides = array<i32>} : memref<3200xi32, #tpu.memory_space<vmem>>, vector<16xi32>,
    %get3A_295 = arith.constant 464 : index
    %get3A_296 = tpu.vector_load %arg6[%get3A_295] {strides = array<i32>} : memref<3200xi32, #tpu.memory_space<vmem>>, vector<16xi32>,
    %get3A_297 = vector.shape_cast %get3A_296 : vector<16xi32> to vector<16xi32>
    %sub3A_298 = arith.constant 1 : i32
    %sub3A_299 = vector.broadcast %sub3A_298 : i32 to vector<16xi32>
    %sub3A_300 = arith.subi %get3A_297, %sub3A_299 : vector<16xi32>
    %swap3A_301 = arith.constant 464 : index
    %swap3A_302 = tpu.vector_load %arg6[%swap3A_301] {strides = array<i32>} : memref<3200xi32, #tpu.memory_space<vmem>>, vector<16xi32>,
    %swap3A_303 = vector.shape_cast %swap3A_302 : vector<16xi32> to vector<16xi32>
    %swap3A_304 = vector.shape_cast %sub3A_300 : vector<16xi32> to vector<16xi32>
    tpu.vector_store %arg6[%swap3A_301], %swap3A_304 {strides = array<i32>} : memref<3200xi32, #tpu.memory_space<vmem>>, vector<16xi32>,
    %get3A_305 = arith.constant 480 : index
    %get3A_306 = tpu.vector_load %arg6[%get3A_305] {strides = array<i32>} : memref<3200xi32, #tpu.memory_space<vmem>>, vector<16xi32>,
    %get3A_307 = vector.shape_cast %get3A_306 : vector<16xi32> to vector<16xi32>
    %sub3A_308 = arith.constant 1 : i32
    %sub3A_309 = vector.broadcast %sub3A_308 : i32 to vector<16xi32>
    %sub3A_310 = arith.subi %get3A_307, %sub3A_309 : vector<16xi32>
    %swap3A_311 = arith.constant 480 : index
    %swap3A_312 = tpu.vector_load %arg6[%swap3A_311] {strides = array<i32>} : memref<3200xi32, #tpu.memory_space<vmem>>, vector<16xi32>,
    %swap3A_313 = vector.shape_cast %swap3A_312 : vector<16xi32> to vector<16xi32>
    %swap3A_314 = vector.shape_cast %sub3A_310 : vector<16xi32> to vector<16xi32>
    tpu.vector_store %arg6[%swap3A_311], %swap3A_314 {strides = array<i32>} : memref<3200xi32, #tpu.memory_space<vmem>>, vector<16xi32>,
    %get3A_315 = arith.constant 496 : index
    %get3A_316 = tpu.vector_load %arg6[%get3A_315] {strides = array<i32>} : memref<3200xi32, #tpu.memory_space<vmem>>, vector<16xi32>,
    %get3A_317 = vector.shape_cast %get3A_316 : vector<16xi32> to vector<16xi32>
    %sub3A_318 = arith.constant 1 : i32
    %sub3A_319 = vector.broadcast %sub3A_318 : i32 to vector<16xi32>
    %sub3A_320 = arith.subi %get3A_317, %sub3A_319 : vector<16xi32>
    %swap3A_321 = arith.constant 496 : index
    %swap3A_322 = tpu.vector_load %arg6[%swap3A_321] {strides = array<i32>} : memref<3200xi32, #tpu.memory_space<vmem>>, vector<16xi32>,
    %swap3A_323 = vector.shape_cast %swap3A_322 : vector<16xi32> to vector<16xi32>
    %swap3A_324 = vector.shape_cast %sub3A_320 : vector<16xi32> to vector<16xi32>
    tpu.vector_store %arg6[%swap3A_321], %swap3A_324 {strides = array<i32>} : memref<3200xi32, #tpu.memory_space<vmem>>, vector<16xi32>,
    %get3A_325 = arith.constant 512 : index
    %get3A_326 = tpu.vector_load %arg6[%get3A_325] {strides = array<i32>} : memref<3200xi32, #tpu.memory_space<vmem>>, vector<16xi32>,
    %get3A_327 = vector.shape_cast %get3A_326 : vector<16xi32> to vector<16xi32>
    %sub3A_328 = arith.constant 1 : i32
    %sub3A_329 = vector.broadcast %sub3A_328 : i32 to vector<16xi32>
    %sub3A_330 = arith.subi %get3A_327, %sub3A_329 : vector<16xi32>
    %swap3A_331 = arith.constant 512 : index
    %swap3A_332 = tpu.vector_load %arg6[%swap3A_331] {strides = array<i32>} : memref<3200xi32, #tpu.memory_space<vmem>>, vector<16xi32>,
    %swap3A_333 = vector.shape_cast %swap3A_332 : vector<16xi32> to vector<16xi32>
    %swap3A_334 = vector.shape_cast %sub3A_330 : vector<16xi32> to vector<16xi32>
    tpu.vector_store %arg6[%swap3A_331], %swap3A_334 {strides = array<i32>} : memref<3200xi32, #tpu.memory_space<vmem>>, vector<16xi32>,
    %get3A_335 = arith.constant 528 : index
    %get3A_336 = tpu.vector_load %arg6[%get3A_335] {strides = array<i32>} : memref<3200xi32, #tpu.memory_space<vmem>>, vector<16xi32>,
    %get3A_337 = vector.shape_cast %get3A_336 : vector<16xi32> to vector<16xi32>
    %sub3A_338 = arith.constant 1 : i32
    %sub3A_339 = vector.broadcast %sub3A_338 : i32 to vector<16xi32>
    %sub3A_340 = arith.subi %get3A_337, %sub3A_339 : vector<16xi32>
    %swap3A_341 = arith.constant 528 : index
    %swap3A_342 = tpu.vector_load %arg6[%swap3A_341] {strides = array<i32>} : memref<3200xi32, #tpu.memory_space<vmem>>, vector<16xi32>,
    %swap3A_343 = vector.shape_cast %swap3A_342 : vector<16xi32> to vector<16xi32>
    %swap3A_344 = vector.shape_cast %sub3A_340 : vector<16xi32> to vector<16xi32>
    tpu.vector_store %arg6[%swap3A_341], %swap3A_344 {strides = array<i32>} : memref<3200xi32, #tpu.memory_space<vmem>>, vector<16xi32>,
    %get3A_345 = arith.constant 544 : index
    %get3A_346 = tpu.vector_load %arg6[%get3A_345] {strides = array<i32>} : memref<3200xi32, #tpu.memory_space<vmem>>, vector<16xi32>,
    %get3A_347 = vector.shape_cast %get3A_346 : vector<16xi32> to vector<16xi32>
    %sub3A_348 = arith.constant 1 : i32
    %sub3A_349 = vector.broadcast %sub3A_348 : i32 to vector<16xi32>
    %sub3A_350 = arith.subi %get3A_347, %sub3A_349 : vector<16xi32>
    %swap3A_351 = arith.constant 544 : index
    %swap3A_352 = tpu.vector_load %arg6[%swap3A_351] {strides = array<i32>} : memref<3200xi32, #tpu.memory_space<vmem>>, vector<16xi32>,
    %swap3A_353 = vector.shape_cast %swap3A_352 : vector<16xi32> to vector<16xi32>
    %swap3A_354 = vector.shape_cast %sub3A_350 : vector<16xi32> to vector<16xi32>
    tpu.vector_store %arg6[%swap3A_351], %swap3A_354 {strides = array<i32>} : memref<3200xi32, #tpu.memory_space<vmem>>, vector<16xi32>,
    %get3A_355 = arith.constant 560 : index
    %get3A_356 = tpu.vector_load %arg6[%get3A_355] {strides = array<i32>} : memref<3200xi32, #tpu.memory_space<vmem>>, vector<16xi32>,
    %get3A_357 = vector.shape_cast %get3A_356 : vector<16xi32> to vector<16xi32>
    %sub3A_358 = arith.constant 1 : i32
    %sub3A_359 = vector.broadcast %sub3A_358 : i32 to vector<16xi32>
    %sub3A_360 = arith.subi %get3A_357, %sub3A_359 : vector<16xi32>
    %swap3A_361 = arith.constant 560 : index
    %swap3A_362 = tpu.vector_load %arg6[%swap3A_361] {strides = array<i32>} : memref<3200xi32, #tpu.memory_space<vmem>>, vector<16xi32>,
    %swap3A_363 = vector.shape_cast %swap3A_362 : vector<16xi32> to vector<16xi32>
    %swap3A_364 = vector.shape_cast %sub3A_360 : vector<16xi32> to vector<16xi32>
    tpu.vector_store %arg6[%swap3A_361], %swap3A_364 {strides = array<i32>} : memref<3200xi32, #tpu.memory_space<vmem>>, vector<16xi32>,
    %get3A_365 = arith.constant 576 : index
    %get3A_366 = tpu.vector_load %arg6[%get3A_365] {strides = array<i32>} : memref<3200xi32, #tpu.memory_space<vmem>>, vector<16xi32>,
    %get3A_367 = vector.shape_cast %get3A_366 : vector<16xi32> to vector<16xi32>
    %sub3A_368 = arith.constant 1 : i32
    %sub3A_369 = vector.broadcast %sub3A_368 : i32 to vector<16xi32>
    %sub3A_370 = arith.subi %get3A_367, %sub3A_369 : vector<16xi32>
    %swap3A_371 = arith.constant 576 : index
    %swap3A_372 = tpu.vector_load %arg6[%swap3A_371] {strides = array<i32>} : memref<3200xi32, #tpu.memory_space<vmem>>, vector<16xi32>,
    %swap3A_373 = vector.shape_cast %swap3A_372 : vector<16xi32> to vector<16xi32>
    %swap3A_374 = vector.shape_cast %sub3A_370 : vector<16xi32> to vector<16xi32>
    tpu.vector_store %arg6[%swap3A_371], %swap3A_374 {strides = array<i32>} : memref<3200xi32, #tpu.memory_space<vmem>>, vector<16xi32>,
    %get3A_375 = arith.constant 592 : index
    %get3A_376 = tpu.vector_load %arg6[%get3A_375] {strides = array<i32>} : memref<3200xi32, #tpu.memory_space<vmem>>, vector<16xi32>,
    %get3A_377 = vector.shape_cast %get3A_376 : vector<16xi32> to vector<16xi32>
    %sub3A_378 = arith.constant 1 : i32
    %sub3A_379 = vector.broadcast %sub3A_378 : i32 to vector<16xi32>
    %sub3A_380 = arith.subi %get3A_377, %sub3A_379 : vector<16xi32>
    %swap3A_381 = arith.constant 592 : index
    %swap3A_382 = tpu.vector_load %arg6[%swap3A_381] {strides = array<i32>} : memref<3200xi32, #tpu.memory_space<vmem>>, vector<16xi32>,
    %swap3A_383 = vector.shape_cast %swap3A_382 : vector<16xi32> to vector<16xi32>
    %swap3A_384 = vector.shape_cast %sub3A_380 : vector<16xi32> to vector<16xi32>
    tpu.vector_store %arg6[%swap3A_381], %swap3A_384 {strides = array<i32>} : memref<3200xi32, #tpu.memory_space<vmem>>, vector<16xi32>,
    %get3A_385 = arith.constant 608 : index
    %get3A_386 = tpu.vector_load %arg6[%get3A_385] {strides = array<i32>} : memref<3200xi32, #tpu.memory_space<vmem>>, vector<16xi32>,
    %get3A_387 = vector.shape_cast %get3A_386 : vector<16xi32> to vector<16xi32>
    %sub3A_388 = arith.constant 1 : i32
    %sub3A_389 = vector.broadcast %sub3A_388 : i32 to vector<16xi32>
    %sub3A_390 = arith.subi %get3A_387, %sub3A_389 : vector<16xi32>
    %swap3A_391 = arith.constant 608 : index
    %swap3A_392 = tpu.vector_load %arg6[%swap3A_391] {strides = array<i32>} : memref<3200xi32, #tpu.memory_space<vmem>>, vector<16xi32>,
    %swap3A_393 = vector.shape_cast %swap3A_392 : vector<16xi32> to vector<16xi32>
    %swap3A_394 = vector.shape_cast %sub3A_390 : vector<16xi32> to vector<16xi32>
    tpu.vector_store %arg6[%swap3A_391], %swap3A_394 {strides = array<i32>} : memref<3200xi32, #tpu.memory_space<vmem>>, vector<16xi32>,
    %get3A_395 = arith.constant 624 : index
    %get3A_396 = tpu.vector_load %arg6[%get3A_395] {strides = array<i32>} : memref<3200xi32, #tpu.memory_space<vmem>>, vector<16xi32>,
    %get3A_397 = vector.shape_cast %get3A_396 : vector<16xi32> to vector<16xi32>
    %sub3A_398 = arith.constant 1 : i32
    %sub3A_399 = vector.broadcast %sub3A_398 : i32 to vector<16xi32>
    %sub3A_400 = arith.subi %get3A_397, %sub3A_399 : vector<16xi32>
    %swap3A_401 = arith.constant 624 : index
    %swap3A_402 = tpu.vector_load %arg6[%swap3A_401] {strides = array<i32>} : memref<3200xi32, #tpu.memory_space<vmem>>, vector<16xi32>,
    %swap3A_403 = vector.shape_cast %swap3A_402 : vector<16xi32> to vector<16xi32>
    %swap3A_404 = vector.shape_cast %sub3A_400 : vector<16xi32> to vector<16xi32>
    tpu.vector_store %arg6[%swap3A_401], %swap3A_404 {strides = array<i32>} : memref<3200xi32, #tpu.memory_space<vmem>>, vector<16xi32>,
    %get3A_405 = arith.constant 640 : index
    %get3A_406 = tpu.vector_load %arg6[%get3A_405] {strides = array<i32>} : memref<3200xi32, #tpu.memory_space<vmem>>, vector<16xi32>,
    %get3A_407 = vector.shape_cast %get3A_406 : vector<16xi32> to vector<16xi32>
    %sub3A_408 = arith.constant 1 : i32
    %sub3A_409 = vector.broadcast %sub3A_408 : i32 to vector<16xi32>
    %sub3A_410 = arith.subi %get3A_407, %sub3A_409 : vector<16xi32>
    %swap3A_411 = arith.constant 640 : index
    %swap3A_412 = tpu.vector_load %arg6[%swap3A_411] {strides = array<i32>} : memref<3200xi32, #tpu.memory_space<vmem>>, vector<16xi32>,
    %swap3A_413 = vector.shape_cast %swap3A_412 : vector<16xi32> to vector<16xi32>
    %swap3A_414 = vector.shape_cast %sub3A_410 : vector<16xi32> to vector<16xi32>
    tpu.vector_store %arg6[%swap3A_411], %swap3A_414 {strides = array<i32>} : memref<3200xi32, #tpu.memory_space<vmem>>, vector<16xi32>,
    %get3A_415 = arith.constant 656 : index
    %get3A_416 = tpu.vector_load %arg6[%get3A_415] {strides = array<i32>} : memref<3200xi32, #tpu.memory_space<vmem>>, vector<16xi32>,
    %get3A_417 = vector.shape_cast %get3A_416 : vector<16xi32> to vector<16xi32>
    %sub3A_418 = arith.constant 1 : i32
    %sub3A_419 = vector.broadcast %sub3A_418 : i32 to vector<16xi32>
    %sub3A_420 = arith.subi %get3A_417, %sub3A_419 : vector<16xi32>
    %swap3A_421 = arith.constant 656 : index
    %swap3A_422 = tpu.vector_load %arg6[%swap3A_421] {strides = array<i32>} : memref<3200xi32, #tpu.memory_space<vmem>>, vector<16xi32>,
    %swap3A_423 = vector.shape_cast %swap3A_422 : vector<16xi32> to vector<16xi32>
    %swap3A_424 = vector.shape_cast %sub3A_420 : vector<16xi32> to vector<16xi32>
    tpu.vector_store %arg6[%swap3A_421], %swap3A_424 {strides = array<i32>} : memref<3200xi32, #tpu.memory_space<vmem>>, vector<16xi32>,
    %get3A_425 = arith.constant 672 : index
    %get3A_426 = tpu.vector_load %arg6[%get3A_425] {strides = array<i32>} : memref<3200xi32, #tpu.memory_space<vmem>>, vector<16xi32>,
    %get3A_427 = vector.shape_cast %get3A_426 : vector<16xi32> to vector<16xi32>
    %sub3A_428 = arith.constant 1 : i32
    %sub3A_429 = vector.broadcast %sub3A_428 : i32 to vector<16xi32>
    %sub3A_430 = arith.subi %get3A_427, %sub3A_429 : vector<16xi32>
    %swap3A_431 = arith.constant 672 : index
    %swap3A_432 = tpu.vector_load %arg6[%swap3A_431] {strides = array<i32>} : memref<3200xi32, #tpu.memory_space<vmem>>, vector<16xi32>,
    %swap3A_433 = vector.shape_cast %swap3A_432 : vector<16xi32> to vector<16xi32>
    %swap3A_434 = vector.shape_cast %sub3A_430 : vector<16xi32> to vector<16xi32>
    tpu.vector_store %arg6[%swap3A_431], %swap3A_434 {strides = array<i32>} : memref<3200xi32, #tpu.memory_space<vmem>>, vector<16xi32>,
    %get3A_435 = arith.constant 688 : index
    %get3A_436 = tpu.vector_load %arg6[%get3A_435] {strides = array<i32>} : memref<3200xi32, #tpu.memory_space<vmem>>, vector<16xi32>,
    %get3A_437 = vector.shape_cast %get3A_436 : vector<16xi32> to vector<16xi32>
    %sub3A_438 = arith.constant 1 : i32
    %sub3A_439 = vector.broadcast %sub3A_438 : i32 to vector<16xi32>
    %sub3A_440 = arith.subi %get3A_437, %sub3A_439 : vector<16xi32>
    %swap3A_441 = arith.constant 688 : index
    %swap3A_442 = tpu.vector_load %arg6[%swap3A_441] {strides = array<i32>} : memref<3200xi32, #tpu.memory_space<vmem>>, vector<16xi32>,
    %swap3A_443 = vector.shape_cast %swap3A_442 : vector<16xi32> to vector<16xi32>
    %swap3A_444 = vector.shape_cast %sub3A_440 : vector<16xi32> to vector<16xi32>
    tpu.vector_store %arg6[%swap3A_441], %swap3A_444 {strides = array<i32>} : memref<3200xi32, #tpu.memory_space<vmem>>, vector<16xi32>,
    %get3A_445 = arith.constant 704 : index
    %get3A_446 = tpu.vector_load %arg6[%get3A_445] {strides = array<i32>} : memref<3200xi32, #tpu.memory_space<vmem>>, vector<16xi32>,
    %get3A_447 = vector.shape_cast %get3A_446 : vector<16xi32> to vector<16xi32>
    %sub3A_448 = arith.constant 1 : i32
    %sub3A_449 = vector.broadcast %sub3A_448 : i32 to vector<16xi32>
    %sub3A_450 = arith.subi %get3A_447, %sub3A_449 : vector<16xi32>
    %swap3A_451 = arith.constant 704 : index
    %swap3A_452 = tpu.vector_load %arg6[%swap3A_451] {strides = array<i32>} : memref<3200xi32, #tpu.memory_space<vmem>>, vector<16xi32>,
    %swap3A_453 = vector.shape_cast %swap3A_452 : vector<16xi32> to vector<16xi32>
    %swap3A_454 = vector.shape_cast %sub3A_450 : vector<16xi32> to vector<16xi32>
    tpu.vector_store %arg6[%swap3A_451], %swap3A_454 {strides = array<i32>} : memref<3200xi32, #tpu.memory_space<vmem>>, vector<16xi32>,
    %get3A_455 = arith.constant 720 : index
    %get3A_456 = tpu.vector_load %arg6[%get3A_455] {strides = array<i32>} : memref<3200xi32, #tpu.memory_space<vmem>>, vector<16xi32>,
    %get3A_457 = vector.shape_cast %get3A_456 : vector<16xi32> to vector<16xi32>
    %sub3A_458 = arith.constant 1 : i32
    %sub3A_459 = vector.broadcast %sub3A_458 : i32 to vector<16xi32>
    %sub3A_460 = arith.subi %get3A_457, %sub3A_459 : vector<16xi32>
    %swap3A_461 = arith.constant 720 : index
    %swap3A_462 = tpu.vector_load %arg6[%swap3A_461] {strides = array<i32>} : memref<3200xi32, #tpu.memory_space<vmem>>, vector<16xi32>,
    %swap3A_463 = vector.shape_cast %swap3A_462 : vector<16xi32> to vector<16xi32>
    %swap3A_464 = vector.shape_cast %sub3A_460 : vector<16xi32> to vector<16xi32>
    tpu.vector_store %arg6[%swap3A_461], %swap3A_464 {strides = array<i32>} : memref<3200xi32, #tpu.memory_space<vmem>>, vector<16xi32>,
    %get3A_465 = arith.constant 736 : index
    %get3A_466 = tpu.vector_load %arg6[%get3A_465] {strides = array<i32>} : memref<3200xi32, #tpu.memory_space<vmem>>, vector<16xi32>,
    %get3A_467 = vector.shape_cast %get3A_466 : vector<16xi32> to vector<16xi32>
    %sub3A_468 = arith.constant 1 : i32
    %sub3A_469 = vector.broadcast %sub3A_468 : i32 to vector<16xi32>
    %sub3A_470 = arith.subi %get3A_467, %sub3A_469 : vector<16xi32>
    %swap3A_471 = arith.constant 736 : index
    %swap3A_472 = tpu.vector_load %arg6[%swap3A_471] {strides = array<i32>} : memref<3200xi32, #tpu.memory_space<vmem>>, vector<16xi32>,
    %swap3A_473 = vector.shape_cast %swap3A_472 : vector<16xi32> to vector<16xi32>
    %swap3A_474 = vector.shape_cast %sub3A_470 : vector<16xi32> to vector<16xi32>
    tpu.vector_store %arg6[%swap3A_471], %swap3A_474 {strides = array<i32>} : memref<3200xi32, #tpu.memory_space<vmem>>, vector<16xi32>,
    %get3A_475 = arith.constant 752 : index
    %get3A_476 = tpu.vector_load %arg6[%get3A_475] {strides = array<i32>} : memref<3200xi32, #tpu.memory_space<vmem>>, vector<16xi32>,
    %get3A_477 = vector.shape_cast %get3A_476 : vector<16xi32> to vector<16xi32>
    %sub3A_478 = arith.constant 1 : i32
    %sub3A_479 = vector.broadcast %sub3A_478 : i32 to vector<16xi32>
    %sub3A_480 = arith.subi %get3A_477, %sub3A_479 : vector<16xi32>
    %swap3A_481 = arith.constant 752 : index
    %swap3A_482 = tpu.vector_load %arg6[%swap3A_481] {strides = array<i32>} : memref<3200xi32, #tpu.memory_space<vmem>>, vector<16xi32>,
    %swap3A_483 = vector.shape_cast %swap3A_482 : vector<16xi32> to vector<16xi32>
    %swap3A_484 = vector.shape_cast %sub3A_480 : vector<16xi32> to vector<16xi32>
    tpu.vector_store %arg6[%swap3A_481], %swap3A_484 {strides = array<i32>} : memref<3200xi32, #tpu.memory_space<vmem>>, vector<16xi32>,
    %get3A_485 = arith.constant 768 : index
    %get3A_486 = tpu.vector_load %arg6[%get3A_485] {strides = array<i32>} : memref<3200xi32, #tpu.memory_space<vmem>>, vector<16xi32>,
    %get3A_487 = vector.shape_cast %get3A_486 : vector<16xi32> to vector<16xi32>
    %sub3A_488 = arith.constant 1 : i32
    %sub3A_489 = vector.broadcast %sub3A_488 : i32 to vector<16xi32>
    %sub3A_490 = arith.subi %get3A_487, %sub3A_489 : vector<16xi32>
    %swap3A_491 = arith.constant 768 : index
    %swap3A_492 = tpu.vector_load %arg6[%swap3A_491] {strides = array<i32>} : memref<3200xi32, #tpu.memory_space<vmem>>, vector<16xi32>,
    %swap3A_493 = vector.shape_cast %swap3A_492 : vector<16xi32> to vector<16xi32>
    %swap3A_494 = vector.shape_cast %sub3A_490 : vector<16xi32> to vector<16xi32>
    tpu.vector_store %arg6[%swap3A_491], %swap3A_494 {strides = array<i32>} : memref<3200xi32, #tpu.memory_space<vmem>>, vector<16xi32>,
    %get3A_495 = arith.constant 784 : index
    %get3A_496 = tpu.vector_load %arg6[%get3A_495] {strides = array<i32>} : memref<3200xi32, #tpu.memory_space<vmem>>, vector<16xi32>,
    %get3A_497 = vector.shape_cast %get3A_496 : vector<16xi32> to vector<16xi32>
    %sub3A_498 = arith.constant 1 : i32
    %sub3A_499 = vector.broadcast %sub3A_498 : i32 to vector<16xi32>
    %sub3A_500 = arith.subi %get3A_497, %sub3A_499 : vector<16xi32>
    %swap3A_501 = arith.constant 784 : index
    %swap3A_502 = tpu.vector_load %arg6[%swap3A_501] {strides = array<i32>} : memref<3200xi32, #tpu.memory_space<vmem>>, vector<16xi32>,
    %swap3A_503 = vector.shape_cast %swap3A_502 : vector<16xi32> to vector<16xi32>
    %swap3A_504 = vector.shape_cast %sub3A_500 : vector<16xi32> to vector<16xi32>
    tpu.vector_store %arg6[%swap3A_501], %swap3A_504 {strides = array<i32>} : memref<3200xi32, #tpu.memory_space<vmem>>, vector<16xi32>,
    %get3A_505 = arith.constant 800 : index
    %get3A_506 = tpu.vector_load %arg6[%get3A_505] {strides = array<i32>} : memref<3200xi32, #tpu.memory_space<vmem>>, vector<16xi32>,
    %get3A_507 = vector.shape_cast %get3A_506 : vector<16xi32> to vector<16xi32>
    %sub3A_508 = arith.constant 1 : i32
    %sub3A_509 = vector.broadcast %sub3A_508 : i32 to vector<16xi32>
    %sub3A_510 = arith.subi %get3A_507, %sub3A_509 : vector<16xi32>
    %swap3A_511 = arith.constant 800 : index
    %swap3A_512 = tpu.vector_load %arg6[%swap3A_511] {strides = array<i32>} : memref<3200xi32, #tpu.memory_space<vmem>>, vector<16xi32>,
    %swap3A_513 = vector.shape_cast %swap3A_512 : vector<16xi32> to vector<16xi32>
    %swap3A_514 = vector.shape_cast %sub3A_510 : vector<16xi32> to vector<16xi32>
    tpu.vector_store %arg6[%swap3A_511], %swap3A_514 {strides = array<i32>} : memref<3200xi32, #tpu.memory_space<vmem>>, vector<16xi32>,
    %get3A_515 = arith.constant 816 : index
    %get3A_516 = tpu.vector_load %arg6[%get3A_515] {strides = array<i32>} : memref<3200xi32, #tpu.memory_space<vmem>>, vector<16xi32>,
    %get3A_517 = vector.shape_cast %get3A_516 : vector<16xi32> to vector<16xi32>
    %sub3A_518 = arith.constant 1 : i32
    %sub3A_519 = vector.broadcast %sub3A_518 : i32 to vector<16xi32>
    %sub3A_520 = arith.subi %get3A_517, %sub3A_519 : vector<16xi32>
    %swap3A_521 = arith.constant 816 : index
    %swap3A_522 = tpu.vector_load %arg6[%swap3A_521] {strides = array<i32>} : memref<3200xi32, #tpu.memory_space<vmem>>, vector<16xi32>,
    %swap3A_523 = vector.shape_cast %swap3A_522 : vector<16xi32> to vector<16xi32>
    %swap3A_524 = vector.shape_cast %sub3A_520 : vector<16xi32> to vector<16xi32>
    tpu.vector_store %arg6[%swap3A_521], %swap3A_524 {strides = array<i32>} : memref<3200xi32, #tpu.memory_space<vmem>>, vector<16xi32>,
    %get3A_525 = arith.constant 832 : index
    %get3A_526 = tpu.vector_load %arg6[%get3A_525] {strides = array<i32>} : memref<3200xi32, #tpu.memory_space<vmem>>, vector<16xi32>,
    %get3A_527 = vector.shape_cast %get3A_526 : vector<16xi32> to vector<16xi32>
    %sub3A_528 = arith.constant 1 : i32
    %sub3A_529 = vector.broadcast %sub3A_528 : i32 to vector<16xi32>
    %sub3A_530 = arith.subi %get3A_527, %sub3A_529 : vector<16xi32>
    %swap3A_531 = arith.constant 832 : index
    %swap3A_532 = tpu.vector_load %arg6[%swap3A_531] {strides = array<i32>} : memref<3200xi32, #tpu.memory_space<vmem>>, vector<16xi32>,
    %swap3A_533 = vector.shape_cast %swap3A_532 : vector<16xi32> to vector<16xi32>
    %swap3A_534 = vector.shape_cast %sub3A_530 : vector<16xi32> to vector<16xi32>
    tpu.vector_store %arg6[%swap3A_531], %swap3A_534 {strides = array<i32>} : memref<3200xi32, #tpu.memory_space<vmem>>, vector<16xi32>,
    %get3A_535 = arith.constant 848 : index
    %get3A_536 = tpu.vector_load %arg6[%get3A_535] {strides = array<i32>} : memref<3200xi32, #tpu.memory_space<vmem>>, vector<16xi32>,
    %get3A_537 = vector.shape_cast %get3A_536 : vector<16xi32> to vector<16xi32>
    %sub3A_538 = arith.constant 1 : i32
    %sub3A_539 = vector.broadcast %sub3A_538 : i32 to vector<16xi32>
    %sub3A_540 = arith.subi %get3A_537, %sub3A_539 : vector<16xi32>
    %swap3A_541 = arith.constant 848 : index
    %swap3A_542 = tpu.vector_load %arg6[%swap3A_541] {strides = array<i32>} : memref<3200xi32, #tpu.memory_space<vmem>>, vector<16xi32>,
    %swap3A_543 = vector.shape_cast %swap3A_542 : vector<16xi32> to vector<16xi32>
    %swap3A_544 = vector.shape_cast %sub3A_540 : vector<16xi32> to vector<16xi32>
    tpu.vector_store %arg6[%swap3A_541], %swap3A_544 {strides = array<i32>} : memref<3200xi32, #tpu.memory_space<vmem>>, vector<16xi32>,
    %get3A_545 = arith.constant 864 : index
    %get3A_546 = tpu.vector_load %arg6[%get3A_545] {strides = array<i32>} : memref<3200xi32, #tpu.memory_space<vmem>>, vector<16xi32>,
    %get3A_547 = vector.shape_cast %get3A_546 : vector<16xi32> to vector<16xi32>
    %sub3A_548 = arith.constant 1 : i32
    %sub3A_549 = vector.broadcast %sub3A_548 : i32 to vector<16xi32>
    %sub3A_550 = arith.subi %get3A_547, %sub3A_549 : vector<16xi32>
    %swap3A_551 = arith.constant 864 : index
    %swap3A_552 = tpu.vector_load %arg6[%swap3A_551] {strides = array<i32>} : memref<3200xi32, #tpu.memory_space<vmem>>, vector<16xi32>,
    %swap3A_553 = vector.shape_cast %swap3A_552 : vector<16xi32> to vector<16xi32>
    %swap3A_554 = vector.shape_cast %sub3A_550 : vector<16xi32> to vector<16xi32>
    tpu.vector_store %arg6[%swap3A_551], %swap3A_554 {strides = array<i32>} : memref<3200xi32, #tpu.memory_space<vmem>>, vector<16xi32>,
    %get3A_555 = arith.constant 880 : index
    %get3A_556 = tpu.vector_load %arg6[%get3A_555] {strides = array<i32>} : memref<3200xi32, #tpu.memory_space<vmem>>, vector<16xi32>,
    %get3A_557 = vector.shape_cast %get3A_556 : vector<16xi32> to vector<16xi32>
    %sub3A_558 = arith.constant 1 : i32
    %sub3A_559 = vector.broadcast %sub3A_558 : i32 to vector<16xi32>
    %sub3A_560 = arith.subi %get3A_557, %sub3A_559 : vector<16xi32>
    %swap3A_561 = arith.constant 880 : index
    %swap3A_562 = tpu.vector_load %arg6[%swap3A_561] {strides = array<i32>} : memref<3200xi32, #tpu.memory_space<vmem>>, vector<16xi32>,
    %swap3A_563 = vector.shape_cast %swap3A_562 : vector<16xi32> to vector<16xi32>
    %swap3A_564 = vector.shape_cast %sub3A_560 : vector<16xi32> to vector<16xi32>
    tpu.vector_store %arg6[%swap3A_561], %swap3A_564 {strides = array<i32>} : memref<3200xi32, #tpu.memory_space<vmem>>, vector<16xi32>,
    %get3A_565 = arith.constant 896 : index
    %get3A_566 = tpu.vector_load %arg6[%get3A_565] {strides = array<i32>} : memref<3200xi32, #tpu.memory_space<vmem>>, vector<16xi32>,
    %get3A_567 = vector.shape_cast %get3A_566 : vector<16xi32> to vector<16xi32>
    %sub3A_568 = arith.constant 1 : i32
    %sub3A_569 = vector.broadcast %sub3A_568 : i32 to vector<16xi32>
    %sub3A_570 = arith.subi %get3A_567, %sub3A_569 : vector<16xi32>
    %swap3A_571 = arith.constant 896 : index
    %swap3A_572 = tpu.vector_load %arg6[%swap3A_571] {strides = array<i32>} : memref<3200xi32, #tpu.memory_space<vmem>>, vector<16xi32>,
    %swap3A_573 = vector.shape_cast %swap3A_572 : vector<16xi32> to vector<16xi32>
    %swap3A_574 = vector.shape_cast %sub3A_570 : vector<16xi32> to vector<16xi32>
    tpu.vector_store %arg6[%swap3A_571], %swap3A_574 {strides = array<i32>} : memref<3200xi32, #tpu.memory_space<vmem>>, vector<16xi32>,
    %get3A_575 = arith.constant 912 : index
    %get3A_576 = tpu.vector_load %arg6[%get3A_575] {strides = array<i32>} : memref<3200xi32, #tpu.memory_space<vmem>>, vector<16xi32>,
    %get3A_577 = vector.shape_cast %get3A_576 : vector<16xi32> to vector<16xi32>
    %sub3A_578 = arith.constant 1 : i32
    %sub3A_579 = vector.broadcast %sub3A_578 : i32 to vector<16xi32>
    %sub3A_580 = arith.subi %get3A_577, %sub3A_579 : vector<16xi32>
    %swap3A_581 = arith.constant 912 : index
    %swap3A_582 = tpu.vector_load %arg6[%swap3A_581] {strides = array<i32>} : memref<3200xi32, #tpu.memory_space<vmem>>, vector<16xi32>,
    %swap3A_583 = vector.shape_cast %swap3A_582 : vector<16xi32> to vector<16xi32>
    %swap3A_584 = vector.shape_cast %sub3A_580 : vector<16xi32> to vector<16xi32>
    tpu.vector_store %arg6[%swap3A_581], %swap3A_584 {strides = array<i32>} : memref<3200xi32, #tpu.memory_space<vmem>>, vector<16xi32>,
    %get3A_585 = arith.constant 928 : index
    %get3A_586 = tpu.vector_load %arg6[%get3A_585] {strides = array<i32>} : memref<3200xi32, #tpu.memory_space<vmem>>, vector<16xi32>,
    %get3A_587 = vector.shape_cast %get3A_586 : vector<16xi32> to vector<16xi32>
    %sub3A_588 = arith.constant 1 : i32
    %sub3A_589 = vector.broadcast %sub3A_588 : i32 to vector<16xi32>
    %sub3A_590 = arith.subi %get3A_587, %sub3A_589 : vector<16xi32>
    %swap3A_591 = arith.constant 928 : index
    %swap3A_592 = tpu.vector_load %arg6[%swap3A_591] {strides = array<i32>} : memref<3200xi32, #tpu.memory_space<vmem>>, vector<16xi32>,
    %swap3A_593 = vector.shape_cast %swap3A_592 : vector<16xi32> to vector<16xi32>
    %swap3A_594 = vector.shape_cast %sub3A_590 : vector<16xi32> to vector<16xi32>
    tpu.vector_store %arg6[%swap3A_591], %swap3A_594 {strides = array<i32>} : memref<3200xi32, #tpu.memory_space<vmem>>, vector<16xi32>,
    %get3A_595 = arith.constant 944 : index
    %get3A_596 = tpu.vector_load %arg6[%get3A_595] {strides = array<i32>} : memref<3200xi32, #tpu.memory_space<vmem>>, vector<16xi32>,
    %get3A_597 = vector.shape_cast %get3A_596 : vector<16xi32> to vector<16xi32>
    %sub3A_598 = arith.constant 1 : i32
    %sub3A_599 = vector.broadcast %sub3A_598 : i32 to vector<16xi32>
    %sub3A_600 = arith.subi %get3A_597, %sub3A_599 : vector<16xi32>
    %swap3A_601 = arith.constant 944 : index
    %swap3A_602 = tpu.vector_load %arg6[%swap3A_601] {strides = array<i32>} : memref<3200xi32, #tpu.memory_space<vmem>>, vector<16xi32>,
    %swap3A_603 = vector.shape_cast %swap3A_602 : vector<16xi32> to vector<16xi32>
    %swap3A_604 = vector.shape_cast %sub3A_600 : vector<16xi32> to vector<16xi32>
    tpu.vector_store %arg6[%swap3A_601], %swap3A_604 {strides = array<i32>} : memref<3200xi32, #tpu.memory_space<vmem>>, vector<16xi32>,
    %get3A_605 = arith.constant 960 : index
    %get3A_606 = tpu.vector_load %arg6[%get3A_605] {strides = array<i32>} : memref<3200xi32, #tpu.memory_space<vmem>>, vector<16xi32>,
    %get3A_607 = vector.shape_cast %get3A_606 : vector<16xi32> to vector<16xi32>
    %sub3A_608 = arith.constant 1 : i32
    %sub3A_609 = vector.broadcast %sub3A_608 : i32 to vector<16xi32>
    %sub3A_610 = arith.subi %get3A_607, %sub3A_609 : vector<16xi32>
    %swap3A_611 = arith.constant 960 : index
    %swap3A_612 = tpu.vector_load %arg6[%swap3A_611] {strides = array<i32>} : memref<3200xi32, #tpu.memory_space<vmem>>, vector<16xi32>,
    %swap3A_613 = vector.shape_cast %swap3A_612 : vector<16xi32> to vector<16xi32>
    %swap3A_614 = vector.shape_cast %sub3A_610 : vector<16xi32> to vector<16xi32>
    tpu.vector_store %arg6[%swap3A_611], %swap3A_614 {strides = array<i32>} : memref<3200xi32, #tpu.memory_space<vmem>>, vector<16xi32>,
    %get3A_615 = arith.constant 976 : index
    %get3A_616 = tpu.vector_load %arg6[%get3A_615] {strides = array<i32>} : memref<3200xi32, #tpu.memory_space<vmem>>, vector<16xi32>,
    %get3A_617 = vector.shape_cast %get3A_616 : vector<16xi32> to vector<16xi32>
    %sub3A_618 = arith.constant 1 : i32
    %sub3A_619 = vector.broadcast %sub3A_618 : i32 to vector<16xi32>
    %sub3A_620 = arith.subi %get3A_617, %sub3A_619 : vector<16xi32>
    %swap3A_621 = arith.constant 976 : index
    %swap3A_622 = tpu.vector_load %arg6[%swap3A_621] {strides = array<i32>} : memref<3200xi32, #tpu.memory_space<vmem>>, vector<16xi32>,
    %swap3A_623 = vector.shape_cast %swap3A_622 : vector<16xi32> to vector<16xi32>
    %swap3A_624 = vector.shape_cast %sub3A_620 : vector<16xi32> to vector<16xi32>
    tpu.vector_store %arg6[%swap3A_621], %swap3A_624 {strides = array<i32>} : memref<3200xi32, #tpu.memory_space<vmem>>, vector<16xi32>,
    %get3A_625 = arith.constant 992 : index
    %get3A_626 = tpu.vector_load %arg6[%get3A_625] {strides = array<i32>} : memref<3200xi32, #tpu.memory_space<vmem>>, vector<16xi32>,
    %get3A_627 = vector.shape_cast %get3A_626 : vector<16xi32> to vector<16xi32>
    %sub3A_628 = arith.constant 1 : i32
    %sub3A_629 = vector.broadcast %sub3A_628 : i32 to vector<16xi32>
    %sub3A_630 = arith.subi %get3A_627, %sub3A_629 : vector<16xi32>
    %swap3A_631 = arith.constant 992 : index
    %swap3A_632 = tpu.vector_load %arg6[%swap3A_631] {strides = array<i32>} : memref<3200xi32, #tpu.memory_space<vmem>>, vector<16xi32>,
    %swap3A_633 = vector.shape_cast %swap3A_632 : vector<16xi32> to vector<16xi32>
    %swap3A_634 = vector.shape_cast %sub3A_630 : vector<16xi32> to vector<16xi32>
    tpu.vector_store %arg6[%swap3A_631], %swap3A_634 {strides = array<i32>} : memref<3200xi32, #tpu.memory_space<vmem>>, vector<16xi32>,
    %get3A_635 = arith.constant 1008 : index
    %get3A_636 = tpu.vector_load %arg6[%get3A_635] {strides = array<i32>} : memref<3200xi32, #tpu.memory_space<vmem>>, vector<16xi32>,
    %get3A_637 = vector.shape_cast %get3A_636 : vector<16xi32> to vector<16xi32>
    %sub3A_638 = arith.constant 1 : i32
    %sub3A_639 = vector.broadcast %sub3A_638 : i32 to vector<16xi32>
    %sub3A_640 = arith.subi %get3A_637, %sub3A_639 : vector<16xi32>
    %swap3A_641 = arith.constant 1008 : index
    %swap3A_642 = tpu.vector_load %arg6[%swap3A_641] {strides = array<i32>} : memref<3200xi32, #tpu.memory_space<vmem>>, vector<16xi32>,
    %swap3A_643 = vector.shape_cast %swap3A_642 : vector<16xi32> to vector<16xi32>
    %swap3A_644 = vector.shape_cast %sub3A_640 : vector<16xi32> to vector<16xi32>
    tpu.vector_store %arg6[%swap3A_641], %swap3A_644 {strides = array<i32>} : memref<3200xi32, #tpu.memory_space<vmem>>, vector<16xi32>,
    %get3A_645 = arith.constant 1024 : index
    %get3A_646 = tpu.vector_load %arg6[%get3A_645] {strides = array<i32>} : memref<3200xi32, #tpu.memory_space<vmem>>, vector<16xi32>,
    %get3A_647 = vector.shape_cast %get3A_646 : vector<16xi32> to vector<16xi32>
    %sub3A_648 = arith.constant 1 : i32
    %sub3A_649 = vector.broadcast %sub3A_648 : i32 to vector<16xi32>
    %sub3A_650 = arith.subi %get3A_647, %sub3A_649 : vector<16xi32>
    %swap3A_651 = arith.constant 1024 : index
    %swap3A_652 = tpu.vector_load %arg6[%swap3A_651] {strides = array<i32>} : memref<3200xi32, #tpu.memory_space<vmem>>, vector<16xi32>,
    %swap3A_653 = vector.shape_cast %swap3A_652 : vector<16xi32> to vector<16xi32>
    %swap3A_654 = vector.shape_cast %sub3A_650 : vector<16xi32> to vector<16xi32>
    tpu.vector_store %arg6[%swap3A_651], %swap3A_654 {strides = array<i32>} : memref<3200xi32, #tpu.memory_space<vmem>>, vector<16xi32>,
    %get3A_655 = arith.constant 1040 : index
    %get3A_656 = tpu.vector_load %arg6[%get3A_655] {strides = array<i32>} : memref<3200xi32, #tpu.memory_space<vmem>>, vector<16xi32>,
    %get3A_657 = vector.shape_cast %get3A_656 : vector<16xi32> to vector<16xi32>
    %sub3A_658 = arith.constant 1 : i32
    %sub3A_659 = vector.broadcast %sub3A_658 : i32 to vector<16xi32>
    %sub3A_660 = arith.subi %get3A_657, %sub3A_659 : vector<16xi32>
    %swap3A_661 = arith.constant 1040 : index
    %swap3A_662 = tpu.vector_load %arg6[%swap3A_661] {strides = array<i32>} : memref<3200xi32, #tpu.memory_space<vmem>>, vector<16xi32>,
    %swap3A_663 = vector.shape_cast %swap3A_662 : vector<16xi32> to vector<16xi32>
    %swap3A_664 = vector.shape_cast %sub3A_660 : vector<16xi32> to vector<16xi32>
    tpu.vector_store %arg6[%swap3A_661], %swap3A_664 {strides = array<i32>} : memref<3200xi32, #tpu.memory_space<vmem>>, vector<16xi32>,
    %get3A_665 = arith.constant 1056 : index
    %get3A_666 = tpu.vector_load %arg6[%get3A_665] {strides = array<i32>} : memref<3200xi32, #tpu.memory_space<vmem>>, vector<16xi32>,
    %get3A_667 = vector.shape_cast %get3A_666 : vector<16xi32> to vector<16xi32>
    %sub3A_668 = arith.constant 1 : i32
    %sub3A_669 = vector.broadcast %sub3A_668 : i32 to vector<16xi32>
    %sub3A_670 = arith.subi %get3A_667, %sub3A_669 : vector<16xi32>
    %swap3A_671 = arith.constant 1056 : index
    %swap3A_672 = tpu.vector_load %arg6[%swap3A_671] {strides = array<i32>} : memref<3200xi32, #tpu.memory_space<vmem>>, vector<16xi32>,
    %swap3A_673 = vector.shape_cast %swap3A_672 : vector<16xi32> to vector<16xi32>
    %swap3A_674 = vector.shape_cast %sub3A_670 : vector<16xi32> to vector<16xi32>
    tpu.vector_store %arg6[%swap3A_671], %swap3A_674 {strides = array<i32>} : memref<3200xi32, #tpu.memory_space<vmem>>, vector<16xi32>,
    %get3A_675 = arith.constant 1072 : index
    %get3A_676 = tpu.vector_load %arg6[%get3A_675] {strides = array<i32>} : memref<3200xi32, #tpu.memory_space<vmem>>, vector<16xi32>,
    %get3A_677 = vector.shape_cast %get3A_676 : vector<16xi32> to vector<16xi32>
    %sub3A_678 = arith.constant 1 : i32
    %sub3A_679 = vector.broadcast %sub3A_678 : i32 to vector<16xi32>
    %sub3A_680 = arith.subi %get3A_677, %sub3A_679 : vector<16xi32>
    %swap3A_681 = arith.constant 1072 : index
    %swap3A_682 = tpu.vector_load %arg6[%swap3A_681] {strides = array<i32>} : memref<3200xi32, #tpu.memory_space<vmem>>, vector<16xi32>,
    %swap3A_683 = vector.shape_cast %swap3A_682 : vector<16xi32> to vector<16xi32>
    %swap3A_684 = vector.shape_cast %sub3A_680 : vector<16xi32> to vector<16xi32>
    tpu.vector_store %arg6[%swap3A_681], %swap3A_684 {strides = array<i32>} : memref<3200xi32, #tpu.memory_space<vmem>>, vector<16xi32>,
    %get3A_685 = arith.constant 1088 : index
    %get3A_686 = tpu.vector_load %arg6[%get3A_685] {strides = array<i32>} : memref<3200xi32, #tpu.memory_space<vmem>>, vector<16xi32>,
    %get3A_687 = vector.shape_cast %get3A_686 : vector<16xi32> to vector<16xi32>
    %sub3A_688 = arith.constant 1 : i32
    %sub3A_689 = vector.broadcast %sub3A_688 : i32 to vector<16xi32>
    %sub3A_690 = arith.subi %get3A_687, %sub3A_689 : vector<16xi32>
    %swap3A_691 = arith.constant 1088 : index
    %swap3A_692 = tpu.vector_load %arg6[%swap3A_691] {strides = array<i32>} : memref<3200xi32, #tpu.memory_space<vmem>>, vector<16xi32>,
    %swap3A_693 = vector.shape_cast %swap3A_692 : vector<16xi32> to vector<16xi32>
    %swap3A_694 = vector.shape_cast %sub3A_690 : vector<16xi32> to vector<16xi32>
    tpu.vector_store %arg6[%swap3A_691], %swap3A_694 {strides = array<i32>} : memref<3200xi32, #tpu.memory_space<vmem>>, vector<16xi32>,
    %get3A_695 = arith.constant 1104 : index
    %get3A_696 = tpu.vector_load %arg6[%get3A_695] {strides = array<i32>} : memref<3200xi32, #tpu.memory_space<vmem>>, vector<16xi32>,
    %get3A_697 = vector.shape_cast %get3A_696 : vector<16xi32> to vector<16xi32>
    %sub3A_698 = arith.constant 1 : i32
    %sub3A_699 = vector.broadcast %sub3A_698 : i32 to vector<16xi32>
    %sub3A_700 = arith.subi %get3A_697, %sub3A_699 : vector<16xi32>
    %swap3A_701 = arith.constant 1104 : index
    %swap3A_702 = tpu.vector_load %arg6[%swap3A_701] {strides = array<i32>} : memref<3200xi32, #tpu.memory_space<vmem>>, vector<16xi32>,
    %swap3A_703 = vector.shape_cast %swap3A_702 : vector<16xi32> to vector<16xi32>
    %swap3A_704 = vector.shape_cast %sub3A_700 : vector<16xi32> to vector<16xi32>
    tpu.vector_store %arg6[%swap3A_701], %swap3A_704 {strides = array<i32>} : memref<3200xi32, #tpu.memory_space<vmem>>, vector<16xi32>,
    %get3A_705 = arith.constant 1120 : index
    %get3A_706 = tpu.vector_load %arg6[%get3A_705] {strides = array<i32>} : memref<3200xi32, #tpu.memory_space<vmem>>, vector<16xi32>,
    %get3A_707 = vector.shape_cast %get3A_706 : vector<16xi32> to vector<16xi32>
    %sub3A_708 = arith.constant 1 : i32
    %sub3A_709 = vector.broadcast %sub3A_708 : i32 to vector<16xi32>
    %sub3A_710 = arith.subi %get3A_707, %sub3A_709 : vector<16xi32>
    %swap3A_711 = arith.constant 1120 : index
    %swap3A_712 = tpu.vector_load %arg6[%swap3A_711] {strides = array<i32>} : memref<3200xi32, #tpu.memory_space<vmem>>, vector<16xi32>,
    %swap3A_713 = vector.shape_cast %swap3A_712 : vector<16xi32> to vector<16xi32>
    %swap3A_714 = vector.shape_cast %sub3A_710 : vector<16xi32> to vector<16xi32>
    tpu.vector_store %arg6[%swap3A_711], %swap3A_714 {strides = array<i32>} : memref<3200xi32, #tpu.memory_space<vmem>>, vector<16xi32>,
    %get3A_715 = arith.constant 1136 : index
    %get3A_716 = tpu.vector_load %arg6[%get3A_715] {strides = array<i32>} : memref<3200xi32, #tpu.memory_space<vmem>>, vector<16xi32>,
    %get3A_717 = vector.shape_cast %get3A_716 : vector<16xi32> to vector<16xi32>
    %sub3A_718 = arith.constant 1 : i32
    %sub3A_719 = vector.broadcast %sub3A_718 : i32 to vector<16xi32>
    %sub3A_720 = arith.subi %get3A_717, %sub3A_719 : vector<16xi32>
    %swap3A_721 = arith.constant 1136 : index
    %swap3A_722 = tpu.vector_load %arg6[%swap3A_721] {strides = array<i32>} : memref<3200xi32, #tpu.memory_space<vmem>>, vector<16xi32>,
    %swap3A_723 = vector.shape_cast %swap3A_722 : vector<16xi32> to vector<16xi32>
    %swap3A_724 = vector.shape_cast %sub3A_720 : vector<16xi32> to vector<16xi32>
    tpu.vector_store %arg6[%swap3A_721], %swap3A_724 {strides = array<i32>} : memref<3200xi32, #tpu.memory_space<vmem>>, vector<16xi32>,
    %get3A_725 = arith.constant 1152 : index
    %get3A_726 = tpu.vector_load %arg6[%get3A_725] {strides = array<i32>} : memref<3200xi32, #tpu.memory_space<vmem>>, vector<16xi32>,
    %get3A_727 = vector.shape_cast %get3A_726 : vector<16xi32> to vector<16xi32>
    %sub3A_728 = arith.constant 1 : i32
    %sub3A_729 = vector.broadcast %sub3A_728 : i32 to vector<16xi32>
    %sub3A_730 = arith.subi %get3A_727, %sub3A_729 : vector<16xi32>
    %swap3A_731 = arith.constant 1152 : index
    %swap3A_732 = tpu.vector_load %arg6[%swap3A_731] {strides = array<i32>} : memref<3200xi32, #tpu.memory_space<vmem>>, vector<16xi32>,
    %swap3A_733 = vector.shape_cast %swap3A_732 : vector<16xi32> to vector<16xi32>
    %swap3A_734 = vector.shape_cast %sub3A_730 : vector<16xi32> to vector<16xi32>
    tpu.vector_store %arg6[%swap3A_731], %swap3A_734 {strides = array<i32>} : memref<3200xi32, #tpu.memory_space<vmem>>, vector<16xi32>,
    %get3A_735 = arith.constant 1168 : index
    %get3A_736 = tpu.vector_load %arg6[%get3A_735] {strides = array<i32>} : memref<3200xi32, #tpu.memory_space<vmem>>, vector<16xi32>,
    %get3A_737 = vector.shape_cast %get3A_736 : vector<16xi32> to vector<16xi32>
    %sub3A_738 = arith.constant 1 : i32
    %sub3A_739 = vector.broadcast %sub3A_738 : i32 to vector<16xi32>
    %sub3A_740 = arith.subi %get3A_737, %sub3A_739 : vector<16xi32>
    %swap3A_741 = arith.constant 1168 : index
    %swap3A_742 = tpu.vector_load %arg6[%swap3A_741] {strides = array<i32>} : memref<3200xi32, #tpu.memory_space<vmem>>, vector<16xi32>,
    %swap3A_743 = vector.shape_cast %swap3A_742 : vector<16xi32> to vector<16xi32>
    %swap3A_744 = vector.shape_cast %sub3A_740 : vector<16xi32> to vector<16xi32>
    tpu.vector_store %arg6[%swap3A_741], %swap3A_744 {strides = array<i32>} : memref<3200xi32, #tpu.memory_space<vmem>>, vector<16xi32>,
    %get3A_745 = arith.constant 1184 : index
    %get3A_746 = tpu.vector_load %arg6[%get3A_745] {strides = array<i32>} : memref<3200xi32, #tpu.memory_space<vmem>>, vector<16xi32>,
    %get3A_747 = vector.shape_cast %get3A_746 : vector<16xi32> to vector<16xi32>
    %sub3A_748 = arith.constant 1 : i32
    %sub3A_749 = vector.broadcast %sub3A_748 : i32 to vector<16xi32>
    %sub3A_750 = arith.subi %get3A_747, %sub3A_749 : vector<16xi32>
    %swap3A_751 = arith.constant 1184 : index
    %swap3A_752 = tpu.vector_load %arg6[%swap3A_751] {strides = array<i32>} : memref<3200xi32, #tpu.memory_space<vmem>>, vector<16xi32>,
    %swap3A_753 = vector.shape_cast %swap3A_752 : vector<16xi32> to vector<16xi32>
    %swap3A_754 = vector.shape_cast %sub3A_750 : vector<16xi32> to vector<16xi32>
    tpu.vector_store %arg6[%swap3A_751], %swap3A_754 {strides = array<i32>} : memref<3200xi32, #tpu.memory_space<vmem>>, vector<16xi32>,
    %get3A_755 = arith.constant 1200 : index
    %get3A_756 = tpu.vector_load %arg6[%get3A_755] {strides = array<i32>} : memref<3200xi32, #tpu.memory_space<vmem>>, vector<16xi32>,
    %get3A_757 = vector.shape_cast %get3A_756 : vector<16xi32> to vector<16xi32>
    %sub3A_758 = arith.constant 1 : i32
    %sub3A_759 = vector.broadcast %sub3A_758 : i32 to vector<16xi32>
    %sub3A_760 = arith.subi %get3A_757, %sub3A_759 : vector<16xi32>
    %swap3A_761 = arith.constant 1200 : index
    %swap3A_762 = tpu.vector_load %arg6[%swap3A_761] {strides = array<i32>} : memref<3200xi32, #tpu.memory_space<vmem>>, vector<16xi32>,
    %swap3A_763 = vector.shape_cast %swap3A_762 : vector<16xi32> to vector<16xi32>
    %swap3A_764 = vector.shape_cast %sub3A_760 : vector<16xi32> to vector<16xi32>
    tpu.vector_store %arg6[%swap3A_761], %swap3A_764 {strides = array<i32>} : memref<3200xi32, #tpu.memory_space<vmem>>, vector<16xi32>,
    %get3A_765 = arith.constant 1216 : index
    %get3A_766 = tpu.vector_load %arg6[%get3A_765] {strides = array<i32>} : memref<3200xi32, #tpu.memory_space<vmem>>, vector<16xi32>,
    %get3A_767 = vector.shape_cast %get3A_766 : vector<16xi32> to vector<16xi32>
    %sub3A_768 = arith.constant 1 : i32
    %sub3A_769 = vector.broadcast %sub3A_768 : i32 to vector<16xi32>
    %sub3A_770 = arith.subi %get3A_767, %sub3A_769 : vector<16xi32>
    %swap3A_771 = arith.constant 1216 : index
    %swap3A_772 = tpu.vector_load %arg6[%swap3A_771] {strides = array<i32>} : memref<3200xi32, #tpu.memory_space<vmem>>, vector<16xi32>,
    %swap3A_773 = vector.shape_cast %swap3A_772 : vector<16xi32> to vector<16xi32>
    %swap3A_774 = vector.shape_cast %sub3A_770 : vector<16xi32> to vector<16xi32>
    tpu.vector_store %arg6[%swap3A_771], %swap3A_774 {strides = array<i32>} : memref<3200xi32, #tpu.memory_space<vmem>>, vector<16xi32>,
    %get3A_775 = arith.constant 1232 : index
    %get3A_776 = tpu.vector_load %arg6[%get3A_775] {strides = array<i32>} : memref<3200xi32, #tpu.memory_space<vmem>>, vector<16xi32>,
    %get3A_777 = vector.shape_cast %get3A_776 : vector<16xi32> to vector<16xi32>
    %sub3A_778 = arith.constant 1 : i32
    %sub3A_779 = vector.broadcast %sub3A_778 : i32 to vector<16xi32>
    %sub3A_780 = arith.subi %get3A_777, %sub3A_779 : vector<16xi32>
    %swap3A_781 = arith.constant 1232 : index
    %swap3A_782 = tpu.vector_load %arg6[%swap3A_781] {strides = array<i32>} : memref<3200xi32, #tpu.memory_space<vmem>>, vector<16xi32>,
    %swap3A_783 = vector.shape_cast %swap3A_782 : vector<16xi32> to vector<16xi32>
    %swap3A_784 = vector.shape_cast %sub3A_780 : vector<16xi32> to vector<16xi32>
    tpu.vector_store %arg6[%swap3A_781], %swap3A_784 {strides = array<i32>} : memref<3200xi32, #tpu.memory_space<vmem>>, vector<16xi32>,
    %get3A_785 = arith.constant 1248 : index
    %get3A_786 = tpu.vector_load %arg6[%get3A_785] {strides = array<i32>} : memref<3200xi32, #tpu.memory_space<vmem>>, vector<16xi32>,
    %get3A_787 = vector.shape_cast %get3A_786 : vector<16xi32> to vector<16xi32>
    %sub3A_788 = arith.constant 1 : i32
    %sub3A_789 = vector.broadcast %sub3A_788 : i32 to vector<16xi32>
    %sub3A_790 = arith.subi %get3A_787, %sub3A_789 : vector<16xi32>
    %swap3A_791 = arith.constant 1248 : index
    %swap3A_792 = tpu.vector_load %arg6[%swap3A_791] {strides = array<i32>} : memref<3200xi32, #tpu.memory_space<vmem>>, vector<16xi32>,
    %swap3A_793 = vector.shape_cast %swap3A_792 : vector<16xi32> to vector<16xi32>
    %swap3A_794 = vector.shape_cast %sub3A_790 : vector<16xi32> to vector<16xi32>
    tpu.vector_store %arg6[%swap3A_791], %swap3A_794 {strides = array<i32>} : memref<3200xi32, #tpu.memory_space<vmem>>, vector<16xi32>,
    %get3A_795 = arith.constant 1264 : index
    %get3A_796 = tpu.vector_load %arg6[%get3A_795] {strides = array<i32>} : memref<3200xi32, #tpu.memory_space<vmem>>, vector<16xi32>,
    %get3A_797 = vector.shape_cast %get3A_796 : vector<16xi32> to vector<16xi32>
    %sub3A_798 = arith.constant 1 : i32
    %sub3A_799 = vector.broadcast %sub3A_798 : i32 to vector<16xi32>
    %sub3A_800 = arith.subi %get3A_797, %sub3A_799 : vector<16xi32>
    %swap3A_801 = arith.constant 1264 : index
    %swap3A_802 = tpu.vector_load %arg6[%swap3A_801] {strides = array<i32>} : memref<3200xi32, #tpu.memory_space<vmem>>, vector<16xi32>,
    %swap3A_803 = vector.shape_cast %swap3A_802 : vector<16xi32> to vector<16xi32>
    %swap3A_804 = vector.shape_cast %sub3A_800 : vector<16xi32> to vector<16xi32>
    tpu.vector_store %arg6[%swap3A_801], %swap3A_804 {strides = array<i32>} : memref<3200xi32, #tpu.memory_space<vmem>>, vector<16xi32>,
    %get3A_805 = arith.constant 1280 : index
    %get3A_806 = tpu.vector_load %arg6[%get3A_805] {strides = array<i32>} : memref<3200xi32, #tpu.memory_space<vmem>>, vector<16xi32>,
    %get3A_807 = vector.shape_cast %get3A_806 : vector<16xi32> to vector<16xi32>
    %sub3A_808 = arith.constant 1 : i32
    %sub3A_809 = vector.broadcast %sub3A_808 : i32 to vector<16xi32>
    %sub3A_810 = arith.subi %get3A_807, %sub3A_809 : vector<16xi32>
    %swap3A_811 = arith.constant 1280 : index
    %swap3A_812 = tpu.vector_load %arg6[%swap3A_811] {strides = array<i32>} : memref<3200xi32, #tpu.memory_space<vmem>>, vector<16xi32>,
    %swap3A_813 = vector.shape_cast %swap3A_812 : vector<16xi32> to vector<16xi32>
    %swap3A_814 = vector.shape_cast %sub3A_810 : vector<16xi32> to vector<16xi32>
    tpu.vector_store %arg6[%swap3A_811], %swap3A_814 {strides = array<i32>} : memref<3200xi32, #tpu.memory_space<vmem>>, vector<16xi32>,
    %get3A_815 = arith.constant 1296 : index
    %get3A_816 = tpu.vector_load %arg6[%get3A_815] {strides = array<i32>} : memref<3200xi32, #tpu.memory_space<vmem>>, vector<16xi32>,
    %get3A_817 = vector.shape_cast %get3A_816 : vector<16xi32> to vector<16xi32>
    %sub3A_818 = arith.constant 1 : i32
    %sub3A_819 = vector.broadcast %sub3A_818 : i32 to vector<16xi32>
    %sub3A_820 = arith.subi %get3A_817, %sub3A_819 : vector<16xi32>
    %swap3A_821 = arith.constant 1296 : index
    %swap3A_822 = tpu.vector_load %arg6[%swap3A_821] {strides = array<i32>} : memref<3200xi32, #tpu.memory_space<vmem>>, vector<16xi32>,
    %swap3A_823 = vector.shape_cast %swap3A_822 : vector<16xi32> to vector<16xi32>
    %swap3A_824 = vector.shape_cast %sub3A_820 : vector<16xi32> to vector<16xi32>
    tpu.vector_store %arg6[%swap3A_821], %swap3A_824 {strides = array<i32>} : memref<3200xi32, #tpu.memory_space<vmem>>, vector<16xi32>,
    %get3A_825 = arith.constant 1312 : index
    %get3A_826 = tpu.vector_load %arg6[%get3A_825] {strides = array<i32>} : memref<3200xi32, #tpu.memory_space<vmem>>, vector<16xi32>,
    %get3A_827 = vector.shape_cast %get3A_826 : vector<16xi32> to vector<16xi32>
    %sub3A_828 = arith.constant 1 : i32
    %sub3A_829 = vector.broadcast %sub3A_828 : i32 to vector<16xi32>
    %sub3A_830 = arith.subi %get3A_827, %sub3A_829 : vector<16xi32>
    %swap3A_831 = arith.constant 1312 : index
    %swap3A_832 = tpu.vector_load %arg6[%swap3A_831] {strides = array<i32>} : memref<3200xi32, #tpu.memory_space<vmem>>, vector<16xi32>,
    %swap3A_833 = vector.shape_cast %swap3A_832 : vector<16xi32> to vector<16xi32>
    %swap3A_834 = vector.shape_cast %sub3A_830 : vector<16xi32> to vector<16xi32>
    tpu.vector_store %arg6[%swap3A_831], %swap3A_834 {strides = array<i32>} : memref<3200xi32, #tpu.memory_space<vmem>>, vector<16xi32>,
    %get3A_835 = arith.constant 1328 : index
    %get3A_836 = tpu.vector_load %arg6[%get3A_835] {strides = array<i32>} : memref<3200xi32, #tpu.memory_space<vmem>>, vector<16xi32>,
    %get3A_837 = vector.shape_cast %get3A_836 : vector<16xi32> to vector<16xi32>
    %sub3A_838 = arith.constant 1 : i32
    %sub3A_839 = vector.broadcast %sub3A_838 : i32 to vector<16xi32>
    %sub3A_840 = arith.subi %get3A_837, %sub3A_839 : vector<16xi32>
    %swap3A_841 = arith.constant 1328 : index
    %swap3A_842 = tpu.vector_load %arg6[%swap3A_841] {strides = array<i32>} : memref<3200xi32, #tpu.memory_space<vmem>>, vector<16xi32>,
    %swap3A_843 = vector.shape_cast %swap3A_842 : vector<16xi32> to vector<16xi32>
    %swap3A_844 = vector.shape_cast %sub3A_840 : vector<16xi32> to vector<16xi32>
    tpu.vector_store %arg6[%swap3A_841], %swap3A_844 {strides = array<i32>} : memref<3200xi32, #tpu.memory_space<vmem>>, vector<16xi32>,
    %get3A_845 = arith.constant 1344 : index
    %get3A_846 = tpu.vector_load %arg6[%get3A_845] {strides = array<i32>} : memref<3200xi32, #tpu.memory_space<vmem>>, vector<16xi32>,
    %get3A_847 = vector.shape_cast %get3A_846 : vector<16xi32> to vector<16xi32>
    %sub3A_848 = arith.constant 1 : i32
    %sub3A_849 = vector.broadcast %sub3A_848 : i32 to vector<16xi32>
    %sub3A_850 = arith.subi %get3A_847, %sub3A_849 : vector<16xi32>
    %swap3A_851 = arith.constant 1344 : index
    %swap3A_852 = tpu.vector_load %arg6[%swap3A_851] {strides = array<i32>} : memref<3200xi32, #tpu.memory_space<vmem>>, vector<16xi32>,
    %swap3A_853 = vector.shape_cast %swap3A_852 : vector<16xi32> to vector<16xi32>
    %swap3A_854 = vector.shape_cast %sub3A_850 : vector<16xi32> to vector<16xi32>
    tpu.vector_store %arg6[%swap3A_851], %swap3A_854 {strides = array<i32>} : memref<3200xi32, #tpu.memory_space<vmem>>, vector<16xi32>,
    %get3A_855 = arith.constant 1360 : index
    %get3A_856 = tpu.vector_load %arg6[%get3A_855] {strides = array<i32>} : memref<3200xi32, #tpu.memory_space<vmem>>, vector<16xi32>,
    %get3A_857 = vector.shape_cast %get3A_856 : vector<16xi32> to vector<16xi32>
    %sub3A_858 = arith.constant 1 : i32
    %sub3A_859 = vector.broadcast %sub3A_858 : i32 to vector<16xi32>
    %sub3A_860 = arith.subi %get3A_857, %sub3A_859 : vector<16xi32>
    %swap3A_861 = arith.constant 1360 : index
    %swap3A_862 = tpu.vector_load %arg6[%swap3A_861] {strides = array<i32>} : memref<3200xi32, #tpu.memory_space<vmem>>, vector<16xi32>,
    %swap3A_863 = vector.shape_cast %swap3A_862 : vector<16xi32> to vector<16xi32>
    %swap3A_864 = vector.shape_cast %sub3A_860 : vector<16xi32> to vector<16xi32>
    tpu.vector_store %arg6[%swap3A_861], %swap3A_864 {strides = array<i32>} : memref<3200xi32, #tpu.memory_space<vmem>>, vector<16xi32>,
    %get3A_865 = arith.constant 1376 : index
    %get3A_866 = tpu.vector_load %arg6[%get3A_865] {strides = array<i32>} : memref<3200xi32, #tpu.memory_space<vmem>>, vector<16xi32>,
    %get3A_867 = vector.shape_cast %get3A_866 : vector<16xi32> to vector<16xi32>
    %sub3A_868 = arith.constant 1 : i32
    %sub3A_869 = vector.broadcast %sub3A_868 : i32 to vector<16xi32>
    %sub3A_870 = arith.subi %get3A_867, %sub3A_869 : vector<16xi32>
    %swap3A_871 = arith.constant 1376 : index
    %swap3A_872 = tpu.vector_load %arg6[%swap3A_871] {strides = array<i32>} : memref<3200xi32, #tpu.memory_space<vmem>>, vector<16xi32>,
    %swap3A_873 = vector.shape_cast %swap3A_872 : vector<16xi32> to vector<16xi32>
    %swap3A_874 = vector.shape_cast %sub3A_870 : vector<16xi32> to vector<16xi32>
    tpu.vector_store %arg6[%swap3A_871], %swap3A_874 {strides = array<i32>} : memref<3200xi32, #tpu.memory_space<vmem>>, vector<16xi32>,
    %get3A_875 = arith.constant 1392 : index
    %get3A_876 = tpu.vector_load %arg6[%get3A_875] {strides = array<i32>} : memref<3200xi32, #tpu.memory_space<vmem>>, vector<16xi32>,
    %get3A_877 = vector.shape_cast %get3A_876 : vector<16xi32> to vector<16xi32>
    %sub3A_878 = arith.constant 1 : i32
    %sub3A_879 = vector.broadcast %sub3A_878 : i32 to vector<16xi32>
    %sub3A_880 = arith.subi %get3A_877, %sub3A_879 : vector<16xi32>
    %swap3A_881 = arith.constant 1392 : index
    %swap3A_882 = tpu.vector_load %arg6[%swap3A_881] {strides = array<i32>} : memref<3200xi32, #tpu.memory_space<vmem>>, vector<16xi32>,
    %swap3A_883 = vector.shape_cast %swap3A_882 : vector<16xi32> to vector<16xi32>
    %swap3A_884 = vector.shape_cast %sub3A_880 : vector<16xi32> to vector<16xi32>
    tpu.vector_store %arg6[%swap3A_881], %swap3A_884 {strides = array<i32>} : memref<3200xi32, #tpu.memory_space<vmem>>, vector<16xi32>,
    %get3A_885 = arith.constant 1408 : index
    %get3A_886 = tpu.vector_load %arg6[%get3A_885] {strides = array<i32>} : memref<3200xi32, #tpu.memory_space<vmem>>, vector<16xi32>,
    %get3A_887 = vector.shape_cast %get3A_886 : vector<16xi32> to vector<16xi32>
    %sub3A_888 = arith.constant 1 : i32
    %sub3A_889 = vector.broadcast %sub3A_888 : i32 to vector<16xi32>
    %sub3A_890 = arith.subi %get3A_887, %sub3A_889 : vector<16xi32>
    %swap3A_891 = arith.constant 1408 : index
    %swap3A_892 = tpu.vector_load %arg6[%swap3A_891] {strides = array<i32>} : memref<3200xi32, #tpu.memory_space<vmem>>, vector<16xi32>,
    %swap3A_893 = vector.shape_cast %swap3A_892 : vector<16xi32> to vector<16xi32>
    %swap3A_894 = vector.shape_cast %sub3A_890 : vector<16xi32> to vector<16xi32>
    tpu.vector_store %arg6[%swap3A_891], %swap3A_894 {strides = array<i32>} : memref<3200xi32, #tpu.memory_space<vmem>>, vector<16xi32>,
    %get3A_895 = arith.constant 1424 : index
    %get3A_896 = tpu.vector_load %arg6[%get3A_895] {strides = array<i32>} : memref<3200xi32, #tpu.memory_space<vmem>>, vector<16xi32>,
    %get3A_897 = vector.shape_cast %get3A_896 : vector<16xi32> to vector<16xi32>
    %sub3A_898 = arith.constant 1 : i32
    %sub3A_899 = vector.broadcast %sub3A_898 : i32 to vector<16xi32>
    %sub3A_900 = arith.subi %get3A_897, %sub3A_899 : vector<16xi32>
    %swap3A_901 = arith.constant 1424 : index
    %swap3A_902 = tpu.vector_load %arg6[%swap3A_901] {strides = array<i32>} : memref<3200xi32, #tpu.memory_space<vmem>>, vector<16xi32>,
    %swap3A_903 = vector.shape_cast %swap3A_902 : vector<16xi32> to vector<16xi32>
    %swap3A_904 = vector.shape_cast %sub3A_900 : vector<16xi32> to vector<16xi32>
    tpu.vector_store %arg6[%swap3A_901], %swap3A_904 {strides = array<i32>} : memref<3200xi32, #tpu.memory_space<vmem>>, vector<16xi32>,
    %get3A_905 = arith.constant 1440 : index
    %get3A_906 = tpu.vector_load %arg6[%get3A_905] {strides = array<i32>} : memref<3200xi32, #tpu.memory_space<vmem>>, vector<16xi32>,
    %get3A_907 = vector.shape_cast %get3A_906 : vector<16xi32> to vector<16xi32>
    %sub3A_908 = arith.constant 1 : i32
    %sub3A_909 = vector.broadcast %sub3A_908 : i32 to vector<16xi32>
    %sub3A_910 = arith.subi %get3A_907, %sub3A_909 : vector<16xi32>
    %swap3A_911 = arith.constant 1440 : index
    %swap3A_912 = tpu.vector_load %arg6[%swap3A_911] {strides = array<i32>} : memref<3200xi32, #tpu.memory_space<vmem>>, vector<16xi32>,
    %swap3A_913 = vector.shape_cast %swap3A_912 : vector<16xi32> to vector<16xi32>
    %swap3A_914 = vector.shape_cast %sub3A_910 : vector<16xi32> to vector<16xi32>
    tpu.vector_store %arg6[%swap3A_911], %swap3A_914 {strides = array<i32>} : memref<3200xi32, #tpu.memory_space<vmem>>, vector<16xi32>,
    %get3A_915 = arith.constant 1456 : index
    %get3A_916 = tpu.vector_load %arg6[%get3A_915] {strides = array<i32>} : memref<3200xi32, #tpu.memory_space<vmem>>, vector<16xi32>,
    %get3A_917 = vector.shape_cast %get3A_916 : vector<16xi32> to vector<16xi32>
    %sub3A_918 = arith.constant 1 : i32
    %sub3A_919 = vector.broadcast %sub3A_918 : i32 to vector<16xi32>
    %sub3A_920 = arith.subi %get3A_917, %sub3A_919 : vector<16xi32>
    %swap3A_921 = arith.constant 1456 : index
    %swap3A_922 = tpu.vector_load %arg6[%swap3A_921] {strides = array<i32>} : memref<3200xi32, #tpu.memory_space<vmem>>, vector<16xi32>,
    %swap3A_923 = vector.shape_cast %swap3A_922 : vector<16xi32> to vector<16xi32>
    %swap3A_924 = vector.shape_cast %sub3A_920 : vector<16xi32> to vector<16xi32>
    tpu.vector_store %arg6[%swap3A_921], %swap3A_924 {strides = array<i32>} : memref<3200xi32, #tpu.memory_space<vmem>>, vector<16xi32>,
    %get3A_925 = arith.constant 1472 : index
    %get3A_926 = tpu.vector_load %arg6[%get3A_925] {strides = array<i32>} : memref<3200xi32, #tpu.memory_space<vmem>>, vector<16xi32>,
    %get3A_927 = vector.shape_cast %get3A_926 : vector<16xi32> to vector<16xi32>
    %sub3A_928 = arith.constant 1 : i32
    %sub3A_929 = vector.broadcast %sub3A_928 : i32 to vector<16xi32>
    %sub3A_930 = arith.subi %get3A_927, %sub3A_929 : vector<16xi32>
    %swap3A_931 = arith.constant 1472 : index
    %swap3A_932 = tpu.vector_load %arg6[%swap3A_931] {strides = array<i32>} : memref<3200xi32, #tpu.memory_space<vmem>>, vector<16xi32>,
    %swap3A_933 = vector.shape_cast %swap3A_932 : vector<16xi32> to vector<16xi32>
    %swap3A_934 = vector.shape_cast %sub3A_930 : vector<16xi32> to vector<16xi32>
    tpu.vector_store %arg6[%swap3A_931], %swap3A_934 {strides = array<i32>} : memref<3200xi32, #tpu.memory_space<vmem>>, vector<16xi32>,
    %get3A_935 = arith.constant 1488 : index
    %get3A_936 = tpu.vector_load %arg6[%get3A_935] {strides = array<i32>} : memref<3200xi32, #tpu.memory_space<vmem>>, vector<16xi32>,
    %get3A_937 = vector.shape_cast %get3A_936 : vector<16xi32> to vector<16xi32>
    %sub3A_938 = arith.constant 1 : i32
    %sub3A_939 = vector.broadcast %sub3A_938 : i32 to vector<16xi32>
    %sub3A_940 = arith.subi %get3A_937, %sub3A_939 : vector<16xi32>
    %swap3A_941 = arith.constant 1488 : index
    %swap3A_942 = tpu.vector_load %arg6[%swap3A_941] {strides = array<i32>} : memref<3200xi32, #tpu.memory_space<vmem>>, vector<16xi32>,
    %swap3A_943 = vector.shape_cast %swap3A_942 : vector<16xi32> to vector<16xi32>
    %swap3A_944 = vector.shape_cast %sub3A_940 : vector<16xi32> to vector<16xi32>
    tpu.vector_store %arg6[%swap3A_941], %swap3A_944 {strides = array<i32>} : memref<3200xi32, #tpu.memory_space<vmem>>, vector<16xi32>,
    %get3A_945 = arith.constant 1504 : index
    %get3A_946 = tpu.vector_load %arg6[%get3A_945] {strides = array<i32>} : memref<3200xi32, #tpu.memory_space<vmem>>, vector<16xi32>,
    %get3A_947 = vector.shape_cast %get3A_946 : vector<16xi32> to vector<16xi32>
    %sub3A_948 = arith.constant 1 : i32
    %sub3A_949 = vector.broadcast %sub3A_948 : i32 to vector<16xi32>
    %sub3A_950 = arith.subi %get3A_947, %sub3A_949 : vector<16xi32>
    %swap3A_951 = arith.constant 1504 : index
    %swap3A_952 = tpu.vector_load %arg6[%swap3A_951] {strides = array<i32>} : memref<3200xi32, #tpu.memory_space<vmem>>, vector<16xi32>,
    %swap3A_953 = vector.shape_cast %swap3A_952 : vector<16xi32> to vector<16xi32>
    %swap3A_954 = vector.shape_cast %sub3A_950 : vector<16xi32> to vector<16xi32>
    tpu.vector_store %arg6[%swap3A_951], %swap3A_954 {strides = array<i32>} : memref<3200xi32, #tpu.memory_space<vmem>>, vector<16xi32>,
    %get3A_955 = arith.constant 1520 : index
    %get3A_956 = tpu.vector_load %arg6[%get3A_955] {strides = array<i32>} : memref<3200xi32, #tpu.memory_space<vmem>>, vector<16xi32>,
    %get3A_957 = vector.shape_cast %get3A_956 : vector<16xi32> to vector<16xi32>
    %sub3A_958 = arith.constant 1 : i32
    %sub3A_959 = vector.broadcast %sub3A_958 : i32 to vector<16xi32>
    %sub3A_960 = arith.subi %get3A_957, %sub3A_959 : vector<16xi32>
    %swap3A_961 = arith.constant 1520 : index
    %swap3A_962 = tpu.vector_load %arg6[%swap3A_961] {strides = array<i32>} : memref<3200xi32, #tpu.memory_space<vmem>>, vector<16xi32>,
    %swap3A_963 = vector.shape_cast %swap3A_962 : vector<16xi32> to vector<16xi32>
    %swap3A_964 = vector.shape_cast %sub3A_960 : vector<16xi32> to vector<16xi32>
    tpu.vector_store %arg6[%swap3A_961], %swap3A_964 {strides = array<i32>} : memref<3200xi32, #tpu.memory_space<vmem>>, vector<16xi32>,
    %get3A_965 = arith.constant 1536 : index
    %get3A_966 = tpu.vector_load %arg6[%get3A_965] {strides = array<i32>} : memref<3200xi32, #tpu.memory_space<vmem>>, vector<16xi32>,
    %get3A_967 = vector.shape_cast %get3A_966 : vector<16xi32> to vector<16xi32>
    %sub3A_968 = arith.constant 1 : i32
    %sub3A_969 = vector.broadcast %sub3A_968 : i32 to vector<16xi32>
    %sub3A_970 = arith.subi %get3A_967, %sub3A_969 : vector<16xi32>
    %swap3A_971 = arith.constant 1536 : index
    %swap3A_972 = tpu.vector_load %arg6[%swap3A_971] {strides = array<i32>} : memref<3200xi32, #tpu.memory_space<vmem>>, vector<16xi32>,
    %swap3A_973 = vector.shape_cast %swap3A_972 : vector<16xi32> to vector<16xi32>
    %swap3A_974 = vector.shape_cast %sub3A_970 : vector<16xi32> to vector<16xi32>
    tpu.vector_store %arg6[%swap3A_971], %swap3A_974 {strides = array<i32>} : memref<3200xi32, #tpu.memory_space<vmem>>, vector<16xi32>,
    %get3A_975 = arith.constant 1552 : index
    %get3A_976 = tpu.vector_load %arg6[%get3A_975] {strides = array<i32>} : memref<3200xi32, #tpu.memory_space<vmem>>, vector<16xi32>,
    %get3A_977 = vector.shape_cast %get3A_976 : vector<16xi32> to vector<16xi32>
    %sub3A_978 = arith.constant 1 : i32
    %sub3A_979 = vector.broadcast %sub3A_978 : i32 to vector<16xi32>
    %sub3A_980 = arith.subi %get3A_977, %sub3A_979 : vector<16xi32>
    %swap3A_981 = arith.constant 1552 : index
    %swap3A_982 = tpu.vector_load %arg6[%swap3A_981] {strides = array<i32>} : memref<3200xi32, #tpu.memory_space<vmem>>, vector<16xi32>,
    %swap3A_983 = vector.shape_cast %swap3A_982 : vector<16xi32> to vector<16xi32>
    %swap3A_984 = vector.shape_cast %sub3A_980 : vector<16xi32> to vector<16xi32>
    tpu.vector_store %arg6[%swap3A_981], %swap3A_984 {strides = array<i32>} : memref<3200xi32, #tpu.memory_space<vmem>>, vector<16xi32>,
    %get3A_985 = arith.constant 1568 : index
    %get3A_986 = tpu.vector_load %arg6[%get3A_985] {strides = array<i32>} : memref<3200xi32, #tpu.memory_space<vmem>>, vector<16xi32>,
    %get3A_987 = vector.shape_cast %get3A_986 : vector<16xi32> to vector<16xi32>
    %sub3A_988 = arith.constant 1 : i32
    %sub3A_989 = vector.broadcast %sub3A_988 : i32 to vector<16xi32>
    %sub3A_990 = arith.subi %get3A_987, %sub3A_989 : vector<16xi32>
    %swap3A_991 = arith.constant 1568 : index
    %swap3A_992 = tpu.vector_load %arg6[%swap3A_991] {strides = array<i32>} : memref<3200xi32, #tpu.memory_space<vmem>>, vector<16xi32>,
    %swap3A_993 = vector.shape_cast %swap3A_992 : vector<16xi32> to vector<16xi32>
    %swap3A_994 = vector.shape_cast %sub3A_990 : vector<16xi32> to vector<16xi32>
    tpu.vector_store %arg6[%swap3A_991], %swap3A_994 {strides = array<i32>} : memref<3200xi32, #tpu.memory_space<vmem>>, vector<16xi32>,
    %get3A_995 = arith.constant 1584 : index
    %get3A_996 = tpu.vector_load %arg6[%get3A_995] {strides = array<i32>} : memref<3200xi32, #tpu.memory_space<vmem>>, vector<16xi32>,
    %get3A_997 = vector.shape_cast %get3A_996 : vector<16xi32> to vector<16xi32>
    %sub3A_998 = arith.constant 1 : i32
    %sub3A_999 = vector.broadcast %sub3A_998 : i32 to vector<16xi32>
    %sub3A_1000 = arith.subi %get3A_997, %sub3A_999 : vector<16xi32>
    %swap3A_1001 = arith.constant 1584 : index
    %swap3A_1002 = tpu.vector_load %arg6[%swap3A_1001] {strides = array<i32>} : memref<3200xi32, #tpu.memory_space<vmem>>, vector<16xi32>,
    %swap3A_1003 = vector.shape_cast %swap3A_1002 : vector<16xi32> to vector<16xi32>
    %swap3A_1004 = vector.shape_cast %sub3A_1000 : vector<16xi32> to vector<16xi32>
    tpu.vector_store %arg6[%swap3A_1001], %swap3A_1004 {strides = array<i32>} : memref<3200xi32, #tpu.memory_space<vmem>>, vector<16xi32>,
    %get3A_1005 = arith.constant 1600 : index
    %get3A_1006 = tpu.vector_load %arg6[%get3A_1005] {strides = array<i32>} : memref<3200xi32, #tpu.memory_space<vmem>>, vector<16xi32>,
    %get3A_1007 = vector.shape_cast %get3A_1006 : vector<16xi32> to vector<16xi32>
    %sub3A_1008 = arith.constant 1 : i32
    %sub3A_1009 = vector.broadcast %sub3A_1008 : i32 to vector<16xi32>
    %sub3A_1010 = arith.subi %get3A_1007, %sub3A_1009 : vector<16xi32>
    %swap3A_1011 = arith.constant 1600 : index
    %swap3A_1012 = tpu.vector_load %arg6[%swap3A_1011] {strides = array<i32>} : memref<3200xi32, #tpu.memory_space<vmem>>, vector<16xi32>,
    %swap3A_1013 = vector.shape_cast %swap3A_1012 : vector<16xi32> to vector<16xi32>
    %swap3A_1014 = vector.shape_cast %sub3A_1010 : vector<16xi32> to vector<16xi32>
    tpu.vector_store %arg6[%swap3A_1011], %swap3A_1014 {strides = array<i32>} : memref<3200xi32, #tpu.memory_space<vmem>>, vector<16xi32>,
    %get3A_1015 = arith.constant 1616 : index
    %get3A_1016 = tpu.vector_load %arg6[%get3A_1015] {strides = array<i32>} : memref<3200xi32, #tpu.memory_space<vmem>>, vector<16xi32>,
    %get3A_1017 = vector.shape_cast %get3A_1016 : vector<16xi32> to vector<16xi32>
    %sub3A_1018 = arith.constant 1 : i32
    %sub3A_1019 = vector.broadcast %sub3A_1018 : i32 to vector<16xi32>
    %sub3A_1020 = arith.subi %get3A_1017, %sub3A_1019 : vector<16xi32>
    %swap3A_1021 = arith.constant 1616 : index
    %swap3A_1022 = tpu.vector_load %arg6[%swap3A_1021] {strides = array<i32>} : memref<3200xi32, #tpu.memory_space<vmem>>, vector<16xi32>,
    %swap3A_1023 = vector.shape_cast %swap3A_1022 : vector<16xi32> to vector<16xi32>
    %swap3A_1024 = vector.shape_cast %sub3A_1020 : vector<16xi32> to vector<16xi32>
    tpu.vector_store %arg6[%swap3A_1021], %swap3A_1024 {strides = array<i32>} : memref<3200xi32, #tpu.memory_space<vmem>>, vector<16xi32>,
    %get3A_1025 = arith.constant 1632 : index
    %get3A_1026 = tpu.vector_load %arg6[%get3A_1025] {strides = array<i32>} : memref<3200xi32, #tpu.memory_space<vmem>>, vector<16xi32>,
    %get3A_1027 = vector.shape_cast %get3A_1026 : vector<16xi32> to vector<16xi32>
    %sub3A_1028 = arith.constant 1 : i32
    %sub3A_1029 = vector.broadcast %sub3A_1028 : i32 to vector<16xi32>
    %sub3A_1030 = arith.subi %get3A_1027, %sub3A_1029 : vector<16xi32>
    %swap3A_1031 = arith.constant 1632 : index
    %swap3A_1032 = tpu.vector_load %arg6[%swap3A_1031] {strides = array<i32>} : memref<3200xi32, #tpu.memory_space<vmem>>, vector<16xi32>,
    %swap3A_1033 = vector.shape_cast %swap3A_1032 : vector<16xi32> to vector<16xi32>
    %swap3A_1034 = vector.shape_cast %sub3A_1030 : vector<16xi32> to vector<16xi32>
    tpu.vector_store %arg6[%swap3A_1031], %swap3A_1034 {strides = array<i32>} : memref<3200xi32, #tpu.memory_space<vmem>>, vector<16xi32>,
    %get3A_1035 = arith.constant 1648 : index
    %get3A_1036 = tpu.vector_load %arg6[%get3A_1035] {strides = array<i32>} : memref<3200xi32, #tpu.memory_space<vmem>>, vector<16xi32>,
    %get3A_1037 = vector.shape_cast %get3A_1036 : vector<16xi32> to vector<16xi32>
    %sub3A_1038 = arith.constant 1 : i32
    %sub3A_1039 = vector.broadcast %sub3A_1038 : i32 to vector<16xi32>
    %sub3A_1040 = arith.subi %get3A_1037, %sub3A_1039 : vector<16xi32>
    %swap3A_1041 = arith.constant 1648 : index
    %swap3A_1042 = tpu.vector_load %arg6[%swap3A_1041] {strides = array<i32>} : memref<3200xi32, #tpu.memory_space<vmem>>, vector<16xi32>,
    %swap3A_1043 = vector.shape_cast %swap3A_1042 : vector<16xi32> to vector<16xi32>
    %swap3A_1044 = vector.shape_cast %sub3A_1040 : vector<16xi32> to vector<16xi32>
    tpu.vector_store %arg6[%swap3A_1041], %swap3A_1044 {strides = array<i32>} : memref<3200xi32, #tpu.memory_space<vmem>>, vector<16xi32>,
    %get3A_1045 = arith.constant 1664 : index
    %get3A_1046 = tpu.vector_load %arg6[%get3A_1045] {strides = array<i32>} : memref<3200xi32, #tpu.memory_space<vmem>>, vector<16xi32>,
    %get3A_1047 = vector.shape_cast %get3A_1046 : vector<16xi32> to vector<16xi32>
    %sub3A_1048 = arith.constant 1 : i32
    %sub3A_1049 = vector.broadcast %sub3A_1048 : i32 to vector<16xi32>
    %sub3A_1050 = arith.subi %get3A_1047, %sub3A_1049 : vector<16xi32>
    %swap3A_1051 = arith.constant 1664 : index
    %swap3A_1052 = tpu.vector_load %arg6[%swap3A_1051] {strides = array<i32>} : memref<3200xi32, #tpu.memory_space<vmem>>, vector<16xi32>,
    %swap3A_1053 = vector.shape_cast %swap3A_1052 : vector<16xi32> to vector<16xi32>
    %swap3A_1054 = vector.shape_cast %sub3A_1050 : vector<16xi32> to vector<16xi32>
    tpu.vector_store %arg6[%swap3A_1051], %swap3A_1054 {strides = array<i32>} : memref<3200xi32, #tpu.memory_space<vmem>>, vector<16xi32>,
    %get3A_1055 = arith.constant 1680 : index
    %get3A_1056 = tpu.vector_load %arg6[%get3A_1055] {strides = array<i32>} : memref<3200xi32, #tpu.memory_space<vmem>>, vector<16xi32>,
    %get3A_1057 = vector.shape_cast %get3A_1056 : vector<16xi32> to vector<16xi32>
    %sub3A_1058 = arith.constant 1 : i32
    %sub3A_1059 = vector.broadcast %sub3A_1058 : i32 to vector<16xi32>
    %sub3A_1060 = arith.subi %get3A_1057, %sub3A_1059 : vector<16xi32>
    %swap3A_1061 = arith.constant 1680 : index
    %swap3A_1062 = tpu.vector_load %arg6[%swap3A_1061] {strides = array<i32>} : memref<3200xi32, #tpu.memory_space<vmem>>, vector<16xi32>,
    %swap3A_1063 = vector.shape_cast %swap3A_1062 : vector<16xi32> to vector<16xi32>
    %swap3A_1064 = vector.shape_cast %sub3A_1060 : vector<16xi32> to vector<16xi32>
    tpu.vector_store %arg6[%swap3A_1061], %swap3A_1064 {strides = array<i32>} : memref<3200xi32, #tpu.memory_space<vmem>>, vector<16xi32>,
    %get3A_1065 = arith.constant 1696 : index
    %get3A_1066 = tpu.vector_load %arg6[%get3A_1065] {strides = array<i32>} : memref<3200xi32, #tpu.memory_space<vmem>>, vector<16xi32>,
    %get3A_1067 = vector.shape_cast %get3A_1066 : vector<16xi32> to vector<16xi32>
    %sub3A_1068 = arith.constant 1 : i32
    %sub3A_1069 = vector.broadcast %sub3A_1068 : i32 to vector<16xi32>
    %sub3A_1070 = arith.subi %get3A_1067, %sub3A_1069 : vector<16xi32>
    %swap3A_1071 = arith.constant 1696 : index
    %swap3A_1072 = tpu.vector_load %arg6[%swap3A_1071] {strides = array<i32>} : memref<3200xi32, #tpu.memory_space<vmem>>, vector<16xi32>,
    %swap3A_1073 = vector.shape_cast %swap3A_1072 : vector<16xi32> to vector<16xi32>
    %swap3A_1074 = vector.shape_cast %sub3A_1070 : vector<16xi32> to vector<16xi32>
    tpu.vector_store %arg6[%swap3A_1071], %swap3A_1074 {strides = array<i32>} : memref<3200xi32, #tpu.memory_space<vmem>>, vector<16xi32>,
    %get3A_1075 = arith.constant 1712 : index
    %get3A_1076 = tpu.vector_load %arg6[%get3A_1075] {strides = array<i32>} : memref<3200xi32, #tpu.memory_space<vmem>>, vector<16xi32>,
    %get3A_1077 = vector.shape_cast %get3A_1076 : vector<16xi32> to vector<16xi32>
    %sub3A_1078 = arith.constant 1 : i32
    %sub3A_1079 = vector.broadcast %sub3A_1078 : i32 to vector<16xi32>
    %sub3A_1080 = arith.subi %get3A_1077, %sub3A_1079 : vector<16xi32>
    %swap3A_1081 = arith.constant 1712 : index
    %swap3A_1082 = tpu.vector_load %arg6[%swap3A_1081] {strides = array<i32>} : memref<3200xi32, #tpu.memory_space<vmem>>, vector<16xi32>,
    %swap3A_1083 = vector.shape_cast %swap3A_1082 : vector<16xi32> to vector<16xi32>
    %swap3A_1084 = vector.shape_cast %sub3A_1080 : vector<16xi32> to vector<16xi32>
    tpu.vector_store %arg6[%swap3A_1081], %swap3A_1084 {strides = array<i32>} : memref<3200xi32, #tpu.memory_space<vmem>>, vector<16xi32>,
    %get3A_1085 = arith.constant 1728 : index
    %get3A_1086 = tpu.vector_load %arg6[%get3A_1085] {strides = array<i32>} : memref<3200xi32, #tpu.memory_space<vmem>>, vector<16xi32>,
    %get3A_1087 = vector.shape_cast %get3A_1086 : vector<16xi32> to vector<16xi32>
    %sub3A_1088 = arith.constant 1 : i32
    %sub3A_1089 = vector.broadcast %sub3A_1088 : i32 to vector<16xi32>
    %sub3A_1090 = arith.subi %get3A_1087, %sub3A_1089 : vector<16xi32>
    %swap3A_1091 = arith.constant 1728 : index
    %swap3A_1092 = tpu.vector_load %arg6[%swap3A_1091] {strides = array<i32>} : memref<3200xi32, #tpu.memory_space<vmem>>, vector<16xi32>,
    %swap3A_1093 = vector.shape_cast %swap3A_1092 : vector<16xi32> to vector<16xi32>
    %swap3A_1094 = vector.shape_cast %sub3A_1090 : vector<16xi32> to vector<16xi32>
    tpu.vector_store %arg6[%swap3A_1091], %swap3A_1094 {strides = array<i32>} : memref<3200xi32, #tpu.memory_space<vmem>>, vector<16xi32>,
    %get3A_1095 = arith.constant 1744 : index
    %get3A_1096 = tpu.vector_load %arg6[%get3A_1095] {strides = array<i32>} : memref<3200xi32, #tpu.memory_space<vmem>>, vector<16xi32>,
    %get3A_1097 = vector.shape_cast %get3A_1096 : vector<16xi32> to vector<16xi32>
    %sub3A_1098 = arith.constant 1 : i32
    %sub3A_1099 = vector.broadcast %sub3A_1098 : i32 to vector<16xi32>
    %sub3A_1100 = arith.subi %get3A_1097, %sub3A_1099 : vector<16xi32>
    %swap3A_1101 = arith.constant 1744 : index
    %swap3A_1102 = tpu.vector_load %arg6[%swap3A_1101] {strides = array<i32>} : memref<3200xi32, #tpu.memory_space<vmem>>, vector<16xi32>,
    %swap3A_1103 = vector.shape_cast %swap3A_1102 : vector<16xi32> to vector<16xi32>
    %swap3A_1104 = vector.shape_cast %sub3A_1100 : vector<16xi32> to vector<16xi32>
    tpu.vector_store %arg6[%swap3A_1101], %swap3A_1104 {strides = array<i32>} : memref<3200xi32, #tpu.memory_space<vmem>>, vector<16xi32>,
    %get3A_1105 = arith.constant 1760 : index
    %get3A_1106 = tpu.vector_load %arg6[%get3A_1105] {strides = array<i32>} : memref<3200xi32, #tpu.memory_space<vmem>>, vector<16xi32>,
    %get3A_1107 = vector.shape_cast %get3A_1106 : vector<16xi32> to vector<16xi32>
    %sub3A_1108 = arith.constant 1 : i32
    %sub3A_1109 = vector.broadcast %sub3A_1108 : i32 to vector<16xi32>
    %sub3A_1110 = arith.subi %get3A_1107, %sub3A_1109 : vector<16xi32>
    %swap3A_1111 = arith.constant 1760 : index
    %swap3A_1112 = tpu.vector_load %arg6[%swap3A_1111] {strides = array<i32>} : memref<3200xi32, #tpu.memory_space<vmem>>, vector<16xi32>,
    %swap3A_1113 = vector.shape_cast %swap3A_1112 : vector<16xi32> to vector<16xi32>
    %swap3A_1114 = vector.shape_cast %sub3A_1110 : vector<16xi32> to vector<16xi32>
    tpu.vector_store %arg6[%swap3A_1111], %swap3A_1114 {strides = array<i32>} : memref<3200xi32, #tpu.memory_space<vmem>>, vector<16xi32>,
    %get3A_1115 = arith.constant 1776 : index
    %get3A_1116 = tpu.vector_load %arg6[%get3A_1115] {strides = array<i32>} : memref<3200xi32, #tpu.memory_space<vmem>>, vector<16xi32>,
    %get3A_1117 = vector.shape_cast %get3A_1116 : vector<16xi32> to vector<16xi32>
    %sub3A_1118 = arith.constant 1 : i32
    %sub3A_1119 = vector.broadcast %sub3A_1118 : i32 to vector<16xi32>
    %sub3A_1120 = arith.subi %get3A_1117, %sub3A_1119 : vector<16xi32>
    %swap3A_1121 = arith.constant 1776 : index
    %swap3A_1122 = tpu.vector_load %arg6[%swap3A_1121] {strides = array<i32>} : memref<3200xi32, #tpu.memory_space<vmem>>, vector<16xi32>,
    %swap3A_1123 = vector.shape_cast %swap3A_1122 : vector<16xi32> to vector<16xi32>
    %swap3A_1124 = vector.shape_cast %sub3A_1120 : vector<16xi32> to vector<16xi32>
    tpu.vector_store %arg6[%swap3A_1121], %swap3A_1124 {strides = array<i32>} : memref<3200xi32, #tpu.memory_space<vmem>>, vector<16xi32>,
    %get3A_1125 = arith.constant 1792 : index
    %get3A_1126 = tpu.vector_load %arg6[%get3A_1125] {strides = array<i32>} : memref<3200xi32, #tpu.memory_space<vmem>>, vector<16xi32>,
    %get3A_1127 = vector.shape_cast %get3A_1126 : vector<16xi32> to vector<16xi32>
    %sub3A_1128 = arith.constant 1 : i32
    %sub3A_1129 = vector.broadcast %sub3A_1128 : i32 to vector<16xi32>
    %sub3A_1130 = arith.subi %get3A_1127, %sub3A_1129 : vector<16xi32>
    %swap3A_1131 = arith.constant 1792 : index
    %swap3A_1132 = tpu.vector_load %arg6[%swap3A_1131] {strides = array<i32>} : memref<3200xi32, #tpu.memory_space<vmem>>, vector<16xi32>,
    %swap3A_1133 = vector.shape_cast %swap3A_1132 : vector<16xi32> to vector<16xi32>
    %swap3A_1134 = vector.shape_cast %sub3A_1130 : vector<16xi32> to vector<16xi32>
    tpu.vector_store %arg6[%swap3A_1131], %swap3A_1134 {strides = array<i32>} : memref<3200xi32, #tpu.memory_space<vmem>>, vector<16xi32>,
    %get3A_1135 = arith.constant 1808 : index
    %get3A_1136 = tpu.vector_load %arg6[%get3A_1135] {strides = array<i32>} : memref<3200xi32, #tpu.memory_space<vmem>>, vector<16xi32>,
    %get3A_1137 = vector.shape_cast %get3A_1136 : vector<16xi32> to vector<16xi32>
    %sub3A_1138 = arith.constant 1 : i32
    %sub3A_1139 = vector.broadcast %sub3A_1138 : i32 to vector<16xi32>
    %sub3A_1140 = arith.subi %get3A_1137, %sub3A_1139 : vector<16xi32>
    %swap3A_1141 = arith.constant 1808 : index
    %swap3A_1142 = tpu.vector_load %arg6[%swap3A_1141] {strides = array<i32>} : memref<3200xi32, #tpu.memory_space<vmem>>, vector<16xi32>,
    %swap3A_1143 = vector.shape_cast %swap3A_1142 : vector<16xi32> to vector<16xi32>
    %swap3A_1144 = vector.shape_cast %sub3A_1140 : vector<16xi32> to vector<16xi32>
    tpu.vector_store %arg6[%swap3A_1141], %swap3A_1144 {strides = array<i32>} : memref<3200xi32, #tpu.memory_space<vmem>>, vector<16xi32>,
    %get3A_1145 = arith.constant 1824 : index
    %get3A_1146 = tpu.vector_load %arg6[%get3A_1145] {strides = array<i32>} : memref<3200xi32, #tpu.memory_space<vmem>>, vector<16xi32>,
    %get3A_1147 = vector.shape_cast %get3A_1146 : vector<16xi32> to vector<16xi32>
    %sub3A_1148 = arith.constant 1 : i32
    %sub3A_1149 = vector.broadcast %sub3A_1148 : i32 to vector<16xi32>
    %sub3A_1150 = arith.subi %get3A_1147, %sub3A_1149 : vector<16xi32>
    %swap3A_1151 = arith.constant 1824 : index
    %swap3A_1152 = tpu.vector_load %arg6[%swap3A_1151] {strides = array<i32>} : memref<3200xi32, #tpu.memory_space<vmem>>, vector<16xi32>,
    %swap3A_1153 = vector.shape_cast %swap3A_1152 : vector<16xi32> to vector<16xi32>
    %swap3A_1154 = vector.shape_cast %sub3A_1150 : vector<16xi32> to vector<16xi32>
    tpu.vector_store %arg6[%swap3A_1151], %swap3A_1154 {strides = array<i32>} : memref<3200xi32, #tpu.memory_space<vmem>>, vector<16xi32>,
    %get3A_1155 = arith.constant 1840 : index
    %get3A_1156 = tpu.vector_load %arg6[%get3A_1155] {strides = array<i32>} : memref<3200xi32, #tpu.memory_space<vmem>>, vector<16xi32>,
    %get3A_1157 = vector.shape_cast %get3A_1156 : vector<16xi32> to vector<16xi32>
    %sub3A_1158 = arith.constant 1 : i32
    %sub3A_1159 = vector.broadcast %sub3A_1158 : i32 to vector<16xi32>
    %sub3A_1160 = arith.subi %get3A_1157, %sub3A_1159 : vector<16xi32>
    %swap3A_1161 = arith.constant 1840 : index
    %swap3A_1162 = tpu.vector_load %arg6[%swap3A_1161] {strides = array<i32>} : memref<3200xi32, #tpu.memory_space<vmem>>, vector<16xi32>,
    %swap3A_1163 = vector.shape_cast %swap3A_1162 : vector<16xi32> to vector<16xi32>
    %swap3A_1164 = vector.shape_cast %sub3A_1160 : vector<16xi32> to vector<16xi32>
    tpu.vector_store %arg6[%swap3A_1161], %swap3A_1164 {strides = array<i32>} : memref<3200xi32, #tpu.memory_space<vmem>>, vector<16xi32>,
    %get3A_1165 = arith.constant 1856 : index
    %get3A_1166 = tpu.vector_load %arg6[%get3A_1165] {strides = array<i32>} : memref<3200xi32, #tpu.memory_space<vmem>>, vector<16xi32>,
    %get3A_1167 = vector.shape_cast %get3A_1166 : vector<16xi32> to vector<16xi32>
    %sub3A_1168 = arith.constant 1 : i32
    %sub3A_1169 = vector.broadcast %sub3A_1168 : i32 to vector<16xi32>
    %sub3A_1170 = arith.subi %get3A_1167, %sub3A_1169 : vector<16xi32>
    %swap3A_1171 = arith.constant 1856 : index
    %swap3A_1172 = tpu.vector_load %arg6[%swap3A_1171] {strides = array<i32>} : memref<3200xi32, #tpu.memory_space<vmem>>, vector<16xi32>,
    %swap3A_1173 = vector.shape_cast %swap3A_1172 : vector<16xi32> to vector<16xi32>
    %swap3A_1174 = vector.shape_cast %sub3A_1170 : vector<16xi32> to vector<16xi32>
    tpu.vector_store %arg6[%swap3A_1171], %swap3A_1174 {strides = array<i32>} : memref<3200xi32, #tpu.memory_space<vmem>>, vector<16xi32>,
    %get3A_1175 = arith.constant 1872 : index
    %get3A_1176 = tpu.vector_load %arg6[%get3A_1175] {strides = array<i32>} : memref<3200xi32, #tpu.memory_space<vmem>>, vector<16xi32>,
    %get3A_1177 = vector.shape_cast %get3A_1176 : vector<16xi32> to vector<16xi32>
    %sub3A_1178 = arith.constant 1 : i32
    %sub3A_1179 = vector.broadcast %sub3A_1178 : i32 to vector<16xi32>
    %sub3A_1180 = arith.subi %get3A_1177, %sub3A_1179 : vector<16xi32>
    %swap3A_1181 = arith.constant 1872 : index
    %swap3A_1182 = tpu.vector_load %arg6[%swap3A_1181] {strides = array<i32>} : memref<3200xi32, #tpu.memory_space<vmem>>, vector<16xi32>,
    %swap3A_1183 = vector.shape_cast %swap3A_1182 : vector<16xi32> to vector<16xi32>
    %swap3A_1184 = vector.shape_cast %sub3A_1180 : vector<16xi32> to vector<16xi32>
    tpu.vector_store %arg6[%swap3A_1181], %swap3A_1184 {strides = array<i32>} : memref<3200xi32, #tpu.memory_space<vmem>>, vector<16xi32>,
    %get3A_1185 = arith.constant 1888 : index
    %get3A_1186 = tpu.vector_load %arg6[%get3A_1185] {strides = array<i32>} : memref<3200xi32, #tpu.memory_space<vmem>>, vector<16xi32>,
    %get3A_1187 = vector.shape_cast %get3A_1186 : vector<16xi32> to vector<16xi32>
    %sub3A_1188 = arith.constant 1 : i32
    %sub3A_1189 = vector.broadcast %sub3A_1188 : i32 to vector<16xi32>
    %sub3A_1190 = arith.subi %get3A_1187, %sub3A_1189 : vector<16xi32>
    %swap3A_1191 = arith.constant 1888 : index
    %swap3A_1192 = tpu.vector_load %arg6[%swap3A_1191] {strides = array<i32>} : memref<3200xi32, #tpu.memory_space<vmem>>, vector<16xi32>,
    %swap3A_1193 = vector.shape_cast %swap3A_1192 : vector<16xi32> to vector<16xi32>
    %swap3A_1194 = vector.shape_cast %sub3A_1190 : vector<16xi32> to vector<16xi32>
    tpu.vector_store %arg6[%swap3A_1191], %swap3A_1194 {strides = array<i32>} : memref<3200xi32, #tpu.memory_space<vmem>>, vector<16xi32>,
    %get3A_1195 = arith.constant 1904 : index
    %get3A_1196 = tpu.vector_load %arg6[%get3A_1195] {strides = array<i32>} : memref<3200xi32, #tpu.memory_space<vmem>>, vector<16xi32>,
    %get3A_1197 = vector.shape_cast %get3A_1196 : vector<16xi32> to vector<16xi32>
    %sub3A_1198 = arith.constant 1 : i32
    %sub3A_1199 = vector.broadcast %sub3A_1198 : i32 to vector<16xi32>
    %sub3A_1200 = arith.subi %get3A_1197, %sub3A_1199 : vector<16xi32>
    %swap3A_1201 = arith.constant 1904 : index
    %swap3A_1202 = tpu.vector_load %arg6[%swap3A_1201] {strides = array<i32>} : memref<3200xi32, #tpu.memory_space<vmem>>, vector<16xi32>,
    %swap3A_1203 = vector.shape_cast %swap3A_1202 : vector<16xi32> to vector<16xi32>
    %swap3A_1204 = vector.shape_cast %sub3A_1200 : vector<16xi32> to vector<16xi32>
    tpu.vector_store %arg6[%swap3A_1201], %swap3A_1204 {strides = array<i32>} : memref<3200xi32, #tpu.memory_space<vmem>>, vector<16xi32>,
    %get3A_1205 = arith.constant 1920 : index
    %get3A_1206 = tpu.vector_load %arg6[%get3A_1205] {strides = array<i32>} : memref<3200xi32, #tpu.memory_space<vmem>>, vector<16xi32>,
    %get3A_1207 = vector.shape_cast %get3A_1206 : vector<16xi32> to vector<16xi32>
    %sub3A_1208 = arith.constant 1 : i32
    %sub3A_1209 = vector.broadcast %sub3A_1208 : i32 to vector<16xi32>
    %sub3A_1210 = arith.subi %get3A_1207, %sub3A_1209 : vector<16xi32>
    %swap3A_1211 = arith.constant 1920 : index
    %swap3A_1212 = tpu.vector_load %arg6[%swap3A_1211] {strides = array<i32>} : memref<3200xi32, #tpu.memory_space<vmem>>, vector<16xi32>,
    %swap3A_1213 = vector.shape_cast %swap3A_1212 : vector<16xi32> to vector<16xi32>
    %swap3A_1214 = vector.shape_cast %sub3A_1210 : vector<16xi32> to vector<16xi32>
    tpu.vector_store %arg6[%swap3A_1211], %swap3A_1214 {strides = array<i32>} : memref<3200xi32, #tpu.memory_space<vmem>>, vector<16xi32>,
    %get3A_1215 = arith.constant 1936 : index
    %get3A_1216 = tpu.vector_load %arg6[%get3A_1215] {strides = array<i32>} : memref<3200xi32, #tpu.memory_space<vmem>>, vector<16xi32>,
    %get3A_1217 = vector.shape_cast %get3A_1216 : vector<16xi32> to vector<16xi32>
    %sub3A_1218 = arith.constant 1 : i32
    %sub3A_1219 = vector.broadcast %sub3A_1218 : i32 to vector<16xi32>
    %sub3A_1220 = arith.subi %get3A_1217, %sub3A_1219 : vector<16xi32>
    %swap3A_1221 = arith.constant 1936 : index
    %swap3A_1222 = tpu.vector_load %arg6[%swap3A_1221] {strides = array<i32>} : memref<3200xi32, #tpu.memory_space<vmem>>, vector<16xi32>,
    %swap3A_1223 = vector.shape_cast %swap3A_1222 : vector<16xi32> to vector<16xi32>
    %swap3A_1224 = vector.shape_cast %sub3A_1220 : vector<16xi32> to vector<16xi32>
    tpu.vector_store %arg6[%swap3A_1221], %swap3A_1224 {strides = array<i32>} : memref<3200xi32, #tpu.memory_space<vmem>>, vector<16xi32>,
    %get3A_1225 = arith.constant 1952 : index
    %get3A_1226 = tpu.vector_load %arg6[%get3A_1225] {strides = array<i32>} : memref<3200xi32, #tpu.memory_space<vmem>>, vector<16xi32>,
    %get3A_1227 = vector.shape_cast %get3A_1226 : vector<16xi32> to vector<16xi32>
    %sub3A_1228 = arith.constant 1 : i32
    %sub3A_1229 = vector.broadcast %sub3A_1228 : i32 to vector<16xi32>
    %sub3A_1230 = arith.subi %get3A_1227, %sub3A_1229 : vector<16xi32>
    %swap3A_1231 = arith.constant 1952 : index
    %swap3A_1232 = tpu.vector_load %arg6[%swap3A_1231] {strides = array<i32>} : memref<3200xi32, #tpu.memory_space<vmem>>, vector<16xi32>,
    %swap3A_1233 = vector.shape_cast %swap3A_1232 : vector<16xi32> to vector<16xi32>
    %swap3A_1234 = vector.shape_cast %sub3A_1230 : vector<16xi32> to vector<16xi32>
    tpu.vector_store %arg6[%swap3A_1231], %swap3A_1234 {strides = array<i32>} : memref<3200xi32, #tpu.memory_space<vmem>>, vector<16xi32>,
    %get3A_1235 = arith.constant 1968 : index
    %get3A_1236 = tpu.vector_load %arg6[%get3A_1235] {strides = array<i32>} : memref<3200xi32, #tpu.memory_space<vmem>>, vector<16xi32>,
    %get3A_1237 = vector.shape_cast %get3A_1236 : vector<16xi32> to vector<16xi32>
    %sub3A_1238 = arith.constant 1 : i32
    %sub3A_1239 = vector.broadcast %sub3A_1238 : i32 to vector<16xi32>
    %sub3A_1240 = arith.subi %get3A_1237, %sub3A_1239 : vector<16xi32>
    %swap3A_1241 = arith.constant 1968 : index
    %swap3A_1242 = tpu.vector_load %arg6[%swap3A_1241] {strides = array<i32>} : memref<3200xi32, #tpu.memory_space<vmem>>, vector<16xi32>,
    %swap3A_1243 = vector.shape_cast %swap3A_1242 : vector<16xi32> to vector<16xi32>
    %swap3A_1244 = vector.shape_cast %sub3A_1240 : vector<16xi32> to vector<16xi32>
    tpu.vector_store %arg6[%swap3A_1241], %swap3A_1244 {strides = array<i32>} : memref<3200xi32, #tpu.memory_space<vmem>>, vector<16xi32>,
    %get3A_1245 = arith.constant 1984 : index
    %get3A_1246 = tpu.vector_load %arg6[%get3A_1245] {strides = array<i32>} : memref<3200xi32, #tpu.memory_space<vmem>>, vector<16xi32>,
    %get3A_1247 = vector.shape_cast %get3A_1246 : vector<16xi32> to vector<16xi32>
    %sub3A_1248 = arith.constant 1 : i32
    %sub3A_1249 = vector.broadcast %sub3A_1248 : i32 to vector<16xi32>
    %sub3A_1250 = arith.subi %get3A_1247, %sub3A_1249 : vector<16xi32>
    %swap3A_1251 = arith.constant 1984 : index
    %swap3A_1252 = tpu.vector_load %arg6[%swap3A_1251] {strides = array<i32>} : memref<3200xi32, #tpu.memory_space<vmem>>, vector<16xi32>,
    %swap3A_1253 = vector.shape_cast %swap3A_1252 : vector<16xi32> to vector<16xi32>
    %swap3A_1254 = vector.shape_cast %sub3A_1250 : vector<16xi32> to vector<16xi32>
    tpu.vector_store %arg6[%swap3A_1251], %swap3A_1254 {strides = array<i32>} : memref<3200xi32, #tpu.memory_space<vmem>>, vector<16xi32>,
    %get3A_1255 = arith.constant 2000 : index
    %get3A_1256 = tpu.vector_load %arg6[%get3A_1255] {strides = array<i32>} : memref<3200xi32, #tpu.memory_space<vmem>>, vector<16xi32>,
    %get3A_1257 = vector.shape_cast %get3A_1256 : vector<16xi32> to vector<16xi32>
    %sub3A_1258 = arith.constant 1 : i32
    %sub3A_1259 = vector.broadcast %sub3A_1258 : i32 to vector<16xi32>
    %sub3A_1260 = arith.subi %get3A_1257, %sub3A_1259 : vector<16xi32>
    %swap3A_1261 = arith.constant 2000 : index
    %swap3A_1262 = tpu.vector_load %arg6[%swap3A_1261] {strides = array<i32>} : memref<3200xi32, #tpu.memory_space<vmem>>, vector<16xi32>,
    %swap3A_1263 = vector.shape_cast %swap3A_1262 : vector<16xi32> to vector<16xi32>
    %swap3A_1264 = vector.shape_cast %sub3A_1260 : vector<16xi32> to vector<16xi32>
    tpu.vector_store %arg6[%swap3A_1261], %swap3A_1264 {strides = array<i32>} : memref<3200xi32, #tpu.memory_space<vmem>>, vector<16xi32>,
    %get3A_1265 = arith.constant 2016 : index
    %get3A_1266 = tpu.vector_load %arg6[%get3A_1265] {strides = array<i32>} : memref<3200xi32, #tpu.memory_space<vmem>>, vector<16xi32>,
    %get3A_1267 = vector.shape_cast %get3A_1266 : vector<16xi32> to vector<16xi32>
    %sub3A_1268 = arith.constant 1 : i32
    %sub3A_1269 = vector.broadcast %sub3A_1268 : i32 to vector<16xi32>
    %sub3A_1270 = arith.subi %get3A_1267, %sub3A_1269 : vector<16xi32>
    %swap3A_1271 = arith.constant 2016 : index
    %swap3A_1272 = tpu.vector_load %arg6[%swap3A_1271] {strides = array<i32>} : memref<3200xi32, #tpu.memory_space<vmem>>, vector<16xi32>,
    %swap3A_1273 = vector.shape_cast %swap3A_1272 : vector<16xi32> to vector<16xi32>
    %swap3A_1274 = vector.shape_cast %sub3A_1270 : vector<16xi32> to vector<16xi32>
    tpu.vector_store %arg6[%swap3A_1271], %swap3A_1274 {strides = array<i32>} : memref<3200xi32, #tpu.memory_space<vmem>>, vector<16xi32>,
    %get3A_1275 = arith.constant 2032 : index
    %get3A_1276 = tpu.vector_load %arg6[%get3A_1275] {strides = array<i32>} : memref<3200xi32, #tpu.memory_space<vmem>>, vector<16xi32>,
    %get3A_1277 = vector.shape_cast %get3A_1276 : vector<16xi32> to vector<16xi32>
    %sub3A_1278 = arith.constant 1 : i32
    %sub3A_1279 = vector.broadcast %sub3A_1278 : i32 to vector<16xi32>
    %sub3A_1280 = arith.subi %get3A_1277, %sub3A_1279 : vector<16xi32>
    %swap3A_1281 = arith.constant 2032 : index
    %swap3A_1282 = tpu.vector_load %arg6[%swap3A_1281] {strides = array<i32>} : memref<3200xi32, #tpu.memory_space<vmem>>, vector<16xi32>,
    %swap3A_1283 = vector.shape_cast %swap3A_1282 : vector<16xi32> to vector<16xi32>
    %swap3A_1284 = vector.shape_cast %sub3A_1280 : vector<16xi32> to vector<16xi32>
    tpu.vector_store %arg6[%swap3A_1281], %swap3A_1284 {strides = array<i32>} : memref<3200xi32, #tpu.memory_space<vmem>>, vector<16xi32>,
    %get3A_1285 = arith.constant 2048 : index
    %get3A_1286 = tpu.vector_load %arg6[%get3A_1285] {strides = array<i32>} : memref<3200xi32, #tpu.memory_space<vmem>>, vector<16xi32>,
    %get3A_1287 = vector.shape_cast %get3A_1286 : vector<16xi32> to vector<16xi32>
    %sub3A_1288 = arith.constant 1 : i32
    %sub3A_1289 = vector.broadcast %sub3A_1288 : i32 to vector<16xi32>
    %sub3A_1290 = arith.subi %get3A_1287, %sub3A_1289 : vector<16xi32>
    %swap3A_1291 = arith.constant 2048 : index
    %swap3A_1292 = tpu.vector_load %arg6[%swap3A_1291] {strides = array<i32>} : memref<3200xi32, #tpu.memory_space<vmem>>, vector<16xi32>,
    %swap3A_1293 = vector.shape_cast %swap3A_1292 : vector<16xi32> to vector<16xi32>
    %swap3A_1294 = vector.shape_cast %sub3A_1290 : vector<16xi32> to vector<16xi32>
    tpu.vector_store %arg6[%swap3A_1291], %swap3A_1294 {strides = array<i32>} : memref<3200xi32, #tpu.memory_space<vmem>>, vector<16xi32>,
    %get3A_1295 = arith.constant 2064 : index
    %get3A_1296 = tpu.vector_load %arg6[%get3A_1295] {strides = array<i32>} : memref<3200xi32, #tpu.memory_space<vmem>>, vector<16xi32>,
    %get3A_1297 = vector.shape_cast %get3A_1296 : vector<16xi32> to vector<16xi32>
    %sub3A_1298 = arith.constant 1 : i32
    %sub3A_1299 = vector.broadcast %sub3A_1298 : i32 to vector<16xi32>
    %sub3A_1300 = arith.subi %get3A_1297, %sub3A_1299 : vector<16xi32>
    %swap3A_1301 = arith.constant 2064 : index
    %swap3A_1302 = tpu.vector_load %arg6[%swap3A_1301] {strides = array<i32>} : memref<3200xi32, #tpu.memory_space<vmem>>, vector<16xi32>,
    %swap3A_1303 = vector.shape_cast %swap3A_1302 : vector<16xi32> to vector<16xi32>
    %swap3A_1304 = vector.shape_cast %sub3A_1300 : vector<16xi32> to vector<16xi32>
    tpu.vector_store %arg6[%swap3A_1301], %swap3A_1304 {strides = array<i32>} : memref<3200xi32, #tpu.memory_space<vmem>>, vector<16xi32>,
    %get3A_1305 = arith.constant 2080 : index
    %get3A_1306 = tpu.vector_load %arg6[%get3A_1305] {strides = array<i32>} : memref<3200xi32, #tpu.memory_space<vmem>>, vector<16xi32>,
    %get3A_1307 = vector.shape_cast %get3A_1306 : vector<16xi32> to vector<16xi32>
    %sub3A_1308 = arith.constant 1 : i32
    %sub3A_1309 = vector.broadcast %sub3A_1308 : i32 to vector<16xi32>
    %sub3A_1310 = arith.subi %get3A_1307, %sub3A_1309 : vector<16xi32>
    %swap3A_1311 = arith.constant 2080 : index
    %swap3A_1312 = tpu.vector_load %arg6[%swap3A_1311] {strides = array<i32>} : memref<3200xi32, #tpu.memory_space<vmem>>, vector<16xi32>,
    %swap3A_1313 = vector.shape_cast %swap3A_1312 : vector<16xi32> to vector<16xi32>
    %swap3A_1314 = vector.shape_cast %sub3A_1310 : vector<16xi32> to vector<16xi32>
    tpu.vector_store %arg6[%swap3A_1311], %swap3A_1314 {strides = array<i32>} : memref<3200xi32, #tpu.memory_space<vmem>>, vector<16xi32>,
    %get3A_1315 = arith.constant 2096 : index
    %get3A_1316 = tpu.vector_load %arg6[%get3A_1315] {strides = array<i32>} : memref<3200xi32, #tpu.memory_space<vmem>>, vector<16xi32>,
    %get3A_1317 = vector.shape_cast %get3A_1316 : vector<16xi32> to vector<16xi32>
    %sub3A_1318 = arith.constant 1 : i32
    %sub3A_1319 = vector.broadcast %sub3A_1318 : i32 to vector<16xi32>
    %sub3A_1320 = arith.subi %get3A_1317, %sub3A_1319 : vector<16xi32>
    %swap3A_1321 = arith.constant 2096 : index
    %swap3A_1322 = tpu.vector_load %arg6[%swap3A_1321] {strides = array<i32>} : memref<3200xi32, #tpu.memory_space<vmem>>, vector<16xi32>,
    %swap3A_1323 = vector.shape_cast %swap3A_1322 : vector<16xi32> to vector<16xi32>
    %swap3A_1324 = vector.shape_cast %sub3A_1320 : vector<16xi32> to vector<16xi32>
    tpu.vector_store %arg6[%swap3A_1321], %swap3A_1324 {strides = array<i32>} : memref<3200xi32, #tpu.memory_space<vmem>>, vector<16xi32>,
    %get3A_1325 = arith.constant 2112 : index
    %get3A_1326 = tpu.vector_load %arg6[%get3A_1325] {strides = array<i32>} : memref<3200xi32, #tpu.memory_space<vmem>>, vector<16xi32>,
    %get3A_1327 = vector.shape_cast %get3A_1326 : vector<16xi32> to vector<16xi32>
    %sub3A_1328 = arith.constant 1 : i32
    %sub3A_1329 = vector.broadcast %sub3A_1328 : i32 to vector<16xi32>
    %sub3A_1330 = arith.subi %get3A_1327, %sub3A_1329 : vector<16xi32>
    %swap3A_1331 = arith.constant 2112 : index
    %swap3A_1332 = tpu.vector_load %arg6[%swap3A_1331] {strides = array<i32>} : memref<3200xi32, #tpu.memory_space<vmem>>, vector<16xi32>,
    %swap3A_1333 = vector.shape_cast %swap3A_1332 : vector<16xi32> to vector<16xi32>
    %swap3A_1334 = vector.shape_cast %sub3A_1330 : vector<16xi32> to vector<16xi32>
    tpu.vector_store %arg6[%swap3A_1331], %swap3A_1334 {strides = array<i32>} : memref<3200xi32, #tpu.memory_space<vmem>>, vector<16xi32>,
    %get3A_1335 = arith.constant 2128 : index
    %get3A_1336 = tpu.vector_load %arg6[%get3A_1335] {strides = array<i32>} : memref<3200xi32, #tpu.memory_space<vmem>>, vector<16xi32>,
    %get3A_1337 = vector.shape_cast %get3A_1336 : vector<16xi32> to vector<16xi32>
    %sub3A_1338 = arith.constant 1 : i32
    %sub3A_1339 = vector.broadcast %sub3A_1338 : i32 to vector<16xi32>
    %sub3A_1340 = arith.subi %get3A_1337, %sub3A_1339 : vector<16xi32>
    %swap3A_1341 = arith.constant 2128 : index
    %swap3A_1342 = tpu.vector_load %arg6[%swap3A_1341] {strides = array<i32>} : memref<3200xi32, #tpu.memory_space<vmem>>, vector<16xi32>,
    %swap3A_1343 = vector.shape_cast %swap3A_1342 : vector<16xi32> to vector<16xi32>
    %swap3A_1344 = vector.shape_cast %sub3A_1340 : vector<16xi32> to vector<16xi32>
    tpu.vector_store %arg6[%swap3A_1341], %swap3A_1344 {strides = array<i32>} : memref<3200xi32, #tpu.memory_space<vmem>>, vector<16xi32>,
    %get3A_1345 = arith.constant 2144 : index
    %get3A_1346 = tpu.vector_load %arg6[%get3A_1345] {strides = array<i32>} : memref<3200xi32, #tpu.memory_space<vmem>>, vector<16xi32>,
    %get3A_1347 = vector.shape_cast %get3A_1346 : vector<16xi32> to vector<16xi32>
    %sub3A_1348 = arith.constant 1 : i32
    %sub3A_1349 = vector.broadcast %sub3A_1348 : i32 to vector<16xi32>
    %sub3A_1350 = arith.subi %get3A_1347, %sub3A_1349 : vector<16xi32>
    %swap3A_1351 = arith.constant 2144 : index
    %swap3A_1352 = tpu.vector_load %arg6[%swap3A_1351] {strides = array<i32>} : memref<3200xi32, #tpu.memory_space<vmem>>, vector<16xi32>,
    %swap3A_1353 = vector.shape_cast %swap3A_1352 : vector<16xi32> to vector<16xi32>
    %swap3A_1354 = vector.shape_cast %sub3A_1350 : vector<16xi32> to vector<16xi32>
    tpu.vector_store %arg6[%swap3A_1351], %swap3A_1354 {strides = array<i32>} : memref<3200xi32, #tpu.memory_space<vmem>>, vector<16xi32>,
    %get3A_1355 = arith.constant 2160 : index
    %get3A_1356 = tpu.vector_load %arg6[%get3A_1355] {strides = array<i32>} : memref<3200xi32, #tpu.memory_space<vmem>>, vector<16xi32>,
    %get3A_1357 = vector.shape_cast %get3A_1356 : vector<16xi32> to vector<16xi32>
    %sub3A_1358 = arith.constant 1 : i32
    %sub3A_1359 = vector.broadcast %sub3A_1358 : i32 to vector<16xi32>
    %sub3A_1360 = arith.subi %get3A_1357, %sub3A_1359 : vector<16xi32>
    %swap3A_1361 = arith.constant 2160 : index
    %swap3A_1362 = tpu.vector_load %arg6[%swap3A_1361] {strides = array<i32>} : memref<3200xi32, #tpu.memory_space<vmem>>, vector<16xi32>,
    %swap3A_1363 = vector.shape_cast %swap3A_1362 : vector<16xi32> to vector<16xi32>
    %swap3A_1364 = vector.shape_cast %sub3A_1360 : vector<16xi32> to vector<16xi32>
    tpu.vector_store %arg6[%swap3A_1361], %swap3A_1364 {strides = array<i32>} : memref<3200xi32, #tpu.memory_space<vmem>>, vector<16xi32>,
    %get3A_1365 = arith.constant 2176 : index
    %get3A_1366 = tpu.vector_load %arg6[%get3A_1365] {strides = array<i32>} : memref<3200xi32, #tpu.memory_space<vmem>>, vector<16xi32>,
    %get3A_1367 = vector.shape_cast %get3A_1366 : vector<16xi32> to vector<16xi32>
    %sub3A_1368 = arith.constant 1 : i32
    %sub3A_1369 = vector.broadcast %sub3A_1368 : i32 to vector<16xi32>
    %sub3A_1370 = arith.subi %get3A_1367, %sub3A_1369 : vector<16xi32>
    %swap3A_1371 = arith.constant 2176 : index
    %swap3A_1372 = tpu.vector_load %arg6[%swap3A_1371] {strides = array<i32>} : memref<3200xi32, #tpu.memory_space<vmem>>, vector<16xi32>,
    %swap3A_1373 = vector.shape_cast %swap3A_1372 : vector<16xi32> to vector<16xi32>
    %swap3A_1374 = vector.shape_cast %sub3A_1370 : vector<16xi32> to vector<16xi32>
    tpu.vector_store %arg6[%swap3A_1371], %swap3A_1374 {strides = array<i32>} : memref<3200xi32, #tpu.memory_space<vmem>>, vector<16xi32>,
    %get3A_1375 = arith.constant 2192 : index
    %get3A_1376 = tpu.vector_load %arg6[%get3A_1375] {strides = array<i32>} : memref<3200xi32, #tpu.memory_space<vmem>>, vector<16xi32>,
    %get3A_1377 = vector.shape_cast %get3A_1376 : vector<16xi32> to vector<16xi32>
    %sub3A_1378 = arith.constant 1 : i32
    %sub3A_1379 = vector.broadcast %sub3A_1378 : i32 to vector<16xi32>
    %sub3A_1380 = arith.subi %get3A_1377, %sub3A_1379 : vector<16xi32>
    %swap3A_1381 = arith.constant 2192 : index
    %swap3A_1382 = tpu.vector_load %arg6[%swap3A_1381] {strides = array<i32>} : memref<3200xi32, #tpu.memory_space<vmem>>, vector<16xi32>,
    %swap3A_1383 = vector.shape_cast %swap3A_1382 : vector<16xi32> to vector<16xi32>
    %swap3A_1384 = vector.shape_cast %sub3A_1380 : vector<16xi32> to vector<16xi32>
    tpu.vector_store %arg6[%swap3A_1381], %swap3A_1384 {strides = array<i32>} : memref<3200xi32, #tpu.memory_space<vmem>>, vector<16xi32>,
    %get3A_1385 = arith.constant 2208 : index
    %get3A_1386 = tpu.vector_load %arg6[%get3A_1385] {strides = array<i32>} : memref<3200xi32, #tpu.memory_space<vmem>>, vector<16xi32>,
    %get3A_1387 = vector.shape_cast %get3A_1386 : vector<16xi32> to vector<16xi32>
    %sub3A_1388 = arith.constant 1 : i32
    %sub3A_1389 = vector.broadcast %sub3A_1388 : i32 to vector<16xi32>
    %sub3A_1390 = arith.subi %get3A_1387, %sub3A_1389 : vector<16xi32>
    %swap3A_1391 = arith.constant 2208 : index
    %swap3A_1392 = tpu.vector_load %arg6[%swap3A_1391] {strides = array<i32>} : memref<3200xi32, #tpu.memory_space<vmem>>, vector<16xi32>,
    %swap3A_1393 = vector.shape_cast %swap3A_1392 : vector<16xi32> to vector<16xi32>
    %swap3A_1394 = vector.shape_cast %sub3A_1390 : vector<16xi32> to vector<16xi32>
    tpu.vector_store %arg6[%swap3A_1391], %swap3A_1394 {strides = array<i32>} : memref<3200xi32, #tpu.memory_space<vmem>>, vector<16xi32>,
    %get3A_1395 = arith.constant 2224 : index
    %get3A_1396 = tpu.vector_load %arg6[%get3A_1395] {strides = array<i32>} : memref<3200xi32, #tpu.memory_space<vmem>>, vector<16xi32>,
    %get3A_1397 = vector.shape_cast %get3A_1396 : vector<16xi32> to vector<16xi32>
    %sub3A_1398 = arith.constant 1 : i32
    %sub3A_1399 = vector.broadcast %sub3A_1398 : i32 to vector<16xi32>
    %sub3A_1400 = arith.subi %get3A_1397, %sub3A_1399 : vector<16xi32>
    %swap3A_1401 = arith.constant 2224 : index
    %swap3A_1402 = tpu.vector_load %arg6[%swap3A_1401] {strides = array<i32>} : memref<3200xi32, #tpu.memory_space<vmem>>, vector<16xi32>,
    %swap3A_1403 = vector.shape_cast %swap3A_1402 : vector<16xi32> to vector<16xi32>
    %swap3A_1404 = vector.shape_cast %sub3A_1400 : vector<16xi32> to vector<16xi32>
    tpu.vector_store %arg6[%swap3A_1401], %swap3A_1404 {strides = array<i32>} : memref<3200xi32, #tpu.memory_space<vmem>>, vector<16xi32>,
    %get3A_1405 = arith.constant 2240 : index
    %get3A_1406 = tpu.vector_load %arg6[%get3A_1405] {strides = array<i32>} : memref<3200xi32, #tpu.memory_space<vmem>>, vector<16xi32>,
    %get3A_1407 = vector.shape_cast %get3A_1406 : vector<16xi32> to vector<16xi32>
    %sub3A_1408 = arith.constant 1 : i32
    %sub3A_1409 = vector.broadcast %sub3A_1408 : i32 to vector<16xi32>
    %sub3A_1410 = arith.subi %get3A_1407, %sub3A_1409 : vector<16xi32>
    %swap3A_1411 = arith.constant 2240 : index
    %swap3A_1412 = tpu.vector_load %arg6[%swap3A_1411] {strides = array<i32>} : memref<3200xi32, #tpu.memory_space<vmem>>, vector<16xi32>,
    %swap3A_1413 = vector.shape_cast %swap3A_1412 : vector<16xi32> to vector<16xi32>
    %swap3A_1414 = vector.shape_cast %sub3A_1410 : vector<16xi32> to vector<16xi32>
    tpu.vector_store %arg6[%swap3A_1411], %swap3A_1414 {strides = array<i32>} : memref<3200xi32, #tpu.memory_space<vmem>>, vector<16xi32>,
    %get3A_1415 = arith.constant 2256 : index
    %get3A_1416 = tpu.vector_load %arg6[%get3A_1415] {strides = array<i32>} : memref<3200xi32, #tpu.memory_space<vmem>>, vector<16xi32>,
    %get3A_1417 = vector.shape_cast %get3A_1416 : vector<16xi32> to vector<16xi32>
    %sub3A_1418 = arith.constant 1 : i32
    %sub3A_1419 = vector.broadcast %sub3A_1418 : i32 to vector<16xi32>
    %sub3A_1420 = arith.subi %get3A_1417, %sub3A_1419 : vector<16xi32>
    %swap3A_1421 = arith.constant 2256 : index
    %swap3A_1422 = tpu.vector_load %arg6[%swap3A_1421] {strides = array<i32>} : memref<3200xi32, #tpu.memory_space<vmem>>, vector<16xi32>,
    %swap3A_1423 = vector.shape_cast %swap3A_1422 : vector<16xi32> to vector<16xi32>
    %swap3A_1424 = vector.shape_cast %sub3A_1420 : vector<16xi32> to vector<16xi32>
    tpu.vector_store %arg6[%swap3A_1421], %swap3A_1424 {strides = array<i32>} : memref<3200xi32, #tpu.memory_space<vmem>>, vector<16xi32>,
    %get3A_1425 = arith.constant 2272 : index
    %get3A_1426 = tpu.vector_load %arg6[%get3A_1425] {strides = array<i32>} : memref<3200xi32, #tpu.memory_space<vmem>>, vector<16xi32>,
    %get3A_1427 = vector.shape_cast %get3A_1426 : vector<16xi32> to vector<16xi32>
    %sub3A_1428 = arith.constant 1 : i32
    %sub3A_1429 = vector.broadcast %sub3A_1428 : i32 to vector<16xi32>
    %sub3A_1430 = arith.subi %get3A_1427, %sub3A_1429 : vector<16xi32>
    %swap3A_1431 = arith.constant 2272 : index
    %swap3A_1432 = tpu.vector_load %arg6[%swap3A_1431] {strides = array<i32>} : memref<3200xi32, #tpu.memory_space<vmem>>, vector<16xi32>,
    %swap3A_1433 = vector.shape_cast %swap3A_1432 : vector<16xi32> to vector<16xi32>
    %swap3A_1434 = vector.shape_cast %sub3A_1430 : vector<16xi32> to vector<16xi32>
    tpu.vector_store %arg6[%swap3A_1431], %swap3A_1434 {strides = array<i32>} : memref<3200xi32, #tpu.memory_space<vmem>>, vector<16xi32>,
    %get3A_1435 = arith.constant 2288 : index
    %get3A_1436 = tpu.vector_load %arg6[%get3A_1435] {strides = array<i32>} : memref<3200xi32, #tpu.memory_space<vmem>>, vector<16xi32>,
    %get3A_1437 = vector.shape_cast %get3A_1436 : vector<16xi32> to vector<16xi32>
    %sub3A_1438 = arith.constant 1 : i32
    %sub3A_1439 = vector.broadcast %sub3A_1438 : i32 to vector<16xi32>
    %sub3A_1440 = arith.subi %get3A_1437, %sub3A_1439 : vector<16xi32>
    %swap3A_1441 = arith.constant 2288 : index
    %swap3A_1442 = tpu.vector_load %arg6[%swap3A_1441] {strides = array<i32>} : memref<3200xi32, #tpu.memory_space<vmem>>, vector<16xi32>,
    %swap3A_1443 = vector.shape_cast %swap3A_1442 : vector<16xi32> to vector<16xi32>
    %swap3A_1444 = vector.shape_cast %sub3A_1440 : vector<16xi32> to vector<16xi32>
    tpu.vector_store %arg6[%swap3A_1441], %swap3A_1444 {strides = array<i32>} : memref<3200xi32, #tpu.memory_space<vmem>>, vector<16xi32>,
    %get3A_1445 = arith.constant 2304 : index
    %get3A_1446 = tpu.vector_load %arg6[%get3A_1445] {strides = array<i32>} : memref<3200xi32, #tpu.memory_space<vmem>>, vector<16xi32>,
    %get3A_1447 = vector.shape_cast %get3A_1446 : vector<16xi32> to vector<16xi32>
    %sub3A_1448 = arith.constant 1 : i32
    %sub3A_1449 = vector.broadcast %sub3A_1448 : i32 to vector<16xi32>
    %sub3A_1450 = arith.subi %get3A_1447, %sub3A_1449 : vector<16xi32>
    %swap3A_1451 = arith.constant 2304 : index
    %swap3A_1452 = tpu.vector_load %arg6[%swap3A_1451] {strides = array<i32>} : memref<3200xi32, #tpu.memory_space<vmem>>, vector<16xi32>,
    %swap3A_1453 = vector.shape_cast %swap3A_1452 : vector<16xi32> to vector<16xi32>
    %swap3A_1454 = vector.shape_cast %sub3A_1450 : vector<16xi32> to vector<16xi32>
    tpu.vector_store %arg6[%swap3A_1451], %swap3A_1454 {strides = array<i32>} : memref<3200xi32, #tpu.memory_space<vmem>>, vector<16xi32>,
    %get3A_1455 = arith.constant 2320 : index
    %get3A_1456 = tpu.vector_load %arg6[%get3A_1455] {strides = array<i32>} : memref<3200xi32, #tpu.memory_space<vmem>>, vector<16xi32>,
    %get3A_1457 = vector.shape_cast %get3A_1456 : vector<16xi32> to vector<16xi32>
    %sub3A_1458 = arith.constant 1 : i32
    %sub3A_1459 = vector.broadcast %sub3A_1458 : i32 to vector<16xi32>
    %sub3A_1460 = arith.subi %get3A_1457, %sub3A_1459 : vector<16xi32>
    %swap3A_1461 = arith.constant 2320 : index
    %swap3A_1462 = tpu.vector_load %arg6[%swap3A_1461] {strides = array<i32>} : memref<3200xi32, #tpu.memory_space<vmem>>, vector<16xi32>,
    %swap3A_1463 = vector.shape_cast %swap3A_1462 : vector<16xi32> to vector<16xi32>
    %swap3A_1464 = vector.shape_cast %sub3A_1460 : vector<16xi32> to vector<16xi32>
    tpu.vector_store %arg6[%swap3A_1461], %swap3A_1464 {strides = array<i32>} : memref<3200xi32, #tpu.memory_space<vmem>>, vector<16xi32>,
    %get3A_1465 = arith.constant 2336 : index
    %get3A_1466 = tpu.vector_load %arg6[%get3A_1465] {strides = array<i32>} : memref<3200xi32, #tpu.memory_space<vmem>>, vector<16xi32>,
    %get3A_1467 = vector.shape_cast %get3A_1466 : vector<16xi32> to vector<16xi32>
    %sub3A_1468 = arith.constant 1 : i32
    %sub3A_1469 = vector.broadcast %sub3A_1468 : i32 to vector<16xi32>
    %sub3A_1470 = arith.subi %get3A_1467, %sub3A_1469 : vector<16xi32>
    %swap3A_1471 = arith.constant 2336 : index
    %swap3A_1472 = tpu.vector_load %arg6[%swap3A_1471] {strides = array<i32>} : memref<3200xi32, #tpu.memory_space<vmem>>, vector<16xi32>,
    %swap3A_1473 = vector.shape_cast %swap3A_1472 : vector<16xi32> to vector<16xi32>
    %swap3A_1474 = vector.shape_cast %sub3A_1470 : vector<16xi32> to vector<16xi32>
    tpu.vector_store %arg6[%swap3A_1471], %swap3A_1474 {strides = array<i32>} : memref<3200xi32, #tpu.memory_space<vmem>>, vector<16xi32>,
    %get3A_1475 = arith.constant 2352 : index
    %get3A_1476 = tpu.vector_load %arg6[%get3A_1475] {strides = array<i32>} : memref<3200xi32, #tpu.memory_space<vmem>>, vector<16xi32>,
    %get3A_1477 = vector.shape_cast %get3A_1476 : vector<16xi32> to vector<16xi32>
    %sub3A_1478 = arith.constant 1 : i32
    %sub3A_1479 = vector.broadcast %sub3A_1478 : i32 to vector<16xi32>
    %sub3A_1480 = arith.subi %get3A_1477, %sub3A_1479 : vector<16xi32>
    %swap3A_1481 = arith.constant 2352 : index
    %swap3A_1482 = tpu.vector_load %arg6[%swap3A_1481] {strides = array<i32>} : memref<3200xi32, #tpu.memory_space<vmem>>, vector<16xi32>,
    %swap3A_1483 = vector.shape_cast %swap3A_1482 : vector<16xi32> to vector<16xi32>
    %swap3A_1484 = vector.shape_cast %sub3A_1480 : vector<16xi32> to vector<16xi32>
    tpu.vector_store %arg6[%swap3A_1481], %swap3A_1484 {strides = array<i32>} : memref<3200xi32, #tpu.memory_space<vmem>>, vector<16xi32>,
    %get3A_1485 = arith.constant 2368 : index
    %get3A_1486 = tpu.vector_load %arg6[%get3A_1485] {strides = array<i32>} : memref<3200xi32, #tpu.memory_space<vmem>>, vector<16xi32>,
    %get3A_1487 = vector.shape_cast %get3A_1486 : vector<16xi32> to vector<16xi32>
    %sub3A_1488 = arith.constant 1 : i32
    %sub3A_1489 = vector.broadcast %sub3A_1488 : i32 to vector<16xi32>
    %sub3A_1490 = arith.subi %get3A_1487, %sub3A_1489 : vector<16xi32>
    %swap3A_1491 = arith.constant 2368 : index
    %swap3A_1492 = tpu.vector_load %arg6[%swap3A_1491] {strides = array<i32>} : memref<3200xi32, #tpu.memory_space<vmem>>, vector<16xi32>,
    %swap3A_1493 = vector.shape_cast %swap3A_1492 : vector<16xi32> to vector<16xi32>
    %swap3A_1494 = vector.shape_cast %sub3A_1490 : vector<16xi32> to vector<16xi32>
    tpu.vector_store %arg6[%swap3A_1491], %swap3A_1494 {strides = array<i32>} : memref<3200xi32, #tpu.memory_space<vmem>>, vector<16xi32>,
    %get3A_1495 = arith.constant 2384 : index
    %get3A_1496 = tpu.vector_load %arg6[%get3A_1495] {strides = array<i32>} : memref<3200xi32, #tpu.memory_space<vmem>>, vector<16xi32>,
    %get3A_1497 = vector.shape_cast %get3A_1496 : vector<16xi32> to vector<16xi32>
    %sub3A_1498 = arith.constant 1 : i32
    %sub3A_1499 = vector.broadcast %sub3A_1498 : i32 to vector<16xi32>
    %sub3A_1500 = arith.subi %get3A_1497, %sub3A_1499 : vector<16xi32>
    %swap3A_1501 = arith.constant 2384 : index
    %swap3A_1502 = tpu.vector_load %arg6[%swap3A_1501] {strides = array<i32>} : memref<3200xi32, #tpu.memory_space<vmem>>, vector<16xi32>,
    %swap3A_1503 = vector.shape_cast %swap3A_1502 : vector<16xi32> to vector<16xi32>
    %swap3A_1504 = vector.shape_cast %sub3A_1500 : vector<16xi32> to vector<16xi32>
    tpu.vector_store %arg6[%swap3A_1501], %swap3A_1504 {strides = array<i32>} : memref<3200xi32, #tpu.memory_space<vmem>>, vector<16xi32>,
    %get3A_1505 = arith.constant 2400 : index
    %get3A_1506 = tpu.vector_load %arg6[%get3A_1505] {strides = array<i32>} : memref<3200xi32, #tpu.memory_space<vmem>>, vector<16xi32>,
    %get3A_1507 = vector.shape_cast %get3A_1506 : vector<16xi32> to vector<16xi32>
    %sub3A_1508 = arith.constant 1 : i32
    %sub3A_1509 = vector.broadcast %sub3A_1508 : i32 to vector<16xi32>
    %sub3A_1510 = arith.subi %get3A_1507, %sub3A_1509 : vector<16xi32>
    %swap3A_1511 = arith.constant 2400 : index
    %swap3A_1512 = tpu.vector_load %arg6[%swap3A_1511] {strides = array<i32>} : memref<3200xi32, #tpu.memory_space<vmem>>, vector<16xi32>,
    %swap3A_1513 = vector.shape_cast %swap3A_1512 : vector<16xi32> to vector<16xi32>
    %swap3A_1514 = vector.shape_cast %sub3A_1510 : vector<16xi32> to vector<16xi32>
    tpu.vector_store %arg6[%swap3A_1511], %swap3A_1514 {strides = array<i32>} : memref<3200xi32, #tpu.memory_space<vmem>>, vector<16xi32>,
    %get3A_1515 = arith.constant 2416 : index
    %get3A_1516 = tpu.vector_load %arg6[%get3A_1515] {strides = array<i32>} : memref<3200xi32, #tpu.memory_space<vmem>>, vector<16xi32>,
    %get3A_1517 = vector.shape_cast %get3A_1516 : vector<16xi32> to vector<16xi32>
    %sub3A_1518 = arith.constant 1 : i32
    %sub3A_1519 = vector.broadcast %sub3A_1518 : i32 to vector<16xi32>
    %sub3A_1520 = arith.subi %get3A_1517, %sub3A_1519 : vector<16xi32>
    %swap3A_1521 = arith.constant 2416 : index
    %swap3A_1522 = tpu.vector_load %arg6[%swap3A_1521] {strides = array<i32>} : memref<3200xi32, #tpu.memory_space<vmem>>, vector<16xi32>,
    %swap3A_1523 = vector.shape_cast %swap3A_1522 : vector<16xi32> to vector<16xi32>
    %swap3A_1524 = vector.shape_cast %sub3A_1520 : vector<16xi32> to vector<16xi32>
    tpu.vector_store %arg6[%swap3A_1521], %swap3A_1524 {strides = array<i32>} : memref<3200xi32, #tpu.memory_space<vmem>>, vector<16xi32>,
    %get3A_1525 = arith.constant 2432 : index
    %get3A_1526 = tpu.vector_load %arg6[%get3A_1525] {strides = array<i32>} : memref<3200xi32, #tpu.memory_space<vmem>>, vector<16xi32>,
    %get3A_1527 = vector.shape_cast %get3A_1526 : vector<16xi32> to vector<16xi32>
    %sub3A_1528 = arith.constant 1 : i32
    %sub3A_1529 = vector.broadcast %sub3A_1528 : i32 to vector<16xi32>
    %sub3A_1530 = arith.subi %get3A_1527, %sub3A_1529 : vector<16xi32>
    %swap3A_1531 = arith.constant 2432 : index
    %swap3A_1532 = tpu.vector_load %arg6[%swap3A_1531] {strides = array<i32>} : memref<3200xi32, #tpu.memory_space<vmem>>, vector<16xi32>,
    %swap3A_1533 = vector.shape_cast %swap3A_1532 : vector<16xi32> to vector<16xi32>
    %swap3A_1534 = vector.shape_cast %sub3A_1530 : vector<16xi32> to vector<16xi32>
    tpu.vector_store %arg6[%swap3A_1531], %swap3A_1534 {strides = array<i32>} : memref<3200xi32, #tpu.memory_space<vmem>>, vector<16xi32>,
    %get3A_1535 = arith.constant 2448 : index
    %get3A_1536 = tpu.vector_load %arg6[%get3A_1535] {strides = array<i32>} : memref<3200xi32, #tpu.memory_space<vmem>>, vector<16xi32>,
    %get3A_1537 = vector.shape_cast %get3A_1536 : vector<16xi32> to vector<16xi32>
    %sub3A_1538 = arith.constant 1 : i32
    %sub3A_1539 = vector.broadcast %sub3A_1538 : i32 to vector<16xi32>
    %sub3A_1540 = arith.subi %get3A_1537, %sub3A_1539 : vector<16xi32>
    %swap3A_1541 = arith.constant 2448 : index
    %swap3A_1542 = tpu.vector_load %arg6[%swap3A_1541] {strides = array<i32>} : memref<3200xi32, #tpu.memory_space<vmem>>, vector<16xi32>,
    %swap3A_1543 = vector.shape_cast %swap3A_1542 : vector<16xi32> to vector<16xi32>
    %swap3A_1544 = vector.shape_cast %sub3A_1540 : vector<16xi32> to vector<16xi32>
    tpu.vector_store %arg6[%swap3A_1541], %swap3A_1544 {strides = array<i32>} : memref<3200xi32, #tpu.memory_space<vmem>>, vector<16xi32>,
    %get3A_1545 = arith.constant 2464 : index
    %get3A_1546 = tpu.vector_load %arg6[%get3A_1545] {strides = array<i32>} : memref<3200xi32, #tpu.memory_space<vmem>>, vector<16xi32>,
    %get3A_1547 = vector.shape_cast %get3A_1546 : vector<16xi32> to vector<16xi32>
    %sub3A_1548 = arith.constant 1 : i32
    %sub3A_1549 = vector.broadcast %sub3A_1548 : i32 to vector<16xi32>
    %sub3A_1550 = arith.subi %get3A_1547, %sub3A_1549 : vector<16xi32>
    %swap3A_1551 = arith.constant 2464 : index
    %swap3A_1552 = tpu.vector_load %arg6[%swap3A_1551] {strides = array<i32>} : memref<3200xi32, #tpu.memory_space<vmem>>, vector<16xi32>,
    %swap3A_1553 = vector.shape_cast %swap3A_1552 : vector<16xi32> to vector<16xi32>
    %swap3A_1554 = vector.shape_cast %sub3A_1550 : vector<16xi32> to vector<16xi32>
    tpu.vector_store %arg6[%swap3A_1551], %swap3A_1554 {strides = array<i32>} : memref<3200xi32, #tpu.memory_space<vmem>>, vector<16xi32>,
    %get3A_1555 = arith.constant 2480 : index
    %get3A_1556 = tpu.vector_load %arg6[%get3A_1555] {strides = array<i32>} : memref<3200xi32, #tpu.memory_space<vmem>>, vector<16xi32>,
    %get3A_1557 = vector.shape_cast %get3A_1556 : vector<16xi32> to vector<16xi32>
    %sub3A_1558 = arith.constant 1 : i32
    %sub3A_1559 = vector.broadcast %sub3A_1558 : i32 to vector<16xi32>
    %sub3A_1560 = arith.subi %get3A_1557, %sub3A_1559 : vector<16xi32>
    %swap3A_1561 = arith.constant 2480 : index
    %swap3A_1562 = tpu.vector_load %arg6[%swap3A_1561] {strides = array<i32>} : memref<3200xi32, #tpu.memory_space<vmem>>, vector<16xi32>,
    %swap3A_1563 = vector.shape_cast %swap3A_1562 : vector<16xi32> to vector<16xi32>
    %swap3A_1564 = vector.shape_cast %sub3A_1560 : vector<16xi32> to vector<16xi32>
    tpu.vector_store %arg6[%swap3A_1561], %swap3A_1564 {strides = array<i32>} : memref<3200xi32, #tpu.memory_space<vmem>>, vector<16xi32>,
    %get3A_1565 = arith.constant 2496 : index
    %get3A_1566 = tpu.vector_load %arg6[%get3A_1565] {strides = array<i32>} : memref<3200xi32, #tpu.memory_space<vmem>>, vector<16xi32>,
    %get3A_1567 = vector.shape_cast %get3A_1566 : vector<16xi32> to vector<16xi32>
    %sub3A_1568 = arith.constant 1 : i32
    %sub3A_1569 = vector.broadcast %sub3A_1568 : i32 to vector<16xi32>
    %sub3A_1570 = arith.subi %get3A_1567, %sub3A_1569 : vector<16xi32>
    %swap3A_1571 = arith.constant 2496 : index
    %swap3A_1572 = tpu.vector_load %arg6[%swap3A_1571] {strides = array<i32>} : memref<3200xi32, #tpu.memory_space<vmem>>, vector<16xi32>,
    %swap3A_1573 = vector.shape_cast %swap3A_1572 : vector<16xi32> to vector<16xi32>
    %swap3A_1574 = vector.shape_cast %sub3A_1570 : vector<16xi32> to vector<16xi32>
    tpu.vector_store %arg6[%swap3A_1571], %swap3A_1574 {strides = array<i32>} : memref<3200xi32, #tpu.memory_space<vmem>>, vector<16xi32>,
    %get3A_1575 = arith.constant 2512 : index
    %get3A_1576 = tpu.vector_load %arg6[%get3A_1575] {strides = array<i32>} : memref<3200xi32, #tpu.memory_space<vmem>>, vector<16xi32>,
    %get3A_1577 = vector.shape_cast %get3A_1576 : vector<16xi32> to vector<16xi32>
    %sub3A_1578 = arith.constant 1 : i32
    %sub3A_1579 = vector.broadcast %sub3A_1578 : i32 to vector<16xi32>
    %sub3A_1580 = arith.subi %get3A_1577, %sub3A_1579 : vector<16xi32>
    %swap3A_1581 = arith.constant 2512 : index
    %swap3A_1582 = tpu.vector_load %arg6[%swap3A_1581] {strides = array<i32>} : memref<3200xi32, #tpu.memory_space<vmem>>, vector<16xi32>,
    %swap3A_1583 = vector.shape_cast %swap3A_1582 : vector<16xi32> to vector<16xi32>
    %swap3A_1584 = vector.shape_cast %sub3A_1580 : vector<16xi32> to vector<16xi32>
    tpu.vector_store %arg6[%swap3A_1581], %swap3A_1584 {strides = array<i32>} : memref<3200xi32, #tpu.memory_space<vmem>>, vector<16xi32>,
    %get3A_1585 = arith.constant 2528 : index
    %get3A_1586 = tpu.vector_load %arg6[%get3A_1585] {strides = array<i32>} : memref<3200xi32, #tpu.memory_space<vmem>>, vector<16xi32>,
    %get3A_1587 = vector.shape_cast %get3A_1586 : vector<16xi32> to vector<16xi32>
    %sub3A_1588 = arith.constant 1 : i32
    %sub3A_1589 = vector.broadcast %sub3A_1588 : i32 to vector<16xi32>
    %sub3A_1590 = arith.subi %get3A_1587, %sub3A_1589 : vector<16xi32>
    %swap3A_1591 = arith.constant 2528 : index
    %swap3A_1592 = tpu.vector_load %arg6[%swap3A_1591] {strides = array<i32>} : memref<3200xi32, #tpu.memory_space<vmem>>, vector<16xi32>,
    %swap3A_1593 = vector.shape_cast %swap3A_1592 : vector<16xi32> to vector<16xi32>
    %swap3A_1594 = vector.shape_cast %sub3A_1590 : vector<16xi32> to vector<16xi32>
    tpu.vector_store %arg6[%swap3A_1591], %swap3A_1594 {strides = array<i32>} : memref<3200xi32, #tpu.memory_space<vmem>>, vector<16xi32>,
    %get3A_1595 = arith.constant 2544 : index
    %get3A_1596 = tpu.vector_load %arg6[%get3A_1595] {strides = array<i32>} : memref<3200xi32, #tpu.memory_space<vmem>>, vector<16xi32>,
    %get3A_1597 = vector.shape_cast %get3A_1596 : vector<16xi32> to vector<16xi32>
    %sub3A_1598 = arith.constant 1 : i32
    %sub3A_1599 = vector.broadcast %sub3A_1598 : i32 to vector<16xi32>
    %sub3A_1600 = arith.subi %get3A_1597, %sub3A_1599 : vector<16xi32>
    %swap3A_1601 = arith.constant 2544 : index
    %swap3A_1602 = tpu.vector_load %arg6[%swap3A_1601] {strides = array<i32>} : memref<3200xi32, #tpu.memory_space<vmem>>, vector<16xi32>,
    %swap3A_1603 = vector.shape_cast %swap3A_1602 : vector<16xi32> to vector<16xi32>
    %swap3A_1604 = vector.shape_cast %sub3A_1600 : vector<16xi32> to vector<16xi32>
    tpu.vector_store %arg6[%swap3A_1601], %swap3A_1604 {strides = array<i32>} : memref<3200xi32, #tpu.memory_space<vmem>>, vector<16xi32>,
    %get3A_1605 = arith.constant 2560 : index
    %get3A_1606 = tpu.vector_load %arg6[%get3A_1605] {strides = array<i32>} : memref<3200xi32, #tpu.memory_space<vmem>>, vector<16xi32>,
    %get3A_1607 = vector.shape_cast %get3A_1606 : vector<16xi32> to vector<16xi32>
    %sub3A_1608 = arith.constant 1 : i32
    %sub3A_1609 = vector.broadcast %sub3A_1608 : i32 to vector<16xi32>
    %sub3A_1610 = arith.subi %get3A_1607, %sub3A_1609 : vector<16xi32>
    %swap3A_1611 = arith.constant 2560 : index
    %swap3A_1612 = tpu.vector_load %arg6[%swap3A_1611] {strides = array<i32>} : memref<3200xi32, #tpu.memory_space<vmem>>, vector<16xi32>,
    %swap3A_1613 = vector.shape_cast %swap3A_1612 : vector<16xi32> to vector<16xi32>
    %swap3A_1614 = vector.shape_cast %sub3A_1610 : vector<16xi32> to vector<16xi32>
    tpu.vector_store %arg6[%swap3A_1611], %swap3A_1614 {strides = array<i32>} : memref<3200xi32, #tpu.memory_space<vmem>>, vector<16xi32>,
    %get3A_1615 = arith.constant 2576 : index
    %get3A_1616 = tpu.vector_load %arg6[%get3A_1615] {strides = array<i32>} : memref<3200xi32, #tpu.memory_space<vmem>>, vector<16xi32>,
    %get3A_1617 = vector.shape_cast %get3A_1616 : vector<16xi32> to vector<16xi32>
    %sub3A_1618 = arith.constant 1 : i32
    %sub3A_1619 = vector.broadcast %sub3A_1618 : i32 to vector<16xi32>
    %sub3A_1620 = arith.subi %get3A_1617, %sub3A_1619 : vector<16xi32>
    %swap3A_1621 = arith.constant 2576 : index
    %swap3A_1622 = tpu.vector_load %arg6[%swap3A_1621] {strides = array<i32>} : memref<3200xi32, #tpu.memory_space<vmem>>, vector<16xi32>,
    %swap3A_1623 = vector.shape_cast %swap3A_1622 : vector<16xi32> to vector<16xi32>
    %swap3A_1624 = vector.shape_cast %sub3A_1620 : vector<16xi32> to vector<16xi32>
    tpu.vector_store %arg6[%swap3A_1621], %swap3A_1624 {strides = array<i32>} : memref<3200xi32, #tpu.memory_space<vmem>>, vector<16xi32>,
    %get3A_1625 = arith.constant 2592 : index
    %get3A_1626 = tpu.vector_load %arg6[%get3A_1625] {strides = array<i32>} : memref<3200xi32, #tpu.memory_space<vmem>>, vector<16xi32>,
    %get3A_1627 = vector.shape_cast %get3A_1626 : vector<16xi32> to vector<16xi32>
    %sub3A_1628 = arith.constant 1 : i32
    %sub3A_1629 = vector.broadcast %sub3A_1628 : i32 to vector<16xi32>
    %sub3A_1630 = arith.subi %get3A_1627, %sub3A_1629 : vector<16xi32>
    %swap3A_1631 = arith.constant 2592 : index
    %swap3A_1632 = tpu.vector_load %arg6[%swap3A_1631] {strides = array<i32>} : memref<3200xi32, #tpu.memory_space<vmem>>, vector<16xi32>,
    %swap3A_1633 = vector.shape_cast %swap3A_1632 : vector<16xi32> to vector<16xi32>
    %swap3A_1634 = vector.shape_cast %sub3A_1630 : vector<16xi32> to vector<16xi32>
    tpu.vector_store %arg6[%swap3A_1631], %swap3A_1634 {strides = array<i32>} : memref<3200xi32, #tpu.memory_space<vmem>>, vector<16xi32>,
    %get3A_1635 = arith.constant 2608 : index
    %get3A_1636 = tpu.vector_load %arg6[%get3A_1635] {strides = array<i32>} : memref<3200xi32, #tpu.memory_space<vmem>>, vector<16xi32>,
    %get3A_1637 = vector.shape_cast %get3A_1636 : vector<16xi32> to vector<16xi32>
    %sub3A_1638 = arith.constant 1 : i32
    %sub3A_1639 = vector.broadcast %sub3A_1638 : i32 to vector<16xi32>
    %sub3A_1640 = arith.subi %get3A_1637, %sub3A_1639 : vector<16xi32>
    %swap3A_1641 = arith.constant 2608 : index
    %swap3A_1642 = tpu.vector_load %arg6[%swap3A_1641] {strides = array<i32>} : memref<3200xi32, #tpu.memory_space<vmem>>, vector<16xi32>,
    %swap3A_1643 = vector.shape_cast %swap3A_1642 : vector<16xi32> to vector<16xi32>
    %swap3A_1644 = vector.shape_cast %sub3A_1640 : vector<16xi32> to vector<16xi32>
    tpu.vector_store %arg6[%swap3A_1641], %swap3A_1644 {strides = array<i32>} : memref<3200xi32, #tpu.memory_space<vmem>>, vector<16xi32>,
    %get3A_1645 = arith.constant 2624 : index
    %get3A_1646 = tpu.vector_load %arg6[%get3A_1645] {strides = array<i32>} : memref<3200xi32, #tpu.memory_space<vmem>>, vector<16xi32>,
    %get3A_1647 = vector.shape_cast %get3A_1646 : vector<16xi32> to vector<16xi32>
    %sub3A_1648 = arith.constant 1 : i32
    %sub3A_1649 = vector.broadcast %sub3A_1648 : i32 to vector<16xi32>
    %sub3A_1650 = arith.subi %get3A_1647, %sub3A_1649 : vector<16xi32>
    %swap3A_1651 = arith.constant 2624 : index
    %swap3A_1652 = tpu.vector_load %arg6[%swap3A_1651] {strides = array<i32>} : memref<3200xi32, #tpu.memory_space<vmem>>, vector<16xi32>,
    %swap3A_1653 = vector.shape_cast %swap3A_1652 : vector<16xi32> to vector<16xi32>
    %swap3A_1654 = vector.shape_cast %sub3A_1650 : vector<16xi32> to vector<16xi32>
    tpu.vector_store %arg6[%swap3A_1651], %swap3A_1654 {strides = array<i32>} : memref<3200xi32, #tpu.memory_space<vmem>>, vector<16xi32>,
    %get3A_1655 = arith.constant 2640 : index
    %get3A_1656 = tpu.vector_load %arg6[%get3A_1655] {strides = array<i32>} : memref<3200xi32, #tpu.memory_space<vmem>>, vector<16xi32>,
    %get3A_1657 = vector.shape_cast %get3A_1656 : vector<16xi32> to vector<16xi32>
    %sub3A_1658 = arith.constant 1 : i32
    %sub3A_1659 = vector.broadcast %sub3A_1658 : i32 to vector<16xi32>
    %sub3A_1660 = arith.subi %get3A_1657, %sub3A_1659 : vector<16xi32>
    %swap3A_1661 = arith.constant 2640 : index
    %swap3A_1662 = tpu.vector_load %arg6[%swap3A_1661] {strides = array<i32>} : memref<3200xi32, #tpu.memory_space<vmem>>, vector<16xi32>,
    %swap3A_1663 = vector.shape_cast %swap3A_1662 : vector<16xi32> to vector<16xi32>
    %swap3A_1664 = vector.shape_cast %sub3A_1660 : vector<16xi32> to vector<16xi32>
    tpu.vector_store %arg6[%swap3A_1661], %swap3A_1664 {strides = array<i32>} : memref<3200xi32, #tpu.memory_space<vmem>>, vector<16xi32>,
    %get3A_1665 = arith.constant 2656 : index
    %get3A_1666 = tpu.vector_load %arg6[%get3A_1665] {strides = array<i32>} : memref<3200xi32, #tpu.memory_space<vmem>>, vector<16xi32>,
    %get3A_1667 = vector.shape_cast %get3A_1666 : vector<16xi32> to vector<16xi32>
    %sub3A_1668 = arith.constant 1 : i32
    %sub3A_1669 = vector.broadcast %sub3A_1668 : i32 to vector<16xi32>
    %sub3A_1670 = arith.subi %get3A_1667, %sub3A_1669 : vector<16xi32>
    %swap3A_1671 = arith.constant 2656 : index
    %swap3A_1672 = tpu.vector_load %arg6[%swap3A_1671] {strides = array<i32>} : memref<3200xi32, #tpu.memory_space<vmem>>, vector<16xi32>,
    %swap3A_1673 = vector.shape_cast %swap3A_1672 : vector<16xi32> to vector<16xi32>
    %swap3A_1674 = vector.shape_cast %sub3A_1670 : vector<16xi32> to vector<16xi32>
    tpu.vector_store %arg6[%swap3A_1671], %swap3A_1674 {strides = array<i32>} : memref<3200xi32, #tpu.memory_space<vmem>>, vector<16xi32>,
    %get3A_1675 = arith.constant 2672 : index
    %get3A_1676 = tpu.vector_load %arg6[%get3A_1675] {strides = array<i32>} : memref<3200xi32, #tpu.memory_space<vmem>>, vector<16xi32>,
    %get3A_1677 = vector.shape_cast %get3A_1676 : vector<16xi32> to vector<16xi32>
    %sub3A_1678 = arith.constant 1 : i32
    %sub3A_1679 = vector.broadcast %sub3A_1678 : i32 to vector<16xi32>
    %sub3A_1680 = arith.subi %get3A_1677, %sub3A_1679 : vector<16xi32>
    %swap3A_1681 = arith.constant 2672 : index
    %swap3A_1682 = tpu.vector_load %arg6[%swap3A_1681] {strides = array<i32>} : memref<3200xi32, #tpu.memory_space<vmem>>, vector<16xi32>,
    %swap3A_1683 = vector.shape_cast %swap3A_1682 : vector<16xi32> to vector<16xi32>
    %swap3A_1684 = vector.shape_cast %sub3A_1680 : vector<16xi32> to vector<16xi32>
    tpu.vector_store %arg6[%swap3A_1681], %swap3A_1684 {strides = array<i32>} : memref<3200xi32, #tpu.memory_space<vmem>>, vector<16xi32>,
    %get3A_1685 = arith.constant 2688 : index
    %get3A_1686 = tpu.vector_load %arg6[%get3A_1685] {strides = array<i32>} : memref<3200xi32, #tpu.memory_space<vmem>>, vector<16xi32>,
    %get3A_1687 = vector.shape_cast %get3A_1686 : vector<16xi32> to vector<16xi32>
    %sub3A_1688 = arith.constant 1 : i32
    %sub3A_1689 = vector.broadcast %sub3A_1688 : i32 to vector<16xi32>
    %sub3A_1690 = arith.subi %get3A_1687, %sub3A_1689 : vector<16xi32>
    %swap3A_1691 = arith.constant 2688 : index
    %swap3A_1692 = tpu.vector_load %arg6[%swap3A_1691] {strides = array<i32>} : memref<3200xi32, #tpu.memory_space<vmem>>, vector<16xi32>,
    %swap3A_1693 = vector.shape_cast %swap3A_1692 : vector<16xi32> to vector<16xi32>
    %swap3A_1694 = vector.shape_cast %sub3A_1690 : vector<16xi32> to vector<16xi32>
    tpu.vector_store %arg6[%swap3A_1691], %swap3A_1694 {strides = array<i32>} : memref<3200xi32, #tpu.memory_space<vmem>>, vector<16xi32>,
    %get3A_1695 = arith.constant 2704 : index
    %get3A_1696 = tpu.vector_load %arg6[%get3A_1695] {strides = array<i32>} : memref<3200xi32, #tpu.memory_space<vmem>>, vector<16xi32>,
    %get3A_1697 = vector.shape_cast %get3A_1696 : vector<16xi32> to vector<16xi32>
    %sub3A_1698 = arith.constant 1 : i32
    %sub3A_1699 = vector.broadcast %sub3A_1698 : i32 to vector<16xi32>
    %sub3A_1700 = arith.subi %get3A_1697, %sub3A_1699 : vector<16xi32>
    %swap3A_1701 = arith.constant 2704 : index
    %swap3A_1702 = tpu.vector_load %arg6[%swap3A_1701] {strides = array<i32>} : memref<3200xi32, #tpu.memory_space<vmem>>, vector<16xi32>,
    %swap3A_1703 = vector.shape_cast %swap3A_1702 : vector<16xi32> to vector<16xi32>
    %swap3A_1704 = vector.shape_cast %sub3A_1700 : vector<16xi32> to vector<16xi32>
    tpu.vector_store %arg6[%swap3A_1701], %swap3A_1704 {strides = array<i32>} : memref<3200xi32, #tpu.memory_space<vmem>>, vector<16xi32>,
    %get3A_1705 = arith.constant 2720 : index
    %get3A_1706 = tpu.vector_load %arg6[%get3A_1705] {strides = array<i32>} : memref<3200xi32, #tpu.memory_space<vmem>>, vector<16xi32>,
    %get3A_1707 = vector.shape_cast %get3A_1706 : vector<16xi32> to vector<16xi32>
    %sub3A_1708 = arith.constant 1 : i32
    %sub3A_1709 = vector.broadcast %sub3A_1708 : i32 to vector<16xi32>
    %sub3A_1710 = arith.subi %get3A_1707, %sub3A_1709 : vector<16xi32>
    %swap3A_1711 = arith.constant 2720 : index
    %swap3A_1712 = tpu.vector_load %arg6[%swap3A_1711] {strides = array<i32>} : memref<3200xi32, #tpu.memory_space<vmem>>, vector<16xi32>,
    %swap3A_1713 = vector.shape_cast %swap3A_1712 : vector<16xi32> to vector<16xi32>
    %swap3A_1714 = vector.shape_cast %sub3A_1710 : vector<16xi32> to vector<16xi32>
    tpu.vector_store %arg6[%swap3A_1711], %swap3A_1714 {strides = array<i32>} : memref<3200xi32, #tpu.memory_space<vmem>>, vector<16xi32>,
    %get3A_1715 = arith.constant 2736 : index
    %get3A_1716 = tpu.vector_load %arg6[%get3A_1715] {strides = array<i32>} : memref<3200xi32, #tpu.memory_space<vmem>>, vector<16xi32>,
    %get3A_1717 = vector.shape_cast %get3A_1716 : vector<16xi32> to vector<16xi32>
    %sub3A_1718 = arith.constant 1 : i32
    %sub3A_1719 = vector.broadcast %sub3A_1718 : i32 to vector<16xi32>
    %sub3A_1720 = arith.subi %get3A_1717, %sub3A_1719 : vector<16xi32>
    %swap3A_1721 = arith.constant 2736 : index
    %swap3A_1722 = tpu.vector_load %arg6[%swap3A_1721] {strides = array<i32>} : memref<3200xi32, #tpu.memory_space<vmem>>, vector<16xi32>,
    %swap3A_1723 = vector.shape_cast %swap3A_1722 : vector<16xi32> to vector<16xi32>
    %swap3A_1724 = vector.shape_cast %sub3A_1720 : vector<16xi32> to vector<16xi32>
    tpu.vector_store %arg6[%swap3A_1721], %swap3A_1724 {strides = array<i32>} : memref<3200xi32, #tpu.memory_space<vmem>>, vector<16xi32>,
    %get3A_1725 = arith.constant 2752 : index
    %get3A_1726 = tpu.vector_load %arg6[%get3A_1725] {strides = array<i32>} : memref<3200xi32, #tpu.memory_space<vmem>>, vector<16xi32>,
    %get3A_1727 = vector.shape_cast %get3A_1726 : vector<16xi32> to vector<16xi32>
    %sub3A_1728 = arith.constant 1 : i32
    %sub3A_1729 = vector.broadcast %sub3A_1728 : i32 to vector<16xi32>
    %sub3A_1730 = arith.subi %get3A_1727, %sub3A_1729 : vector<16xi32>
    %swap3A_1731 = arith.constant 2752 : index
    %swap3A_1732 = tpu.vector_load %arg6[%swap3A_1731] {strides = array<i32>} : memref<3200xi32, #tpu.memory_space<vmem>>, vector<16xi32>,
    %swap3A_1733 = vector.shape_cast %swap3A_1732 : vector<16xi32> to vector<16xi32>
    %swap3A_1734 = vector.shape_cast %sub3A_1730 : vector<16xi32> to vector<16xi32>
    tpu.vector_store %arg6[%swap3A_1731], %swap3A_1734 {strides = array<i32>} : memref<3200xi32, #tpu.memory_space<vmem>>, vector<16xi32>,
    %get3A_1735 = arith.constant 2768 : index
    %get3A_1736 = tpu.vector_load %arg6[%get3A_1735] {strides = array<i32>} : memref<3200xi32, #tpu.memory_space<vmem>>, vector<16xi32>,
    %get3A_1737 = vector.shape_cast %get3A_1736 : vector<16xi32> to vector<16xi32>
    %sub3A_1738 = arith.constant 1 : i32
    %sub3A_1739 = vector.broadcast %sub3A_1738 : i32 to vector<16xi32>
    %sub3A_1740 = arith.subi %get3A_1737, %sub3A_1739 : vector<16xi32>
    %swap3A_1741 = arith.constant 2768 : index
    %swap3A_1742 = tpu.vector_load %arg6[%swap3A_1741] {strides = array<i32>} : memref<3200xi32, #tpu.memory_space<vmem>>, vector<16xi32>,
    %swap3A_1743 = vector.shape_cast %swap3A_1742 : vector<16xi32> to vector<16xi32>
    %swap3A_1744 = vector.shape_cast %sub3A_1740 : vector<16xi32> to vector<16xi32>
    tpu.vector_store %arg6[%swap3A_1741], %swap3A_1744 {strides = array<i32>} : memref<3200xi32, #tpu.memory_space<vmem>>, vector<16xi32>,
    %get3A_1745 = arith.constant 2784 : index
    %get3A_1746 = tpu.vector_load %arg6[%get3A_1745] {strides = array<i32>} : memref<3200xi32, #tpu.memory_space<vmem>>, vector<16xi32>,
    %get3A_1747 = vector.shape_cast %get3A_1746 : vector<16xi32> to vector<16xi32>
    %sub3A_1748 = arith.constant 1 : i32
    %sub3A_1749 = vector.broadcast %sub3A_1748 : i32 to vector<16xi32>
    %sub3A_1750 = arith.subi %get3A_1747, %sub3A_1749 : vector<16xi32>
    %swap3A_1751 = arith.constant 2784 : index
    %swap3A_1752 = tpu.vector_load %arg6[%swap3A_1751] {strides = array<i32>} : memref<3200xi32, #tpu.memory_space<vmem>>, vector<16xi32>,
    %swap3A_1753 = vector.shape_cast %swap3A_1752 : vector<16xi32> to vector<16xi32>
    %swap3A_1754 = vector.shape_cast %sub3A_1750 : vector<16xi32> to vector<16xi32>
    tpu.vector_store %arg6[%swap3A_1751], %swap3A_1754 {strides = array<i32>} : memref<3200xi32, #tpu.memory_space<vmem>>, vector<16xi32>,
    %get3A_1755 = arith.constant 2800 : index
    %get3A_1756 = tpu.vector_load %arg6[%get3A_1755] {strides = array<i32>} : memref<3200xi32, #tpu.memory_space<vmem>>, vector<16xi32>,
    %get3A_1757 = vector.shape_cast %get3A_1756 : vector<16xi32> to vector<16xi32>
    %sub3A_1758 = arith.constant 1 : i32
    %sub3A_1759 = vector.broadcast %sub3A_1758 : i32 to vector<16xi32>
    %sub3A_1760 = arith.subi %get3A_1757, %sub3A_1759 : vector<16xi32>
    %swap3A_1761 = arith.constant 2800 : index
    %swap3A_1762 = tpu.vector_load %arg6[%swap3A_1761] {strides = array<i32>} : memref<3200xi32, #tpu.memory_space<vmem>>, vector<16xi32>,
    %swap3A_1763 = vector.shape_cast %swap3A_1762 : vector<16xi32> to vector<16xi32>
    %swap3A_1764 = vector.shape_cast %sub3A_1760 : vector<16xi32> to vector<16xi32>
    tpu.vector_store %arg6[%swap3A_1761], %swap3A_1764 {strides = array<i32>} : memref<3200xi32, #tpu.memory_space<vmem>>, vector<16xi32>,
    %get3A_1765 = arith.constant 2816 : index
    %get3A_1766 = tpu.vector_load %arg6[%get3A_1765] {strides = array<i32>} : memref<3200xi32, #tpu.memory_space<vmem>>, vector<16xi32>,
    %get3A_1767 = vector.shape_cast %get3A_1766 : vector<16xi32> to vector<16xi32>
    %sub3A_1768 = arith.constant 1 : i32
    %sub3A_1769 = vector.broadcast %sub3A_1768 : i32 to vector<16xi32>
    %sub3A_1770 = arith.subi %get3A_1767, %sub3A_1769 : vector<16xi32>
    %swap3A_1771 = arith.constant 2816 : index
    %swap3A_1772 = tpu.vector_load %arg6[%swap3A_1771] {strides = array<i32>} : memref<3200xi32, #tpu.memory_space<vmem>>, vector<16xi32>,
    %swap3A_1773 = vector.shape_cast %swap3A_1772 : vector<16xi32> to vector<16xi32>
    %swap3A_1774 = vector.shape_cast %sub3A_1770 : vector<16xi32> to vector<16xi32>
    tpu.vector_store %arg6[%swap3A_1771], %swap3A_1774 {strides = array<i32>} : memref<3200xi32, #tpu.memory_space<vmem>>, vector<16xi32>,
    %get3A_1775 = arith.constant 2832 : index
    %get3A_1776 = tpu.vector_load %arg6[%get3A_1775] {strides = array<i32>} : memref<3200xi32, #tpu.memory_space<vmem>>, vector<16xi32>,
    %get3A_1777 = vector.shape_cast %get3A_1776 : vector<16xi32> to vector<16xi32>
    %sub3A_1778 = arith.constant 1 : i32
    %sub3A_1779 = vector.broadcast %sub3A_1778 : i32 to vector<16xi32>
    %sub3A_1780 = arith.subi %get3A_1777, %sub3A_1779 : vector<16xi32>
    %swap3A_1781 = arith.constant 2832 : index
    %swap3A_1782 = tpu.vector_load %arg6[%swap3A_1781] {strides = array<i32>} : memref<3200xi32, #tpu.memory_space<vmem>>, vector<16xi32>,
    %swap3A_1783 = vector.shape_cast %swap3A_1782 : vector<16xi32> to vector<16xi32>
    %swap3A_1784 = vector.shape_cast %sub3A_1780 : vector<16xi32> to vector<16xi32>
    tpu.vector_store %arg6[%swap3A_1781], %swap3A_1784 {strides = array<i32>} : memref<3200xi32, #tpu.memory_space<vmem>>, vector<16xi32>,
    %get3A_1785 = arith.constant 2848 : index
    %get3A_1786 = tpu.vector_load %arg6[%get3A_1785] {strides = array<i32>} : memref<3200xi32, #tpu.memory_space<vmem>>, vector<16xi32>,
    %get3A_1787 = vector.shape_cast %get3A_1786 : vector<16xi32> to vector<16xi32>
    %sub3A_1788 = arith.constant 1 : i32
    %sub3A_1789 = vector.broadcast %sub3A_1788 : i32 to vector<16xi32>
    %sub3A_1790 = arith.subi %get3A_1787, %sub3A_1789 : vector<16xi32>
    %swap3A_1791 = arith.constant 2848 : index
    %swap3A_1792 = tpu.vector_load %arg6[%swap3A_1791] {strides = array<i32>} : memref<3200xi32, #tpu.memory_space<vmem>>, vector<16xi32>,
    %swap3A_1793 = vector.shape_cast %swap3A_1792 : vector<16xi32> to vector<16xi32>
    %swap3A_1794 = vector.shape_cast %sub3A_1790 : vector<16xi32> to vector<16xi32>
    tpu.vector_store %arg6[%swap3A_1791], %swap3A_1794 {strides = array<i32>} : memref<3200xi32, #tpu.memory_space<vmem>>, vector<16xi32>,
    %get3A_1795 = arith.constant 2864 : index
    %get3A_1796 = tpu.vector_load %arg6[%get3A_1795] {strides = array<i32>} : memref<3200xi32, #tpu.memory_space<vmem>>, vector<16xi32>,
    %get3A_1797 = vector.shape_cast %get3A_1796 : vector<16xi32> to vector<16xi32>
    %sub3A_1798 = arith.constant 1 : i32
    %sub3A_1799 = vector.broadcast %sub3A_1798 : i32 to vector<16xi32>
    %sub3A_1800 = arith.subi %get3A_1797, %sub3A_1799 : vector<16xi32>
    %swap3A_1801 = arith.constant 2864 : index
    %swap3A_1802 = tpu.vector_load %arg6[%swap3A_1801] {strides = array<i32>} : memref<3200xi32, #tpu.memory_space<vmem>>, vector<16xi32>,
    %swap3A_1803 = vector.shape_cast %swap3A_1802 : vector<16xi32> to vector<16xi32>
    %swap3A_1804 = vector.shape_cast %sub3A_1800 : vector<16xi32> to vector<16xi32>
    tpu.vector_store %arg6[%swap3A_1801], %swap3A_1804 {strides = array<i32>} : memref<3200xi32, #tpu.memory_space<vmem>>, vector<16xi32>,
    %get3A_1805 = arith.constant 2880 : index
    %get3A_1806 = tpu.vector_load %arg6[%get3A_1805] {strides = array<i32>} : memref<3200xi32, #tpu.memory_space<vmem>>, vector<16xi32>,
    %get3A_1807 = vector.shape_cast %get3A_1806 : vector<16xi32> to vector<16xi32>
    %sub3A_1808 = arith.constant 1 : i32
    %sub3A_1809 = vector.broadcast %sub3A_1808 : i32 to vector<16xi32>
    %sub3A_1810 = arith.subi %get3A_1807, %sub3A_1809 : vector<16xi32>
    %swap3A_1811 = arith.constant 2880 : index
    %swap3A_1812 = tpu.vector_load %arg6[%swap3A_1811] {strides = array<i32>} : memref<3200xi32, #tpu.memory_space<vmem>>, vector<16xi32>,
    %swap3A_1813 = vector.shape_cast %swap3A_1812 : vector<16xi32> to vector<16xi32>
    %swap3A_1814 = vector.shape_cast %sub3A_1810 : vector<16xi32> to vector<16xi32>
    tpu.vector_store %arg6[%swap3A_1811], %swap3A_1814 {strides = array<i32>} : memref<3200xi32, #tpu.memory_space<vmem>>, vector<16xi32>,
    %get3A_1815 = arith.constant 2896 : index
    %get3A_1816 = tpu.vector_load %arg6[%get3A_1815] {strides = array<i32>} : memref<3200xi32, #tpu.memory_space<vmem>>, vector<16xi32>,
    %get3A_1817 = vector.shape_cast %get3A_1816 : vector<16xi32> to vector<16xi32>
    %sub3A_1818 = arith.constant 1 : i32
    %sub3A_1819 = vector.broadcast %sub3A_1818 : i32 to vector<16xi32>
    %sub3A_1820 = arith.subi %get3A_1817, %sub3A_1819 : vector<16xi32>
    %swap3A_1821 = arith.constant 2896 : index
    %swap3A_1822 = tpu.vector_load %arg6[%swap3A_1821] {strides = array<i32>} : memref<3200xi32, #tpu.memory_space<vmem>>, vector<16xi32>,
    %swap3A_1823 = vector.shape_cast %swap3A_1822 : vector<16xi32> to vector<16xi32>
    %swap3A_1824 = vector.shape_cast %sub3A_1820 : vector<16xi32> to vector<16xi32>
    tpu.vector_store %arg6[%swap3A_1821], %swap3A_1824 {strides = array<i32>} : memref<3200xi32, #tpu.memory_space<vmem>>, vector<16xi32>,
    %get3A_1825 = arith.constant 2912 : index
    %get3A_1826 = tpu.vector_load %arg6[%get3A_1825] {strides = array<i32>} : memref<3200xi32, #tpu.memory_space<vmem>>, vector<16xi32>,
    %get3A_1827 = vector.shape_cast %get3A_1826 : vector<16xi32> to vector<16xi32>
    %sub3A_1828 = arith.constant 1 : i32
    %sub3A_1829 = vector.broadcast %sub3A_1828 : i32 to vector<16xi32>
    %sub3A_1830 = arith.subi %get3A_1827, %sub3A_1829 : vector<16xi32>
    %swap3A_1831 = arith.constant 2912 : index
    %swap3A_1832 = tpu.vector_load %arg6[%swap3A_1831] {strides = array<i32>} : memref<3200xi32, #tpu.memory_space<vmem>>, vector<16xi32>,
    %swap3A_1833 = vector.shape_cast %swap3A_1832 : vector<16xi32> to vector<16xi32>
    %swap3A_1834 = vector.shape_cast %sub3A_1830 : vector<16xi32> to vector<16xi32>
    tpu.vector_store %arg6[%swap3A_1831], %swap3A_1834 {strides = array<i32>} : memref<3200xi32, #tpu.memory_space<vmem>>, vector<16xi32>,
    %get3A_1835 = arith.constant 2928 : index
    %get3A_1836 = tpu.vector_load %arg6[%get3A_1835] {strides = array<i32>} : memref<3200xi32, #tpu.memory_space<vmem>>, vector<16xi32>,
    %get3A_1837 = vector.shape_cast %get3A_1836 : vector<16xi32> to vector<16xi32>
    %sub3A_1838 = arith.constant 1 : i32
    %sub3A_1839 = vector.broadcast %sub3A_1838 : i32 to vector<16xi32>
    %sub3A_1840 = arith.subi %get3A_1837, %sub3A_1839 : vector<16xi32>
    %swap3A_1841 = arith.constant 2928 : index
    %swap3A_1842 = tpu.vector_load %arg6[%swap3A_1841] {strides = array<i32>} : memref<3200xi32, #tpu.memory_space<vmem>>, vector<16xi32>,
    %swap3A_1843 = vector.shape_cast %swap3A_1842 : vector<16xi32> to vector<16xi32>
    %swap3A_1844 = vector.shape_cast %sub3A_1840 : vector<16xi32> to vector<16xi32>
    tpu.vector_store %arg6[%swap3A_1841], %swap3A_1844 {strides = array<i32>} : memref<3200xi32, #tpu.memory_space<vmem>>, vector<16xi32>,
    %get3A_1845 = arith.constant 2944 : index
    %get3A_1846 = tpu.vector_load %arg6[%get3A_1845] {strides = array<i32>} : memref<3200xi32, #tpu.memory_space<vmem>>, vector<16xi32>,
    %get3A_1847 = vector.shape_cast %get3A_1846 : vector<16xi32> to vector<16xi32>
    %sub3A_1848 = arith.constant 1 : i32
    %sub3A_1849 = vector.broadcast %sub3A_1848 : i32 to vector<16xi32>
    %sub3A_1850 = arith.subi %get3A_1847, %sub3A_1849 : vector<16xi32>
    %swap3A_1851 = arith.constant 2944 : index
    %swap3A_1852 = tpu.vector_load %arg6[%swap3A_1851] {strides = array<i32>} : memref<3200xi32, #tpu.memory_space<vmem>>, vector<16xi32>,
    %swap3A_1853 = vector.shape_cast %swap3A_1852 : vector<16xi32> to vector<16xi32>
    %swap3A_1854 = vector.shape_cast %sub3A_1850 : vector<16xi32> to vector<16xi32>
    tpu.vector_store %arg6[%swap3A_1851], %swap3A_1854 {strides = array<i32>} : memref<3200xi32, #tpu.memory_space<vmem>>, vector<16xi32>,
    %get3A_1855 = arith.constant 2960 : index
    %get3A_1856 = tpu.vector_load %arg6[%get3A_1855] {strides = array<i32>} : memref<3200xi32, #tpu.memory_space<vmem>>, vector<16xi32>,
    %get3A_1857 = vector.shape_cast %get3A_1856 : vector<16xi32> to vector<16xi32>
    %sub3A_1858 = arith.constant 1 : i32
    %sub3A_1859 = vector.broadcast %sub3A_1858 : i32 to vector<16xi32>
    %sub3A_1860 = arith.subi %get3A_1857, %sub3A_1859 : vector<16xi32>
    %swap3A_1861 = arith.constant 2960 : index
    %swap3A_1862 = tpu.vector_load %arg6[%swap3A_1861] {strides = array<i32>} : memref<3200xi32, #tpu.memory_space<vmem>>, vector<16xi32>,
    %swap3A_1863 = vector.shape_cast %swap3A_1862 : vector<16xi32> to vector<16xi32>
    %swap3A_1864 = vector.shape_cast %sub3A_1860 : vector<16xi32> to vector<16xi32>
    tpu.vector_store %arg6[%swap3A_1861], %swap3A_1864 {strides = array<i32>} : memref<3200xi32, #tpu.memory_space<vmem>>, vector<16xi32>,
    %get3A_1865 = arith.constant 2976 : index
    %get3A_1866 = tpu.vector_load %arg6[%get3A_1865] {strides = array<i32>} : memref<3200xi32, #tpu.memory_space<vmem>>, vector<16xi32>,
    %get3A_1867 = vector.shape_cast %get3A_1866 : vector<16xi32> to vector<16xi32>
    %sub3A_1868 = arith.constant 1 : i32
    %sub3A_1869 = vector.broadcast %sub3A_1868 : i32 to vector<16xi32>
    %sub3A_1870 = arith.subi %get3A_1867, %sub3A_1869 : vector<16xi32>
    %swap3A_1871 = arith.constant 2976 : index
    %swap3A_1872 = tpu.vector_load %arg6[%swap3A_1871] {strides = array<i32>} : memref<3200xi32, #tpu.memory_space<vmem>>, vector<16xi32>,
    %swap3A_1873 = vector.shape_cast %swap3A_1872 : vector<16xi32> to vector<16xi32>
    %swap3A_1874 = vector.shape_cast %sub3A_1870 : vector<16xi32> to vector<16xi32>
    tpu.vector_store %arg6[%swap3A_1871], %swap3A_1874 {strides = array<i32>} : memref<3200xi32, #tpu.memory_space<vmem>>, vector<16xi32>,
    %get3A_1875 = arith.constant 2992 : index
    %get3A_1876 = tpu.vector_load %arg6[%get3A_1875] {strides = array<i32>} : memref<3200xi32, #tpu.memory_space<vmem>>, vector<16xi32>,
    %get3A_1877 = vector.shape_cast %get3A_1876 : vector<16xi32> to vector<16xi32>
    %sub3A_1878 = arith.constant 1 : i32
    %sub3A_1879 = vector.broadcast %sub3A_1878 : i32 to vector<16xi32>
    %sub3A_1880 = arith.subi %get3A_1877, %sub3A_1879 : vector<16xi32>
    %swap3A_1881 = arith.constant 2992 : index
    %swap3A_1882 = tpu.vector_load %arg6[%swap3A_1881] {strides = array<i32>} : memref<3200xi32, #tpu.memory_space<vmem>>, vector<16xi32>,
    %swap3A_1883 = vector.shape_cast %swap3A_1882 : vector<16xi32> to vector<16xi32>
    %swap3A_1884 = vector.shape_cast %sub3A_1880 : vector<16xi32> to vector<16xi32>
    tpu.vector_store %arg6[%swap3A_1881], %swap3A_1884 {strides = array<i32>} : memref<3200xi32, #tpu.memory_space<vmem>>, vector<16xi32>,
    %get3A_1885 = arith.constant 3008 : index
    %get3A_1886 = tpu.vector_load %arg6[%get3A_1885] {strides = array<i32>} : memref<3200xi32, #tpu.memory_space<vmem>>, vector<16xi32>,
    %get3A_1887 = vector.shape_cast %get3A_1886 : vector<16xi32> to vector<16xi32>
    %sub3A_1888 = arith.constant 1 : i32
    %sub3A_1889 = vector.broadcast %sub3A_1888 : i32 to vector<16xi32>
    %sub3A_1890 = arith.subi %get3A_1887, %sub3A_1889 : vector<16xi32>
    %swap3A_1891 = arith.constant 3008 : index
    %swap3A_1892 = tpu.vector_load %arg6[%swap3A_1891] {strides = array<i32>} : memref<3200xi32, #tpu.memory_space<vmem>>, vector<16xi32>,
    %swap3A_1893 = vector.shape_cast %swap3A_1892 : vector<16xi32> to vector<16xi32>
    %swap3A_1894 = vector.shape_cast %sub3A_1890 : vector<16xi32> to vector<16xi32>
    tpu.vector_store %arg6[%swap3A_1891], %swap3A_1894 {strides = array<i32>} : memref<3200xi32, #tpu.memory_space<vmem>>, vector<16xi32>,
    %get3A_1895 = arith.constant 3024 : index
    %get3A_1896 = tpu.vector_load %arg6[%get3A_1895] {strides = array<i32>} : memref<3200xi32, #tpu.memory_space<vmem>>, vector<16xi32>,
    %get3A_1897 = vector.shape_cast %get3A_1896 : vector<16xi32> to vector<16xi32>
    %sub3A_1898 = arith.constant 1 : i32
    %sub3A_1899 = vector.broadcast %sub3A_1898 : i32 to vector<16xi32>
    %sub3A_1900 = arith.subi %get3A_1897, %sub3A_1899 : vector<16xi32>
    %swap3A_1901 = arith.constant 3024 : index
    %swap3A_1902 = tpu.vector_load %arg6[%swap3A_1901] {strides = array<i32>} : memref<3200xi32, #tpu.memory_space<vmem>>, vector<16xi32>,
    %swap3A_1903 = vector.shape_cast %swap3A_1902 : vector<16xi32> to vector<16xi32>
    %swap3A_1904 = vector.shape_cast %sub3A_1900 : vector<16xi32> to vector<16xi32>
    tpu.vector_store %arg6[%swap3A_1901], %swap3A_1904 {strides = array<i32>} : memref<3200xi32, #tpu.memory_space<vmem>>, vector<16xi32>,
    %get3A_1905 = arith.constant 3040 : index
    %get3A_1906 = tpu.vector_load %arg6[%get3A_1905] {strides = array<i32>} : memref<3200xi32, #tpu.memory_space<vmem>>, vector<16xi32>,
    %get3A_1907 = vector.shape_cast %get3A_1906 : vector<16xi32> to vector<16xi32>
    %sub3A_1908 = arith.constant 1 : i32
    %sub3A_1909 = vector.broadcast %sub3A_1908 : i32 to vector<16xi32>
    %sub3A_1910 = arith.subi %get3A_1907, %sub3A_1909 : vector<16xi32>
    %swap3A_1911 = arith.constant 3040 : index
    %swap3A_1912 = tpu.vector_load %arg6[%swap3A_1911] {strides = array<i32>} : memref<3200xi32, #tpu.memory_space<vmem>>, vector<16xi32>,
    %swap3A_1913 = vector.shape_cast %swap3A_1912 : vector<16xi32> to vector<16xi32>
    %swap3A_1914 = vector.shape_cast %sub3A_1910 : vector<16xi32> to vector<16xi32>
    tpu.vector_store %arg6[%swap3A_1911], %swap3A_1914 {strides = array<i32>} : memref<3200xi32, #tpu.memory_space<vmem>>, vector<16xi32>,
    %get3A_1915 = arith.constant 3056 : index
    %get3A_1916 = tpu.vector_load %arg6[%get3A_1915] {strides = array<i32>} : memref<3200xi32, #tpu.memory_space<vmem>>, vector<16xi32>,
    %get3A_1917 = vector.shape_cast %get3A_1916 : vector<16xi32> to vector<16xi32>
    %sub3A_1918 = arith.constant 1 : i32
    %sub3A_1919 = vector.broadcast %sub3A_1918 : i32 to vector<16xi32>
    %sub3A_1920 = arith.subi %get3A_1917, %sub3A_1919 : vector<16xi32>
    %swap3A_1921 = arith.constant 3056 : index
    %swap3A_1922 = tpu.vector_load %arg6[%swap3A_1921] {strides = array<i32>} : memref<3200xi32, #tpu.memory_space<vmem>>, vector<16xi32>,
    %swap3A_1923 = vector.shape_cast %swap3A_1922 : vector<16xi32> to vector<16xi32>
    %swap3A_1924 = vector.shape_cast %sub3A_1920 : vector<16xi32> to vector<16xi32>
    tpu.vector_store %arg6[%swap3A_1921], %swap3A_1924 {strides = array<i32>} : memref<3200xi32, #tpu.memory_space<vmem>>, vector<16xi32>,
    %get3A_1925 = arith.constant 3072 : index
    %get3A_1926 = tpu.vector_load %arg6[%get3A_1925] {strides = array<i32>} : memref<3200xi32, #tpu.memory_space<vmem>>, vector<16xi32>,
    %get3A_1927 = vector.shape_cast %get3A_1926 : vector<16xi32> to vector<16xi32>
    %sub3A_1928 = arith.constant 1 : i32
    %sub3A_1929 = vector.broadcast %sub3A_1928 : i32 to vector<16xi32>
    %sub3A_1930 = arith.subi %get3A_1927, %sub3A_1929 : vector<16xi32>
    %swap3A_1931 = arith.constant 3072 : index
    %swap3A_1932 = tpu.vector_load %arg6[%swap3A_1931] {strides = array<i32>} : memref<3200xi32, #tpu.memory_space<vmem>>, vector<16xi32>,
    %swap3A_1933 = vector.shape_cast %swap3A_1932 : vector<16xi32> to vector<16xi32>
    %swap3A_1934 = vector.shape_cast %sub3A_1930 : vector<16xi32> to vector<16xi32>
    tpu.vector_store %arg6[%swap3A_1931], %swap3A_1934 {strides = array<i32>} : memref<3200xi32, #tpu.memory_space<vmem>>, vector<16xi32>,
    %get3A_1935 = arith.constant 3088 : index
    %get3A_1936 = tpu.vector_load %arg6[%get3A_1935] {strides = array<i32>} : memref<3200xi32, #tpu.memory_space<vmem>>, vector<16xi32>,
    %get3A_1937 = vector.shape_cast %get3A_1936 : vector<16xi32> to vector<16xi32>
    %sub3A_1938 = arith.constant 1 : i32
    %sub3A_1939 = vector.broadcast %sub3A_1938 : i32 to vector<16xi32>
    %sub3A_1940 = arith.subi %get3A_1937, %sub3A_1939 : vector<16xi32>
    %swap3A_1941 = arith.constant 3088 : index
    %swap3A_1942 = tpu.vector_load %arg6[%swap3A_1941] {strides = array<i32>} : memref<3200xi32, #tpu.memory_space<vmem>>, vector<16xi32>,
    %swap3A_1943 = vector.shape_cast %swap3A_1942 : vector<16xi32> to vector<16xi32>
    %swap3A_1944 = vector.shape_cast %sub3A_1940 : vector<16xi32> to vector<16xi32>
    tpu.vector_store %arg6[%swap3A_1941], %swap3A_1944 {strides = array<i32>} : memref<3200xi32, #tpu.memory_space<vmem>>, vector<16xi32>,
    %get3A_1945 = arith.constant 3104 : index
    %get3A_1946 = tpu.vector_load %arg6[%get3A_1945] {strides = array<i32>} : memref<3200xi32, #tpu.memory_space<vmem>>, vector<16xi32>,
    %get3A_1947 = vector.shape_cast %get3A_1946 : vector<16xi32> to vector<16xi32>
    %sub3A_1948 = arith.constant 1 : i32
    %sub3A_1949 = vector.broadcast %sub3A_1948 : i32 to vector<16xi32>
    %sub3A_1950 = arith.subi %get3A_1947, %sub3A_1949 : vector<16xi32>
    %swap3A_1951 = arith.constant 3104 : index
    %swap3A_1952 = tpu.vector_load %arg6[%swap3A_1951] {strides = array<i32>} : memref<3200xi32, #tpu.memory_space<vmem>>, vector<16xi32>,
    %swap3A_1953 = vector.shape_cast %swap3A_1952 : vector<16xi32> to vector<16xi32>
    %swap3A_1954 = vector.shape_cast %sub3A_1950 : vector<16xi32> to vector<16xi32>
    tpu.vector_store %arg6[%swap3A_1951], %swap3A_1954 {strides = array<i32>} : memref<3200xi32, #tpu.memory_space<vmem>>, vector<16xi32>,
    %get3A_1955 = arith.constant 3120 : index
    %get3A_1956 = tpu.vector_load %arg6[%get3A_1955] {strides = array<i32>} : memref<3200xi32, #tpu.memory_space<vmem>>, vector<16xi32>,
    %get3A_1957 = vector.shape_cast %get3A_1956 : vector<16xi32> to vector<16xi32>
    %sub3A_1958 = arith.constant 1 : i32
    %sub3A_1959 = vector.broadcast %sub3A_1958 : i32 to vector<16xi32>
    %sub3A_1960 = arith.subi %get3A_1957, %sub3A_1959 : vector<16xi32>
    %swap3A_1961 = arith.constant 3120 : index
    %swap3A_1962 = tpu.vector_load %arg6[%swap3A_1961] {strides = array<i32>} : memref<3200xi32, #tpu.memory_space<vmem>>, vector<16xi32>,
    %swap3A_1963 = vector.shape_cast %swap3A_1962 : vector<16xi32> to vector<16xi32>
    %swap3A_1964 = vector.shape_cast %sub3A_1960 : vector<16xi32> to vector<16xi32>
    tpu.vector_store %arg6[%swap3A_1961], %swap3A_1964 {strides = array<i32>} : memref<3200xi32, #tpu.memory_space<vmem>>, vector<16xi32>,
    %get3A_1965 = arith.constant 3136 : index
    %get3A_1966 = tpu.vector_load %arg6[%get3A_1965] {strides = array<i32>} : memref<3200xi32, #tpu.memory_space<vmem>>, vector<16xi32>,
    %get3A_1967 = vector.shape_cast %get3A_1966 : vector<16xi32> to vector<16xi32>
    %sub3A_1968 = arith.constant 1 : i32
    %sub3A_1969 = vector.broadcast %sub3A_1968 : i32 to vector<16xi32>
    %sub3A_1970 = arith.subi %get3A_1967, %sub3A_1969 : vector<16xi32>
    %swap3A_1971 = arith.constant 3136 : index
    %swap3A_1972 = tpu.vector_load %arg6[%swap3A_1971] {strides = array<i32>} : memref<3200xi32, #tpu.memory_space<vmem>>, vector<16xi32>,
    %swap3A_1973 = vector.shape_cast %swap3A_1972 : vector<16xi32> to vector<16xi32>
    %swap3A_1974 = vector.shape_cast %sub3A_1970 : vector<16xi32> to vector<16xi32>
    tpu.vector_store %arg6[%swap3A_1971], %swap3A_1974 {strides = array<i32>} : memref<3200xi32, #tpu.memory_space<vmem>>, vector<16xi32>,
    %get3A_1975 = arith.constant 3152 : index
    %get3A_1976 = tpu.vector_load %arg6[%get3A_1975] {strides = array<i32>} : memref<3200xi32, #tpu.memory_space<vmem>>, vector<16xi32>,
    %get3A_1977 = vector.shape_cast %get3A_1976 : vector<16xi32> to vector<16xi32>
    %sub3A_1978 = arith.constant 1 : i32
    %sub3A_1979 = vector.broadcast %sub3A_1978 : i32 to vector<16xi32>
    %sub3A_1980 = arith.subi %get3A_1977, %sub3A_1979 : vector<16xi32>
    %swap3A_1981 = arith.constant 3152 : index
    %swap3A_1982 = tpu.vector_load %arg6[%swap3A_1981] {strides = array<i32>} : memref<3200xi32, #tpu.memory_space<vmem>>, vector<16xi32>,
    %swap3A_1983 = vector.shape_cast %swap3A_1982 : vector<16xi32> to vector<16xi32>
    %swap3A_1984 = vector.shape_cast %sub3A_1980 : vector<16xi32> to vector<16xi32>
    tpu.vector_store %arg6[%swap3A_1981], %swap3A_1984 {strides = array<i32>} : memref<3200xi32, #tpu.memory_space<vmem>>, vector<16xi32>,
    %get3A_1985 = arith.constant 3168 : index
    %get3A_1986 = tpu.vector_load %arg6[%get3A_1985] {strides = array<i32>} : memref<3200xi32, #tpu.memory_space<vmem>>, vector<16xi32>,
    %get3A_1987 = vector.shape_cast %get3A_1986 : vector<16xi32> to vector<16xi32>
    %sub3A_1988 = arith.constant 1 : i32
    %sub3A_1989 = vector.broadcast %sub3A_1988 : i32 to vector<16xi32>
    %sub3A_1990 = arith.subi %get3A_1987, %sub3A_1989 : vector<16xi32>
    %swap3A_1991 = arith.constant 3168 : index
    %swap3A_1992 = tpu.vector_load %arg6[%swap3A_1991] {strides = array<i32>} : memref<3200xi32, #tpu.memory_space<vmem>>, vector<16xi32>,
    %swap3A_1993 = vector.shape_cast %swap3A_1992 : vector<16xi32> to vector<16xi32>
    %swap3A_1994 = vector.shape_cast %sub3A_1990 : vector<16xi32> to vector<16xi32>
    tpu.vector_store %arg6[%swap3A_1991], %swap3A_1994 {strides = array<i32>} : memref<3200xi32, #tpu.memory_space<vmem>>, vector<16xi32>,
    %get3A_1995 = arith.constant 3184 : index
    %get3A_1996 = tpu.vector_load %arg6[%get3A_1995] {strides = array<i32>} : memref<3200xi32, #tpu.memory_space<vmem>>, vector<16xi32>,
    %get3A_1997 = vector.shape_cast %get3A_1996 : vector<16xi32> to vector<16xi32>
    %sub3A_1998 = arith.constant 1 : i32
    %sub3A_1999 = vector.broadcast %sub3A_1998 : i32 to vector<16xi32>
    %sub3A_2000 = arith.subi %get3A_1997, %sub3A_1999 : vector<16xi32>
    %swap3A_2001 = arith.constant 3184 : index
    %swap3A_2002 = tpu.vector_load %arg6[%swap3A_2001] {strides = array<i32>} : memref<3200xi32, #tpu.memory_space<vmem>>, vector<16xi32>,
    %swap3A_2003 = vector.shape_cast %swap3A_2002 : vector<16xi32> to vector<16xi32>
    %swap3A_2004 = vector.shape_cast %sub3A_2000 : vector<16xi32> to vector<16xi32>
    tpu.vector_store %arg6[%swap3A_2001], %swap3A_2004 {strides = array<i32>} : memref<3200xi32, #tpu.memory_space<vmem>>, vector<16xi32>,
    %barrier3A = arith.constant 0 : index
    tpu.barrier barrier_id(%barrier3A)
    %dma_start3A_2005 = arith.constant 0 : i32
    %dma_start3A_2006 = arith.constant 0 : i32
    %dma_start3A_2007 = tpu.memref_slice %arg7[%dma_start3A_2005, %dma_start3A_2006] : memref<768x128xf32, #tpu.memory_space<vmem>> -> memref<128x128xf32, #tpu.memory_space<vmem>>
    %dma_start3A_2008 = arith.constant 0 : i32
    %dma_start3A_2009 = tpu.memref_slice %arg6[%dma_start3A_2008] : memref<3200xi32, #tpu.memory_space<vmem>> -> memref<128xi32, #tpu.memory_space<vmem>>
    %dma_start3A_2010 = arith.constant 0 : i32
    %dma_start3A_2011 = arith.constant 0 : i32
    %dma_start3A_2012 = tpu.memref_slice %arg5[%dma_start3A_2010, %dma_start3A_2011] : memref<93x128xf32, #tpu.memory_space<vmem_shared>> -> memref<93x128xf32, #tpu.memory_space<vmem_shared>>
    tpu.enqueue_indirect_dma source(%dma_start3A_2012 : memref<93x128xf32, #tpu.memory_space<vmem_shared>>) target(%dma_start3A_2007 : memref<128x128xf32, #tpu.memory_space<vmem>>) offsets(%dma_start3A_2009 : memref<128xi32, #tpu.memory_space<vmem>>) semaphore(%arg9 : memref<!tpu.dma_semaphore, #tpu.memory_space<semaphore_mem>>)
    %dma_start3A_2013 = arith.constant 128 : i32
    %dma_start3A_2014 = arith.constant 0 : i32
    %dma_start3A_2015 = tpu.memref_slice %arg7[%dma_start3A_2013, %dma_start3A_2014] : memref<768x128xf32, #tpu.memory_space<vmem>> -> memref<128x128xf32, #tpu.memory_space<vmem>>
    %dma_start3A_2016 = arith.constant 128 : i32
    %dma_start3A_2017 = tpu.memref_slice %arg6[%dma_start3A_2016] : memref<3200xi32, #tpu.memory_space<vmem>> -> memref<128xi32, #tpu.memory_space<vmem>>
    %dma_start3A_2018 = arith.constant 0 : i32
    %dma_start3A_2019 = arith.constant 0 : i32
    %dma_start3A_2020 = tpu.memref_slice %arg5[%dma_start3A_2018, %dma_start3A_2019] : memref<93x128xf32, #tpu.memory_space<vmem_shared>> -> memref<93x128xf32, #tpu.memory_space<vmem_shared>>
    tpu.enqueue_indirect_dma source(%dma_start3A_2020 : memref<93x128xf32, #tpu.memory_space<vmem_shared>>) target(%dma_start3A_2015 : memref<128x128xf32, #tpu.memory_space<vmem>>) offsets(%dma_start3A_2017 : memref<128xi32, #tpu.memory_space<vmem>>) semaphore(%arg10 : memref<!tpu.dma_semaphore, #tpu.memory_space<semaphore_mem>>)
    %dma_start3A_2021 = arith.constant 256 : i32
    %dma_start3A_2022 = arith.constant 0 : i32
    %dma_start3A_2023 = tpu.memref_slice %arg7[%dma_start3A_2021, %dma_start3A_2022] : memref<768x128xf32, #tpu.memory_space<vmem>> -> memref<128x128xf32, #tpu.memory_space<vmem>>
    %dma_start3A_2024 = arith.constant 256 : i32
    %dma_start3A_2025 = tpu.memref_slice %arg6[%dma_start3A_2024] : memref<3200xi32, #tpu.memory_space<vmem>> -> memref<128xi32, #tpu.memory_space<vmem>>
    %dma_start3A_2026 = arith.constant 0 : i32
    %dma_start3A_2027 = arith.constant 0 : i32
    %dma_start3A_2028 = tpu.memref_slice %arg5[%dma_start3A_2026, %dma_start3A_2027] : memref<93x128xf32, #tpu.memory_space<vmem_shared>> -> memref<93x128xf32, #tpu.memory_space<vmem_shared>>
    tpu.enqueue_indirect_dma source(%dma_start3A_2028 : memref<93x128xf32, #tpu.memory_space<vmem_shared>>) target(%dma_start3A_2023 : memref<128x128xf32, #tpu.memory_space<vmem>>) offsets(%dma_start3A_2025 : memref<128xi32, #tpu.memory_space<vmem>>) semaphore(%arg11 : memref<!tpu.dma_semaphore, #tpu.memory_space<semaphore_mem>>)
    %dma_start3A_2029 = arith.constant 384 : i32
    %dma_start3A_2030 = arith.constant 0 : i32
    %dma_start3A_2031 = tpu.memref_slice %arg7[%dma_start3A_2029, %dma_start3A_2030] : memref<768x128xf32, #tpu.memory_space<vmem>> -> memref<128x128xf32, #tpu.memory_space<vmem>>
    %dma_start3A_2032 = arith.constant 384 : i32
    %dma_start3A_2033 = tpu.memref_slice %arg6[%dma_start3A_2032] : memref<3200xi32, #tpu.memory_space<vmem>> -> memref<128xi32, #tpu.memory_space<vmem>>
    %dma_start3A_2034 = arith.constant 0 : i32
    %dma_start3A_2035 = arith.constant 0 : i32
    %dma_start3A_2036 = tpu.memref_slice %arg5[%dma_start3A_2034, %dma_start3A_2035] : memref<93x128xf32, #tpu.memory_space<vmem_shared>> -> memref<93x128xf32, #tpu.memory_space<vmem_shared>>
    tpu.enqueue_indirect_dma source(%dma_start3A_2036 : memref<93x128xf32, #tpu.memory_space<vmem_shared>>) target(%dma_start3A_2031 : memref<128x128xf32, #tpu.memory_space<vmem>>) offsets(%dma_start3A_2033 : memref<128xi32, #tpu.memory_space<vmem>>) semaphore(%arg12 : memref<!tpu.dma_semaphore, #tpu.memory_space<semaphore_mem>>)
    %dma_start3A_2037 = arith.constant 512 : i32
    %dma_start3A_2038 = arith.constant 0 : i32
    %dma_start3A_2039 = tpu.memref_slice %arg7[%dma_start3A_2037, %dma_start3A_2038] : memref<768x128xf32, #tpu.memory_space<vmem>> -> memref<128x128xf32, #tpu.memory_space<vmem>>
    %dma_start3A_2040 = arith.constant 512 : i32
    %dma_start3A_2041 = tpu.memref_slice %arg6[%dma_start3A_2040] : memref<3200xi32, #tpu.memory_space<vmem>> -> memref<128xi32, #tpu.memory_space<vmem>>
    %dma_start3A_2042 = arith.constant 0 : i32
    %dma_start3A_2043 = arith.constant 0 : i32
    %dma_start3A_2044 = tpu.memref_slice %arg5[%dma_start3A_2042, %dma_start3A_2043] : memref<93x128xf32, #tpu.memory_space<vmem_shared>> -> memref<93x128xf32, #tpu.memory_space<vmem_shared>>
    tpu.enqueue_indirect_dma source(%dma_start3A_2044 : memref<93x128xf32, #tpu.memory_space<vmem_shared>>) target(%dma_start3A_2039 : memref<128x128xf32, #tpu.memory_space<vmem>>) offsets(%dma_start3A_2041 : memref<128xi32, #tpu.memory_space<vmem>>) semaphore(%arg13 : memref<!tpu.dma_semaphore, #tpu.memory_space<semaphore_mem>>)
    %dma_start3A_2045 = arith.constant 640 : i32
    %dma_start3A_2046 = arith.constant 0 : i32
    %dma_start3A_2047 = tpu.memref_slice %arg7[%dma_start3A_2045, %dma_start3A_2046] : memref<768x128xf32, #tpu.memory_space<vmem>> -> memref<128x128xf32, #tpu.memory_space<vmem>>
    %dma_start3A_2048 = arith.constant 640 : i32
    %dma_start3A_2049 = tpu.memref_slice %arg6[%dma_start3A_2048] : memref<3200xi32, #tpu.memory_space<vmem>> -> memref<128xi32, #tpu.memory_space<vmem>>
    %dma_start3A_2050 = arith.constant 0 : i32
    %dma_start3A_2051 = arith.constant 0 : i32
    %dma_start3A_2052 = tpu.memref_slice %arg5[%dma_start3A_2050, %dma_start3A_2051] : memref<93x128xf32, #tpu.memory_space<vmem_shared>> -> memref<93x128xf32, #tpu.memory_space<vmem_shared>>
    tpu.enqueue_indirect_dma source(%dma_start3A_2052 : memref<93x128xf32, #tpu.memory_space<vmem_shared>>) target(%dma_start3A_2047 : memref<128x128xf32, #tpu.memory_space<vmem>>) offsets(%dma_start3A_2049 : memref<128xi32, #tpu.memory_space<vmem>>) semaphore(%arg14 : memref<!tpu.dma_semaphore, #tpu.memory_space<semaphore_mem>>)
    %dma_wait3A_2053 = arith.constant 0 : i32
    %dma_wait3A_2054 = arith.constant 0 : i32
    %dma_wait3A_2055 = tpu.memref_slice %arg7[%dma_wait3A_2053, %dma_wait3A_2054] : memref<768x128xf32, #tpu.memory_space<vmem>> -> memref<128x128xf32, #tpu.memory_space<vmem>>
    %dma_wait3A_2056 = arith.constant 0 : i32
    %dma_wait3A_2057 = tpu.memref_slice %arg6[%dma_wait3A_2056] : memref<3200xi32, #tpu.memory_space<vmem>> -> memref<128xi32, #tpu.memory_space<vmem>>
    %dma_wait3A_2058 = arith.constant 0 : i32
    %dma_wait3A_2059 = arith.constant 0 : i32
    %dma_wait3A_2060 = tpu.memref_slice %arg5[%dma_wait3A_2058, %dma_wait3A_2059] : memref<93x128xf32, #tpu.memory_space<vmem_shared>> -> memref<93x128xf32, #tpu.memory_space<vmem_shared>>
    tpu.wait_indirect_dma semaphore(%arg9 : memref<!tpu.dma_semaphore, #tpu.memory_space<semaphore_mem>>) src(%dma_wait3A_2060 : memref<93x128xf32, #tpu.memory_space<vmem_shared>>) dst(%dma_wait3A_2055 : memref<128x128xf32, #tpu.memory_space<vmem>>)
    %dma_wait3A_2061 = arith.constant 128 : i32
    %dma_wait3A_2062 = arith.constant 0 : i32
    %dma_wait3A_2063 = tpu.memref_slice %arg7[%dma_wait3A_2061, %dma_wait3A_2062] : memref<768x128xf32, #tpu.memory_space<vmem>> -> memref<128x128xf32, #tpu.memory_space<vmem>>
    %dma_wait3A_2064 = arith.constant 128 : i32
    %dma_wait3A_2065 = tpu.memref_slice %arg6[%dma_wait3A_2064] : memref<3200xi32, #tpu.memory_space<vmem>> -> memref<128xi32, #tpu.memory_space<vmem>>
    %dma_wait3A_2066 = arith.constant 0 : i32
    %dma_wait3A_2067 = arith.constant 0 : i32
    %dma_wait3A_2068 = tpu.memref_slice %arg5[%dma_wait3A_2066, %dma_wait3A_2067] : memref<93x128xf32, #tpu.memory_space<vmem_shared>> -> memref<93x128xf32, #tpu.memory_space<vmem_shared>>
    tpu.wait_indirect_dma semaphore(%arg10 : memref<!tpu.dma_semaphore, #tpu.memory_space<semaphore_mem>>) src(%dma_wait3A_2068 : memref<93x128xf32, #tpu.memory_space<vmem_shared>>) dst(%dma_wait3A_2063 : memref<128x128xf32, #tpu.memory_space<vmem>>)
    %dma_wait3A_2069 = arith.constant 256 : i32
    %dma_wait3A_2070 = arith.constant 0 : i32
    %dma_wait3A_2071 = tpu.memref_slice %arg7[%dma_wait3A_2069, %dma_wait3A_2070] : memref<768x128xf32, #tpu.memory_space<vmem>> -> memref<128x128xf32, #tpu.memory_space<vmem>>
    %dma_wait3A_2072 = arith.constant 256 : i32
    %dma_wait3A_2073 = tpu.memref_slice %arg6[%dma_wait3A_2072] : memref<3200xi32, #tpu.memory_space<vmem>> -> memref<128xi32, #tpu.memory_space<vmem>>
    %dma_wait3A_2074 = arith.constant 0 : i32
    %dma_wait3A_2075 = arith.constant 0 : i32
    %dma_wait3A_2076 = tpu.memref_slice %arg5[%dma_wait3A_2074, %dma_wait3A_2075] : memref<93x128xf32, #tpu.memory_space<vmem_shared>> -> memref<93x128xf32, #tpu.memory_space<vmem_shared>>
    tpu.wait_indirect_dma semaphore(%arg11 : memref<!tpu.dma_semaphore, #tpu.memory_space<semaphore_mem>>) src(%dma_wait3A_2076 : memref<93x128xf32, #tpu.memory_space<vmem_shared>>) dst(%dma_wait3A_2071 : memref<128x128xf32, #tpu.memory_space<vmem>>)
    %add3A_2077 = arith.constant 0 : i32
    %add3A_2078 = arith.addi %min3A_3, %add3A_2077 : i32
    %dma_start3A_2079 = arith.constant 0 : i32
    %dma_start3A_2080 = arith.constant 0 : i32
    %dma_start3A_2081 = tpu.memref_slice %arg7[%dma_start3A_2079, %dma_start3A_2080] : memref<768x128xf32, #tpu.memory_space<vmem>> -> memref<384x128xf32, #tpu.memory_space<vmem>>
    %dma_start3A_2082 = arith.constant 0 : i32
    %dma_start3A_2083 = tpu.memref_slice %arg4[%add3A_2078, %dma_start3A_2082] : memref<100000x128xf32, #tpu.memory_space<hbm>> -> memref<384x128xf32, #tpu.memory_space<hbm>>
    %dma_start3A_2084 = arith.constant 0 : i32
    %dma_start3A_2085 = tpu.memref_slice %arg4[%add3A_2078, %dma_start3A_2084] : memref<100000x128xf32, #tpu.memory_space<hbm>> -> memref<384x128xf32, #tpu.memory_space<hbm>>
    %dma_start3A_2086 = arith.constant 0 : i32
    %dma_start3A_2087 = arith.constant 0 : i32
    %dma_start3A_2088 = tpu.memref_slice %arg7[%dma_start3A_2086, %dma_start3A_2087] : memref<768x128xf32, #tpu.memory_space<vmem>> -> memref<384x128xf32, #tpu.memory_space<vmem>>
    tpu.enqueue_dma source(%dma_start3A_2088 : memref<384x128xf32, #tpu.memory_space<vmem>>) target(%dma_start3A_2085 : memref<384x128xf32, #tpu.memory_space<hbm>>) target_semaphore(%arg15 : memref<!tpu.dma_semaphore, #tpu.memory_space<semaphore_mem>>)
    %dma_wait3A_2089 = arith.constant 0 : i32
    %dma_wait3A_2090 = arith.constant 0 : i32
    %dma_wait3A_2091 = tpu.memref_slice %arg7[%dma_wait3A_2089, %dma_wait3A_2090] : memref<768x128xf32, #tpu.memory_space<vmem>> -> memref<384x128xf32, #tpu.memory_space<vmem>>
    %dma_wait3A_2092 = arith.constant 0 : i32
    %dma_wait3A_2093 = tpu.memref_slice %arg4[%add3A_2078, %dma_wait3A_2092] : memref<100000x128xf32, #tpu.memory_space<hbm>> -> memref<384x128xf32, #tpu.memory_space<hbm>>
    %dma_wait3A_2094 = arith.constant 0 : i32
    %dma_wait3A_2095 = tpu.memref_slice %arg4[%add3A_2078, %dma_wait3A_2094] : memref<100000x128xf32, #tpu.memory_space<hbm>> -> memref<384x128xf32, #tpu.memory_space<hbm>>
    %dma_wait3A_2096 = arith.constant 0 : i32
    %dma_wait3A_2097 = arith.constant 0 : i32
    %dma_wait3A_2098 = tpu.memref_slice %arg7[%dma_wait3A_2096, %dma_wait3A_2097] : memref<768x128xf32, #tpu.memory_space<vmem>> -> memref<384x128xf32, #tpu.memory_space<vmem>>
    tpu.wait_dma2 semaphore(%arg15 : memref<!tpu.dma_semaphore, #tpu.memory_space<semaphore_mem>>) src(%dma_wait3A_2098 : memref<384x128xf32, #tpu.memory_space<vmem>>) dst(%dma_wait3A_2095 : memref<384x128xf32, #tpu.memory_space<hbm>>)
    %dma_start3A_2099 = arith.constant 0 : i32
    %dma_start3A_2100 = arith.constant 0 : i32
    %dma_start3A_2101 = tpu.memref_slice %arg7[%dma_start3A_2099, %dma_start3A_2100] : memref<768x128xf32, #tpu.memory_space<vmem>> -> memref<128x128xf32, #tpu.memory_space<vmem>>
    %dma_start3A_2102 = arith.constant 768 : i32
    %dma_start3A_2103 = tpu.memref_slice %arg6[%dma_start3A_2102] : memref<3200xi32, #tpu.memory_space<vmem>> -> memref<128xi32, #tpu.memory_space<vmem>>
    %dma_start3A_2104 = arith.constant 0 : i32
    %dma_start3A_2105 = arith.constant 0 : i32
    %dma_start3A_2106 = tpu.memref_slice %arg5[%dma_start3A_2104, %dma_start3A_2105] : memref<93x128xf32, #tpu.memory_space<vmem_shared>> -> memref<93x128xf32, #tpu.memory_space<vmem_shared>>
    tpu.enqueue_indirect_dma source(%dma_start3A_2106 : memref<93x128xf32, #tpu.memory_space<vmem_shared>>) target(%dma_start3A_2101 : memref<128x128xf32, #tpu.memory_space<vmem>>) offsets(%dma_start3A_2103 : memref<128xi32, #tpu.memory_space<vmem>>) semaphore(%arg9 : memref<!tpu.dma_semaphore, #tpu.memory_space<semaphore_mem>>)
    %dma_start3A_2107 = arith.constant 128 : i32
    %dma_start3A_2108 = arith.constant 0 : i32
    %dma_start3A_2109 = tpu.memref_slice %arg7[%dma_start3A_2107, %dma_start3A_2108] : memref<768x128xf32, #tpu.memory_space<vmem>> -> memref<128x128xf32, #tpu.memory_space<vmem>>
    %dma_start3A_2110 = arith.constant 896 : i32
    %dma_start3A_2111 = tpu.memref_slice %arg6[%dma_start3A_2110] : memref<3200xi32, #tpu.memory_space<vmem>> -> memref<128xi32, #tpu.memory_space<vmem>>
    %dma_start3A_2112 = arith.constant 0 : i32
    %dma_start3A_2113 = arith.constant 0 : i32
    %dma_start3A_2114 = tpu.memref_slice %arg5[%dma_start3A_2112, %dma_start3A_2113] : memref<93x128xf32, #tpu.memory_space<vmem_shared>> -> memref<93x128xf32, #tpu.memory_space<vmem_shared>>
    tpu.enqueue_indirect_dma source(%dma_start3A_2114 : memref<93x128xf32, #tpu.memory_space<vmem_shared>>) target(%dma_start3A_2109 : memref<128x128xf32, #tpu.memory_space<vmem>>) offsets(%dma_start3A_2111 : memref<128xi32, #tpu.memory_space<vmem>>) semaphore(%arg10 : memref<!tpu.dma_semaphore, #tpu.memory_space<semaphore_mem>>)
    %dma_start3A_2115 = arith.constant 256 : i32
    %dma_start3A_2116 = arith.constant 0 : i32
    %dma_start3A_2117 = tpu.memref_slice %arg7[%dma_start3A_2115, %dma_start3A_2116] : memref<768x128xf32, #tpu.memory_space<vmem>> -> memref<128x128xf32, #tpu.memory_space<vmem>>
    %dma_start3A_2118 = arith.constant 1024 : i32
    %dma_start3A_2119 = tpu.memref_slice %arg6[%dma_start3A_2118] : memref<3200xi32, #tpu.memory_space<vmem>> -> memref<128xi32, #tpu.memory_space<vmem>>
    %dma_start3A_2120 = arith.constant 0 : i32
    %dma_start3A_2121 = arith.constant 0 : i32
    %dma_start3A_2122 = tpu.memref_slice %arg5[%dma_start3A_2120, %dma_start3A_2121] : memref<93x128xf32, #tpu.memory_space<vmem_shared>> -> memref<93x128xf32, #tpu.memory_space<vmem_shared>>
    tpu.enqueue_indirect_dma source(%dma_start3A_2122 : memref<93x128xf32, #tpu.memory_space<vmem_shared>>) target(%dma_start3A_2117 : memref<128x128xf32, #tpu.memory_space<vmem>>) offsets(%dma_start3A_2119 : memref<128xi32, #tpu.memory_space<vmem>>) semaphore(%arg11 : memref<!tpu.dma_semaphore, #tpu.memory_space<semaphore_mem>>)
    %dma_wait3A_2123 = arith.constant 384 : i32
    %dma_wait3A_2124 = arith.constant 0 : i32
    %dma_wait3A_2125 = tpu.memref_slice %arg7[%dma_wait3A_2123, %dma_wait3A_2124] : memref<768x128xf32, #tpu.memory_space<vmem>> -> memref<128x128xf32, #tpu.memory_space<vmem>>
    %dma_wait3A_2126 = arith.constant 384 : i32
    %dma_wait3A_2127 = tpu.memref_slice %arg6[%dma_wait3A_2126] : memref<3200xi32, #tpu.memory_space<vmem>> -> memref<128xi32, #tpu.memory_space<vmem>>
    %dma_wait3A_2128 = arith.constant 0 : i32
    %dma_wait3A_2129 = arith.constant 0 : i32
    %dma_wait3A_2130 = tpu.memref_slice %arg5[%dma_wait3A_2128, %dma_wait3A_2129] : memref<93x128xf32, #tpu.memory_space<vmem_shared>> -> memref<93x128xf32, #tpu.memory_space<vmem_shared>>
    tpu.wait_indirect_dma semaphore(%arg12 : memref<!tpu.dma_semaphore, #tpu.memory_space<semaphore_mem>>) src(%dma_wait3A_2130 : memref<93x128xf32, #tpu.memory_space<vmem_shared>>) dst(%dma_wait3A_2125 : memref<128x128xf32, #tpu.memory_space<vmem>>)
    %dma_wait3A_2131 = arith.constant 512 : i32
    %dma_wait3A_2132 = arith.constant 0 : i32
    %dma_wait3A_2133 = tpu.memref_slice %arg7[%dma_wait3A_2131, %dma_wait3A_2132] : memref<768x128xf32, #tpu.memory_space<vmem>> -> memref<128x128xf32, #tpu.memory_space<vmem>>
    %dma_wait3A_2134 = arith.constant 512 : i32
    %dma_wait3A_2135 = tpu.memref_slice %arg6[%dma_wait3A_2134] : memref<3200xi32, #tpu.memory_space<vmem>> -> memref<128xi32, #tpu.memory_space<vmem>>
    %dma_wait3A_2136 = arith.constant 0 : i32
    %dma_wait3A_2137 = arith.constant 0 : i32
    %dma_wait3A_2138 = tpu.memref_slice %arg5[%dma_wait3A_2136, %dma_wait3A_2137] : memref<93x128xf32, #tpu.memory_space<vmem_shared>> -> memref<93x128xf32, #tpu.memory_space<vmem_shared>>
    tpu.wait_indirect_dma semaphore(%arg13 : memref<!tpu.dma_semaphore, #tpu.memory_space<semaphore_mem>>) src(%dma_wait3A_2138 : memref<93x128xf32, #tpu.memory_space<vmem_shared>>) dst(%dma_wait3A_2133 : memref<128x128xf32, #tpu.memory_space<vmem>>)
    %dma_wait3A_2139 = arith.constant 640 : i32
    %dma_wait3A_2140 = arith.constant 0 : i32
    %dma_wait3A_2141 = tpu.memref_slice %arg7[%dma_wait3A_2139, %dma_wait3A_2140] : memref<768x128xf32, #tpu.memory_space<vmem>> -> memref<128x128xf32, #tpu.memory_space<vmem>>
    %dma_wait3A_2142 = arith.constant 640 : i32
    %dma_wait3A_2143 = tpu.memref_slice %arg6[%dma_wait3A_2142] : memref<3200xi32, #tpu.memory_space<vmem>> -> memref<128xi32, #tpu.memory_space<vmem>>
    %dma_wait3A_2144 = arith.constant 0 : i32
    %dma_wait3A_2145 = arith.constant 0 : i32
    %dma_wait3A_2146 = tpu.memref_slice %arg5[%dma_wait3A_2144, %dma_wait3A_2145] : memref<93x128xf32, #tpu.memory_space<vmem_shared>> -> memref<93x128xf32, #tpu.memory_space<vmem_shared>>
    tpu.wait_indirect_dma semaphore(%arg14 : memref<!tpu.dma_semaphore, #tpu.memory_space<semaphore_mem>>) src(%dma_wait3A_2146 : memref<93x128xf32, #tpu.memory_space<vmem_shared>>) dst(%dma_wait3A_2141 : memref<128x128xf32, #tpu.memory_space<vmem>>)
    %add3A_2147 = arith.constant 384 : i32
    %add3A_2148 = arith.addi %min3A_3, %add3A_2147 : i32
    %dma_start3A_2149 = arith.constant 384 : i32
    %dma_start3A_2150 = arith.constant 0 : i32
    %dma_start3A_2151 = tpu.memref_slice %arg7[%dma_start3A_2149, %dma_start3A_2150] : memref<768x128xf32, #tpu.memory_space<vmem>> -> memref<384x128xf32, #tpu.memory_space<vmem>>
    %dma_start3A_2152 = arith.constant 0 : i32
    %dma_start3A_2153 = tpu.memref_slice %arg4[%add3A_2148, %dma_start3A_2152] : memref<100000x128xf32, #tpu.memory_space<hbm>> -> memref<384x128xf32, #tpu.memory_space<hbm>>
    %dma_start3A_2154 = arith.constant 0 : i32
    %dma_start3A_2155 = tpu.memref_slice %arg4[%add3A_2148, %dma_start3A_2154] : memref<100000x128xf32, #tpu.memory_space<hbm>> -> memref<384x128xf32, #tpu.memory_space<hbm>>
    %dma_start3A_2156 = arith.constant 384 : i32
    %dma_start3A_2157 = arith.constant 0 : i32
    %dma_start3A_2158 = tpu.memref_slice %arg7[%dma_start3A_2156, %dma_start3A_2157] : memref<768x128xf32, #tpu.memory_space<vmem>> -> memref<384x128xf32, #tpu.memory_space<vmem>>
    tpu.enqueue_dma source(%dma_start3A_2158 : memref<384x128xf32, #tpu.memory_space<vmem>>) target(%dma_start3A_2155 : memref<384x128xf32, #tpu.memory_space<hbm>>) target_semaphore(%arg16 : memref<!tpu.dma_semaphore, #tpu.memory_space<semaphore_mem>>)
    %dma_wait3A_2159 = arith.constant 384 : i32
    %dma_wait3A_2160 = arith.constant 0 : i32
    %dma_wait3A_2161 = tpu.memref_slice %arg7[%dma_wait3A_2159, %dma_wait3A_2160] : memref<768x128xf32, #tpu.memory_space<vmem>> -> memref<384x128xf32, #tpu.memory_space<vmem>>
    %dma_wait3A_2162 = arith.constant 0 : i32
    %dma_wait3A_2163 = tpu.memref_slice %arg4[%add3A_2148, %dma_wait3A_2162] : memref<100000x128xf32, #tpu.memory_space<hbm>> -> memref<384x128xf32, #tpu.memory_space<hbm>>
    %dma_wait3A_2164 = arith.constant 0 : i32
    %dma_wait3A_2165 = tpu.memref_slice %arg4[%add3A_2148, %dma_wait3A_2164] : memref<100000x128xf32, #tpu.memory_space<hbm>> -> memref<384x128xf32, #tpu.memory_space<hbm>>
    %dma_wait3A_2166 = arith.constant 384 : i32
    %dma_wait3A_2167 = arith.constant 0 : i32
    %dma_wait3A_2168 = tpu.memref_slice %arg7[%dma_wait3A_2166, %dma_wait3A_2167] : memref<768x128xf32, #tpu.memory_space<vmem>> -> memref<384x128xf32, #tpu.memory_space<vmem>>
    tpu.wait_dma2 semaphore(%arg16 : memref<!tpu.dma_semaphore, #tpu.memory_space<semaphore_mem>>) src(%dma_wait3A_2168 : memref<384x128xf32, #tpu.memory_space<vmem>>) dst(%dma_wait3A_2165 : memref<384x128xf32, #tpu.memory_space<hbm>>)
    %dma_start3A_2169 = arith.constant 384 : i32
    %dma_start3A_2170 = arith.constant 0 : i32
    %dma_start3A_2171 = tpu.memref_slice %arg7[%dma_start3A_2169, %dma_start3A_2170] : memref<768x128xf32, #tpu.memory_space<vmem>> -> memref<128x128xf32, #tpu.memory_space<vmem>>
    %dma_start3A_2172 = arith.constant 1152 : i32
    %dma_start3A_2173 = tpu.memref_slice %arg6[%dma_start3A_2172] : memref<3200xi32, #tpu.memory_space<vmem>> -> memref<128xi32, #tpu.memory_space<vmem>>
    %dma_start3A_2174 = arith.constant 0 : i32
    %dma_start3A_2175 = arith.constant 0 : i32
    %dma_start3A_2176 = tpu.memref_slice %arg5[%dma_start3A_2174, %dma_start3A_2175] : memref<93x128xf32, #tpu.memory_space<vmem_shared>> -> memref<93x128xf32, #tpu.memory_space<vmem_shared>>
    tpu.enqueue_indirect_dma source(%dma_start3A_2176 : memref<93x128xf32, #tpu.memory_space<vmem_shared>>) target(%dma_start3A_2171 : memref<128x128xf32, #tpu.memory_space<vmem>>) offsets(%dma_start3A_2173 : memref<128xi32, #tpu.memory_space<vmem>>) semaphore(%arg12 : memref<!tpu.dma_semaphore, #tpu.memory_space<semaphore_mem>>)
    %dma_start3A_2177 = arith.constant 512 : i32
    %dma_start3A_2178 = arith.constant 0 : i32
    %dma_start3A_2179 = tpu.memref_slice %arg7[%dma_start3A_2177, %dma_start3A_2178] : memref<768x128xf32, #tpu.memory_space<vmem>> -> memref<128x128xf32, #tpu.memory_space<vmem>>
    %dma_start3A_2180 = arith.constant 1280 : i32
    %dma_start3A_2181 = tpu.memref_slice %arg6[%dma_start3A_2180] : memref<3200xi32, #tpu.memory_space<vmem>> -> memref<128xi32, #tpu.memory_space<vmem>>
    %dma_start3A_2182 = arith.constant 0 : i32
    %dma_start3A_2183 = arith.constant 0 : i32
    %dma_start3A_2184 = tpu.memref_slice %arg5[%dma_start3A_2182, %dma_start3A_2183] : memref<93x128xf32, #tpu.memory_space<vmem_shared>> -> memref<93x128xf32, #tpu.memory_space<vmem_shared>>
    tpu.enqueue_indirect_dma source(%dma_start3A_2184 : memref<93x128xf32, #tpu.memory_space<vmem_shared>>) target(%dma_start3A_2179 : memref<128x128xf32, #tpu.memory_space<vmem>>) offsets(%dma_start3A_2181 : memref<128xi32, #tpu.memory_space<vmem>>) semaphore(%arg13 : memref<!tpu.dma_semaphore, #tpu.memory_space<semaphore_mem>>)
    %dma_start3A_2185 = arith.constant 640 : i32
    %dma_start3A_2186 = arith.constant 0 : i32
    %dma_start3A_2187 = tpu.memref_slice %arg7[%dma_start3A_2185, %dma_start3A_2186] : memref<768x128xf32, #tpu.memory_space<vmem>> -> memref<128x128xf32, #tpu.memory_space<vmem>>
    %dma_start3A_2188 = arith.constant 1408 : i32
    %dma_start3A_2189 = tpu.memref_slice %arg6[%dma_start3A_2188] : memref<3200xi32, #tpu.memory_space<vmem>> -> memref<128xi32, #tpu.memory_space<vmem>>
    %dma_start3A_2190 = arith.constant 0 : i32
    %dma_start3A_2191 = arith.constant 0 : i32
    %dma_start3A_2192 = tpu.memref_slice %arg5[%dma_start3A_2190, %dma_start3A_2191] : memref<93x128xf32, #tpu.memory_space<vmem_shared>> -> memref<93x128xf32, #tpu.memory_space<vmem_shared>>
    tpu.enqueue_indirect_dma source(%dma_start3A_2192 : memref<93x128xf32, #tpu.memory_space<vmem_shared>>) target(%dma_start3A_2187 : memref<128x128xf32, #tpu.memory_space<vmem>>) offsets(%dma_start3A_2189 : memref<128xi32, #tpu.memory_space<vmem>>) semaphore(%arg14 : memref<!tpu.dma_semaphore, #tpu.memory_space<semaphore_mem>>)
    %dma_wait3A_2193 = arith.constant 0 : i32
    %dma_wait3A_2194 = arith.constant 0 : i32
    %dma_wait3A_2195 = tpu.memref_slice %arg7[%dma_wait3A_2193, %dma_wait3A_2194] : memref<768x128xf32, #tpu.memory_space<vmem>> -> memref<128x128xf32, #tpu.memory_space<vmem>>
    %dma_wait3A_2196 = arith.constant 768 : i32
    %dma_wait3A_2197 = tpu.memref_slice %arg6[%dma_wait3A_2196] : memref<3200xi32, #tpu.memory_space<vmem>> -> memref<128xi32, #tpu.memory_space<vmem>>
    %dma_wait3A_2198 = arith.constant 0 : i32
    %dma_wait3A_2199 = arith.constant 0 : i32
    %dma_wait3A_2200 = tpu.memref_slice %arg5[%dma_wait3A_2198, %dma_wait3A_2199] : memref<93x128xf32, #tpu.memory_space<vmem_shared>> -> memref<93x128xf32, #tpu.memory_space<vmem_shared>>
    tpu.wait_indirect_dma semaphore(%arg9 : memref<!tpu.dma_semaphore, #tpu.memory_space<semaphore_mem>>) src(%dma_wait3A_2200 : memref<93x128xf32, #tpu.memory_space<vmem_shared>>) dst(%dma_wait3A_2195 : memref<128x128xf32, #tpu.memory_space<vmem>>)
    %dma_wait3A_2201 = arith.constant 128 : i32
    %dma_wait3A_2202 = arith.constant 0 : i32
    %dma_wait3A_2203 = tpu.memref_slice %arg7[%dma_wait3A_2201, %dma_wait3A_2202] : memref<768x128xf32, #tpu.memory_space<vmem>> -> memref<128x128xf32, #tpu.memory_space<vmem>>
    %dma_wait3A_2204 = arith.constant 896 : i32
    %dma_wait3A_2205 = tpu.memref_slice %arg6[%dma_wait3A_2204] : memref<3200xi32, #tpu.memory_space<vmem>> -> memref<128xi32, #tpu.memory_space<vmem>>
    %dma_wait3A_2206 = arith.constant 0 : i32
    %dma_wait3A_2207 = arith.constant 0 : i32
    %dma_wait3A_2208 = tpu.memref_slice %arg5[%dma_wait3A_2206, %dma_wait3A_2207] : memref<93x128xf32, #tpu.memory_space<vmem_shared>> -> memref<93x128xf32, #tpu.memory_space<vmem_shared>>
    tpu.wait_indirect_dma semaphore(%arg10 : memref<!tpu.dma_semaphore, #tpu.memory_space<semaphore_mem>>) src(%dma_wait3A_2208 : memref<93x128xf32, #tpu.memory_space<vmem_shared>>) dst(%dma_wait3A_2203 : memref<128x128xf32, #tpu.memory_space<vmem>>)
    %dma_wait3A_2209 = arith.constant 256 : i32
    %dma_wait3A_2210 = arith.constant 0 : i32
    %dma_wait3A_2211 = tpu.memref_slice %arg7[%dma_wait3A_2209, %dma_wait3A_2210] : memref<768x128xf32, #tpu.memory_space<vmem>> -> memref<128x128xf32, #tpu.memory_space<vmem>>
    %dma_wait3A_2212 = arith.constant 1024 : i32
    %dma_wait3A_2213 = tpu.memref_slice %arg6[%dma_wait3A_2212] : memref<3200xi32, #tpu.memory_space<vmem>> -> memref<128xi32, #tpu.memory_space<vmem>>
    %dma_wait3A_2214 = arith.constant 0 : i32
    %dma_wait3A_2215 = arith.constant 0 : i32
    %dma_wait3A_2216 = tpu.memref_slice %arg5[%dma_wait3A_2214, %dma_wait3A_2215] : memref<93x128xf32, #tpu.memory_space<vmem_shared>> -> memref<93x128xf32, #tpu.memory_space<vmem_shared>>
    tpu.wait_indirect_dma semaphore(%arg11 : memref<!tpu.dma_semaphore, #tpu.memory_space<semaphore_mem>>) src(%dma_wait3A_2216 : memref<93x128xf32, #tpu.memory_space<vmem_shared>>) dst(%dma_wait3A_2211 : memref<128x128xf32, #tpu.memory_space<vmem>>)
    %add3A_2217 = arith.constant 768 : i32
    %add3A_2218 = arith.addi %min3A_3, %add3A_2217 : i32
    %dma_start3A_2219 = arith.constant 0 : i32
    %dma_start3A_2220 = arith.constant 0 : i32
    %dma_start3A_2221 = tpu.memref_slice %arg7[%dma_start3A_2219, %dma_start3A_2220] : memref<768x128xf32, #tpu.memory_space<vmem>> -> memref<384x128xf32, #tpu.memory_space<vmem>>
    %dma_start3A_2222 = arith.constant 0 : i32
    %dma_start3A_2223 = tpu.memref_slice %arg4[%add3A_2218, %dma_start3A_2222] : memref<100000x128xf32, #tpu.memory_space<hbm>> -> memref<384x128xf32, #tpu.memory_space<hbm>>
    %dma_start3A_2224 = arith.constant 0 : i32
    %dma_start3A_2225 = tpu.memref_slice %arg4[%add3A_2218, %dma_start3A_2224] : memref<100000x128xf32, #tpu.memory_space<hbm>> -> memref<384x128xf32, #tpu.memory_space<hbm>>
    %dma_start3A_2226 = arith.constant 0 : i32
    %dma_start3A_2227 = arith.constant 0 : i32
    %dma_start3A_2228 = tpu.memref_slice %arg7[%dma_start3A_2226, %dma_start3A_2227] : memref<768x128xf32, #tpu.memory_space<vmem>> -> memref<384x128xf32, #tpu.memory_space<vmem>>
    tpu.enqueue_dma source(%dma_start3A_2228 : memref<384x128xf32, #tpu.memory_space<vmem>>) target(%dma_start3A_2225 : memref<384x128xf32, #tpu.memory_space<hbm>>) target_semaphore(%arg15 : memref<!tpu.dma_semaphore, #tpu.memory_space<semaphore_mem>>)
    %dma_wait3A_2229 = arith.constant 0 : i32
    %dma_wait3A_2230 = arith.constant 0 : i32
    %dma_wait3A_2231 = tpu.memref_slice %arg7[%dma_wait3A_2229, %dma_wait3A_2230] : memref<768x128xf32, #tpu.memory_space<vmem>> -> memref<384x128xf32, #tpu.memory_space<vmem>>
    %dma_wait3A_2232 = arith.constant 0 : i32
    %dma_wait3A_2233 = tpu.memref_slice %arg4[%add3A_2218, %dma_wait3A_2232] : memref<100000x128xf32, #tpu.memory_space<hbm>> -> memref<384x128xf32, #tpu.memory_space<hbm>>
    %dma_wait3A_2234 = arith.constant 0 : i32
    %dma_wait3A_2235 = tpu.memref_slice %arg4[%add3A_2218, %dma_wait3A_2234] : memref<100000x128xf32, #tpu.memory_space<hbm>> -> memref<384x128xf32, #tpu.memory_space<hbm>>
    %dma_wait3A_2236 = arith.constant 0 : i32
    %dma_wait3A_2237 = arith.constant 0 : i32
    %dma_wait3A_2238 = tpu.memref_slice %arg7[%dma_wait3A_2236, %dma_wait3A_2237] : memref<768x128xf32, #tpu.memory_space<vmem>> -> memref<384x128xf32, #tpu.memory_space<vmem>>
    tpu.wait_dma2 semaphore(%arg15 : memref<!tpu.dma_semaphore, #tpu.memory_space<semaphore_mem>>) src(%dma_wait3A_2238 : memref<384x128xf32, #tpu.memory_space<vmem>>) dst(%dma_wait3A_2235 : memref<384x128xf32, #tpu.memory_space<hbm>>)
    %dma_start3A_2239 = arith.constant 0 : i32
    %dma_start3A_2240 = arith.constant 0 : i32
    %dma_start3A_2241 = tpu.memref_slice %arg7[%dma_start3A_2239, %dma_start3A_2240] : memref<768x128xf32, #tpu.memory_space<vmem>> -> memref<128x128xf32, #tpu.memory_space<vmem>>
    %dma_start3A_2242 = arith.constant 1536 : i32
    %dma_start3A_2243 = tpu.memref_slice %arg6[%dma_start3A_2242] : memref<3200xi32, #tpu.memory_space<vmem>> -> memref<128xi32, #tpu.memory_space<vmem>>
    %dma_start3A_2244 = arith.constant 0 : i32
    %dma_start3A_2245 = arith.constant 0 : i32
    %dma_start3A_2246 = tpu.memref_slice %arg5[%dma_start3A_2244, %dma_start3A_2245] : memref<93x128xf32, #tpu.memory_space<vmem_shared>> -> memref<93x128xf32, #tpu.memory_space<vmem_shared>>
    tpu.enqueue_indirect_dma source(%dma_start3A_2246 : memref<93x128xf32, #tpu.memory_space<vmem_shared>>) target(%dma_start3A_2241 : memref<128x128xf32, #tpu.memory_space<vmem>>) offsets(%dma_start3A_2243 : memref<128xi32, #tpu.memory_space<vmem>>) semaphore(%arg9 : memref<!tpu.dma_semaphore, #tpu.memory_space<semaphore_mem>>)
    %dma_start3A_2247 = arith.constant 128 : i32
    %dma_start3A_2248 = arith.constant 0 : i32
    %dma_start3A_2249 = tpu.memref_slice %arg7[%dma_start3A_2247, %dma_start3A_2248] : memref<768x128xf32, #tpu.memory_space<vmem>> -> memref<128x128xf32, #tpu.memory_space<vmem>>
    %dma_start3A_2250 = arith.constant 1664 : i32
    %dma_start3A_2251 = tpu.memref_slice %arg6[%dma_start3A_2250] : memref<3200xi32, #tpu.memory_space<vmem>> -> memref<128xi32, #tpu.memory_space<vmem>>
    %dma_start3A_2252 = arith.constant 0 : i32
    %dma_start3A_2253 = arith.constant 0 : i32
    %dma_start3A_2254 = tpu.memref_slice %arg5[%dma_start3A_2252, %dma_start3A_2253] : memref<93x128xf32, #tpu.memory_space<vmem_shared>> -> memref<93x128xf32, #tpu.memory_space<vmem_shared>>
    tpu.enqueue_indirect_dma source(%dma_start3A_2254 : memref<93x128xf32, #tpu.memory_space<vmem_shared>>) target(%dma_start3A_2249 : memref<128x128xf32, #tpu.memory_space<vmem>>) offsets(%dma_start3A_2251 : memref<128xi32, #tpu.memory_space<vmem>>) semaphore(%arg10 : memref<!tpu.dma_semaphore, #tpu.memory_space<semaphore_mem>>)
    %dma_start3A_2255 = arith.constant 256 : i32
    %dma_start3A_2256 = arith.constant 0 : i32
    %dma_start3A_2257 = tpu.memref_slice %arg7[%dma_start3A_2255, %dma_start3A_2256] : memref<768x128xf32, #tpu.memory_space<vmem>> -> memref<128x128xf32, #tpu.memory_space<vmem>>
    %dma_start3A_2258 = arith.constant 1792 : i32
    %dma_start3A_2259 = tpu.memref_slice %arg6[%dma_start3A_2258] : memref<3200xi32, #tpu.memory_space<vmem>> -> memref<128xi32, #tpu.memory_space<vmem>>
    %dma_start3A_2260 = arith.constant 0 : i32
    %dma_start3A_2261 = arith.constant 0 : i32
    %dma_start3A_2262 = tpu.memref_slice %arg5[%dma_start3A_2260, %dma_start3A_2261] : memref<93x128xf32, #tpu.memory_space<vmem_shared>> -> memref<93x128xf32, #tpu.memory_space<vmem_shared>>
    tpu.enqueue_indirect_dma source(%dma_start3A_2262 : memref<93x128xf32, #tpu.memory_space<vmem_shared>>) target(%dma_start3A_2257 : memref<128x128xf32, #tpu.memory_space<vmem>>) offsets(%dma_start3A_2259 : memref<128xi32, #tpu.memory_space<vmem>>) semaphore(%arg11 : memref<!tpu.dma_semaphore, #tpu.memory_space<semaphore_mem>>)
    %dma_wait3A_2263 = arith.constant 384 : i32
    %dma_wait3A_2264 = arith.constant 0 : i32
    %dma_wait3A_2265 = tpu.memref_slice %arg7[%dma_wait3A_2263, %dma_wait3A_2264] : memref<768x128xf32, #tpu.memory_space<vmem>> -> memref<128x128xf32, #tpu.memory_space<vmem>>
    %dma_wait3A_2266 = arith.constant 1152 : i32
    %dma_wait3A_2267 = tpu.memref_slice %arg6[%dma_wait3A_2266] : memref<3200xi32, #tpu.memory_space<vmem>> -> memref<128xi32, #tpu.memory_space<vmem>>
    %dma_wait3A_2268 = arith.constant 0 : i32
    %dma_wait3A_2269 = arith.constant 0 : i32
    %dma_wait3A_2270 = tpu.memref_slice %arg5[%dma_wait3A_2268, %dma_wait3A_2269] : memref<93x128xf32, #tpu.memory_space<vmem_shared>> -> memref<93x128xf32, #tpu.memory_space<vmem_shared>>
    tpu.wait_indirect_dma semaphore(%arg12 : memref<!tpu.dma_semaphore, #tpu.memory_space<semaphore_mem>>) src(%dma_wait3A_2270 : memref<93x128xf32, #tpu.memory_space<vmem_shared>>) dst(%dma_wait3A_2265 : memref<128x128xf32, #tpu.memory_space<vmem>>)
    %dma_wait3A_2271 = arith.constant 512 : i32
    %dma_wait3A_2272 = arith.constant 0 : i32
    %dma_wait3A_2273 = tpu.memref_slice %arg7[%dma_wait3A_2271, %dma_wait3A_2272] : memref<768x128xf32, #tpu.memory_space<vmem>> -> memref<128x128xf32, #tpu.memory_space<vmem>>
    %dma_wait3A_2274 = arith.constant 1280 : i32
    %dma_wait3A_2275 = tpu.memref_slice %arg6[%dma_wait3A_2274] : memref<3200xi32, #tpu.memory_space<vmem>> -> memref<128xi32, #tpu.memory_space<vmem>>
    %dma_wait3A_2276 = arith.constant 0 : i32
    %dma_wait3A_2277 = arith.constant 0 : i32
    %dma_wait3A_2278 = tpu.memref_slice %arg5[%dma_wait3A_2276, %dma_wait3A_2277] : memref<93x128xf32, #tpu.memory_space<vmem_shared>> -> memref<93x128xf32, #tpu.memory_space<vmem_shared>>
    tpu.wait_indirect_dma semaphore(%arg13 : memref<!tpu.dma_semaphore, #tpu.memory_space<semaphore_mem>>) src(%dma_wait3A_2278 : memref<93x128xf32, #tpu.memory_space<vmem_shared>>) dst(%dma_wait3A_2273 : memref<128x128xf32, #tpu.memory_space<vmem>>)
    %dma_wait3A_2279 = arith.constant 640 : i32
    %dma_wait3A_2280 = arith.constant 0 : i32
    %dma_wait3A_2281 = tpu.memref_slice %arg7[%dma_wait3A_2279, %dma_wait3A_2280] : memref<768x128xf32, #tpu.memory_space<vmem>> -> memref<128x128xf32, #tpu.memory_space<vmem>>
    %dma_wait3A_2282 = arith.constant 1408 : i32
    %dma_wait3A_2283 = tpu.memref_slice %arg6[%dma_wait3A_2282] : memref<3200xi32, #tpu.memory_space<vmem>> -> memref<128xi32, #tpu.memory_space<vmem>>
    %dma_wait3A_2284 = arith.constant 0 : i32
    %dma_wait3A_2285 = arith.constant 0 : i32
    %dma_wait3A_2286 = tpu.memref_slice %arg5[%dma_wait3A_2284, %dma_wait3A_2285] : memref<93x128xf32, #tpu.memory_space<vmem_shared>> -> memref<93x128xf32, #tpu.memory_space<vmem_shared>>
    tpu.wait_indirect_dma semaphore(%arg14 : memref<!tpu.dma_semaphore, #tpu.memory_space<semaphore_mem>>) src(%dma_wait3A_2286 : memref<93x128xf32, #tpu.memory_space<vmem_shared>>) dst(%dma_wait3A_2281 : memref<128x128xf32, #tpu.memory_space<vmem>>)
    %add3A_2287 = arith.constant 1152 : i32
    %add3A_2288 = arith.addi %min3A_3, %add3A_2287 : i32
    %dma_start3A_2289 = arith.constant 384 : i32
    %dma_start3A_2290 = arith.constant 0 : i32
    %dma_start3A_2291 = tpu.memref_slice %arg7[%dma_start3A_2289, %dma_start3A_2290] : memref<768x128xf32, #tpu.memory_space<vmem>> -> memref<384x128xf32, #tpu.memory_space<vmem>>
    %dma_start3A_2292 = arith.constant 0 : i32
    %dma_start3A_2293 = tpu.memref_slice %arg4[%add3A_2288, %dma_start3A_2292] : memref<100000x128xf32, #tpu.memory_space<hbm>> -> memref<384x128xf32, #tpu.memory_space<hbm>>
    %dma_start3A_2294 = arith.constant 0 : i32
    %dma_start3A_2295 = tpu.memref_slice %arg4[%add3A_2288, %dma_start3A_2294] : memref<100000x128xf32, #tpu.memory_space<hbm>> -> memref<384x128xf32, #tpu.memory_space<hbm>>
    %dma_start3A_2296 = arith.constant 384 : i32
    %dma_start3A_2297 = arith.constant 0 : i32
    %dma_start3A_2298 = tpu.memref_slice %arg7[%dma_start3A_2296, %dma_start3A_2297] : memref<768x128xf32, #tpu.memory_space<vmem>> -> memref<384x128xf32, #tpu.memory_space<vmem>>
    tpu.enqueue_dma source(%dma_start3A_2298 : memref<384x128xf32, #tpu.memory_space<vmem>>) target(%dma_start3A_2295 : memref<384x128xf32, #tpu.memory_space<hbm>>) target_semaphore(%arg16 : memref<!tpu.dma_semaphore, #tpu.memory_space<semaphore_mem>>)
    %dma_wait3A_2299 = arith.constant 384 : i32
    %dma_wait3A_2300 = arith.constant 0 : i32
    %dma_wait3A_2301 = tpu.memref_slice %arg7[%dma_wait3A_2299, %dma_wait3A_2300] : memref<768x128xf32, #tpu.memory_space<vmem>> -> memref<384x128xf32, #tpu.memory_space<vmem>>
    %dma_wait3A_2302 = arith.constant 0 : i32
    %dma_wait3A_2303 = tpu.memref_slice %arg4[%add3A_2288, %dma_wait3A_2302] : memref<100000x128xf32, #tpu.memory_space<hbm>> -> memref<384x128xf32, #tpu.memory_space<hbm>>
    %dma_wait3A_2304 = arith.constant 0 : i32
    %dma_wait3A_2305 = tpu.memref_slice %arg4[%add3A_2288, %dma_wait3A_2304] : memref<100000x128xf32, #tpu.memory_space<hbm>> -> memref<384x128xf32, #tpu.memory_space<hbm>>
    %dma_wait3A_2306 = arith.constant 384 : i32
    %dma_wait3A_2307 = arith.constant 0 : i32
    %dma_wait3A_2308 = tpu.memref_slice %arg7[%dma_wait3A_2306, %dma_wait3A_2307] : memref<768x128xf32, #tpu.memory_space<vmem>> -> memref<384x128xf32, #tpu.memory_space<vmem>>
    tpu.wait_dma2 semaphore(%arg16 : memref<!tpu.dma_semaphore, #tpu.memory_space<semaphore_mem>>) src(%dma_wait3A_2308 : memref<384x128xf32, #tpu.memory_space<vmem>>) dst(%dma_wait3A_2305 : memref<384x128xf32, #tpu.memory_space<hbm>>)
    %dma_start3A_2309 = arith.constant 384 : i32
    %dma_start3A_2310 = arith.constant 0 : i32
    %dma_start3A_2311 = tpu.memref_slice %arg7[%dma_start3A_2309, %dma_start3A_2310] : memref<768x128xf32, #tpu.memory_space<vmem>> -> memref<128x128xf32, #tpu.memory_space<vmem>>
    %dma_start3A_2312 = arith.constant 1920 : i32
    %dma_start3A_2313 = tpu.memref_slice %arg6[%dma_start3A_2312] : memref<3200xi32, #tpu.memory_space<vmem>> -> memref<128xi32, #tpu.memory_space<vmem>>
    %dma_start3A_2314 = arith.constant 0 : i32
    %dma_start3A_2315 = arith.constant 0 : i32
    %dma_start3A_2316 = tpu.memref_slice %arg5[%dma_start3A_2314, %dma_start3A_2315] : memref<93x128xf32, #tpu.memory_space<vmem_shared>> -> memref<93x128xf32, #tpu.memory_space<vmem_shared>>
    tpu.enqueue_indirect_dma source(%dma_start3A_2316 : memref<93x128xf32, #tpu.memory_space<vmem_shared>>) target(%dma_start3A_2311 : memref<128x128xf32, #tpu.memory_space<vmem>>) offsets(%dma_start3A_2313 : memref<128xi32, #tpu.memory_space<vmem>>) semaphore(%arg12 : memref<!tpu.dma_semaphore, #tpu.memory_space<semaphore_mem>>)
    %dma_start3A_2317 = arith.constant 512 : i32
    %dma_start3A_2318 = arith.constant 0 : i32
    %dma_start3A_2319 = tpu.memref_slice %arg7[%dma_start3A_2317, %dma_start3A_2318] : memref<768x128xf32, #tpu.memory_space<vmem>> -> memref<128x128xf32, #tpu.memory_space<vmem>>
    %dma_start3A_2320 = arith.constant 2048 : i32
    %dma_start3A_2321 = tpu.memref_slice %arg6[%dma_start3A_2320] : memref<3200xi32, #tpu.memory_space<vmem>> -> memref<128xi32, #tpu.memory_space<vmem>>
    %dma_start3A_2322 = arith.constant 0 : i32
    %dma_start3A_2323 = arith.constant 0 : i32
    %dma_start3A_2324 = tpu.memref_slice %arg5[%dma_start3A_2322, %dma_start3A_2323] : memref<93x128xf32, #tpu.memory_space<vmem_shared>> -> memref<93x128xf32, #tpu.memory_space<vmem_shared>>
    tpu.enqueue_indirect_dma source(%dma_start3A_2324 : memref<93x128xf32, #tpu.memory_space<vmem_shared>>) target(%dma_start3A_2319 : memref<128x128xf32, #tpu.memory_space<vmem>>) offsets(%dma_start3A_2321 : memref<128xi32, #tpu.memory_space<vmem>>) semaphore(%arg13 : memref<!tpu.dma_semaphore, #tpu.memory_space<semaphore_mem>>)
    %dma_start3A_2325 = arith.constant 640 : i32
    %dma_start3A_2326 = arith.constant 0 : i32
    %dma_start3A_2327 = tpu.memref_slice %arg7[%dma_start3A_2325, %dma_start3A_2326] : memref<768x128xf32, #tpu.memory_space<vmem>> -> memref<128x128xf32, #tpu.memory_space<vmem>>
    %dma_start3A_2328 = arith.constant 2176 : i32
    %dma_start3A_2329 = tpu.memref_slice %arg6[%dma_start3A_2328] : memref<3200xi32, #tpu.memory_space<vmem>> -> memref<128xi32, #tpu.memory_space<vmem>>
    %dma_start3A_2330 = arith.constant 0 : i32
    %dma_start3A_2331 = arith.constant 0 : i32
    %dma_start3A_2332 = tpu.memref_slice %arg5[%dma_start3A_2330, %dma_start3A_2331] : memref<93x128xf32, #tpu.memory_space<vmem_shared>> -> memref<93x128xf32, #tpu.memory_space<vmem_shared>>
    tpu.enqueue_indirect_dma source(%dma_start3A_2332 : memref<93x128xf32, #tpu.memory_space<vmem_shared>>) target(%dma_start3A_2327 : memref<128x128xf32, #tpu.memory_space<vmem>>) offsets(%dma_start3A_2329 : memref<128xi32, #tpu.memory_space<vmem>>) semaphore(%arg14 : memref<!tpu.dma_semaphore, #tpu.memory_space<semaphore_mem>>)
    %dma_wait3A_2333 = arith.constant 0 : i32
    %dma_wait3A_2334 = arith.constant 0 : i32
    %dma_wait3A_2335 = tpu.memref_slice %arg7[%dma_wait3A_2333, %dma_wait3A_2334] : memref<768x128xf32, #tpu.memory_space<vmem>> -> memref<128x128xf32, #tpu.memory_space<vmem>>
    %dma_wait3A_2336 = arith.constant 1536 : i32
    %dma_wait3A_2337 = tpu.memref_slice %arg6[%dma_wait3A_2336] : memref<3200xi32, #tpu.memory_space<vmem>> -> memref<128xi32, #tpu.memory_space<vmem>>
    %dma_wait3A_2338 = arith.constant 0 : i32
    %dma_wait3A_2339 = arith.constant 0 : i32
    %dma_wait3A_2340 = tpu.memref_slice %arg5[%dma_wait3A_2338, %dma_wait3A_2339] : memref<93x128xf32, #tpu.memory_space<vmem_shared>> -> memref<93x128xf32, #tpu.memory_space<vmem_shared>>
    tpu.wait_indirect_dma semaphore(%arg9 : memref<!tpu.dma_semaphore, #tpu.memory_space<semaphore_mem>>) src(%dma_wait3A_2340 : memref<93x128xf32, #tpu.memory_space<vmem_shared>>) dst(%dma_wait3A_2335 : memref<128x128xf32, #tpu.memory_space<vmem>>)
    %dma_wait3A_2341 = arith.constant 128 : i32
    %dma_wait3A_2342 = arith.constant 0 : i32
    %dma_wait3A_2343 = tpu.memref_slice %arg7[%dma_wait3A_2341, %dma_wait3A_2342] : memref<768x128xf32, #tpu.memory_space<vmem>> -> memref<128x128xf32, #tpu.memory_space<vmem>>
    %dma_wait3A_2344 = arith.constant 1664 : i32
    %dma_wait3A_2345 = tpu.memref_slice %arg6[%dma_wait3A_2344] : memref<3200xi32, #tpu.memory_space<vmem>> -> memref<128xi32, #tpu.memory_space<vmem>>
    %dma_wait3A_2346 = arith.constant 0 : i32
    %dma_wait3A_2347 = arith.constant 0 : i32
    %dma_wait3A_2348 = tpu.memref_slice %arg5[%dma_wait3A_2346, %dma_wait3A_2347] : memref<93x128xf32, #tpu.memory_space<vmem_shared>> -> memref<93x128xf32, #tpu.memory_space<vmem_shared>>
    tpu.wait_indirect_dma semaphore(%arg10 : memref<!tpu.dma_semaphore, #tpu.memory_space<semaphore_mem>>) src(%dma_wait3A_2348 : memref<93x128xf32, #tpu.memory_space<vmem_shared>>) dst(%dma_wait3A_2343 : memref<128x128xf32, #tpu.memory_space<vmem>>)
    %dma_wait3A_2349 = arith.constant 256 : i32
    %dma_wait3A_2350 = arith.constant 0 : i32
    %dma_wait3A_2351 = tpu.memref_slice %arg7[%dma_wait3A_2349, %dma_wait3A_2350] : memref<768x128xf32, #tpu.memory_space<vmem>> -> memref<128x128xf32, #tpu.memory_space<vmem>>
    %dma_wait3A_2352 = arith.constant 1792 : i32
    %dma_wait3A_2353 = tpu.memref_slice %arg6[%dma_wait3A_2352] : memref<3200xi32, #tpu.memory_space<vmem>> -> memref<128xi32, #tpu.memory_space<vmem>>
    %dma_wait3A_2354 = arith.constant 0 : i32
    %dma_wait3A_2355 = arith.constant 0 : i32
    %dma_wait3A_2356 = tpu.memref_slice %arg5[%dma_wait3A_2354, %dma_wait3A_2355] : memref<93x128xf32, #tpu.memory_space<vmem_shared>> -> memref<93x128xf32, #tpu.memory_space<vmem_shared>>
    tpu.wait_indirect_dma semaphore(%arg11 : memref<!tpu.dma_semaphore, #tpu.memory_space<semaphore_mem>>) src(%dma_wait3A_2356 : memref<93x128xf32, #tpu.memory_space<vmem_shared>>) dst(%dma_wait3A_2351 : memref<128x128xf32, #tpu.memory_space<vmem>>)
    %add3A_2357 = arith.constant 1536 : i32
    %add3A_2358 = arith.addi %min3A_3, %add3A_2357 : i32
    %dma_start3A_2359 = arith.constant 0 : i32
    %dma_start3A_2360 = arith.constant 0 : i32
    %dma_start3A_2361 = tpu.memref_slice %arg7[%dma_start3A_2359, %dma_start3A_2360] : memref<768x128xf32, #tpu.memory_space<vmem>> -> memref<384x128xf32, #tpu.memory_space<vmem>>
    %dma_start3A_2362 = arith.constant 0 : i32
    %dma_start3A_2363 = tpu.memref_slice %arg4[%add3A_2358, %dma_start3A_2362] : memref<100000x128xf32, #tpu.memory_space<hbm>> -> memref<384x128xf32, #tpu.memory_space<hbm>>
    %dma_start3A_2364 = arith.constant 0 : i32
    %dma_start3A_2365 = tpu.memref_slice %arg4[%add3A_2358, %dma_start3A_2364] : memref<100000x128xf32, #tpu.memory_space<hbm>> -> memref<384x128xf32, #tpu.memory_space<hbm>>
    %dma_start3A_2366 = arith.constant 0 : i32
    %dma_start3A_2367 = arith.constant 0 : i32
    %dma_start3A_2368 = tpu.memref_slice %arg7[%dma_start3A_2366, %dma_start3A_2367] : memref<768x128xf32, #tpu.memory_space<vmem>> -> memref<384x128xf32, #tpu.memory_space<vmem>>
    tpu.enqueue_dma source(%dma_start3A_2368 : memref<384x128xf32, #tpu.memory_space<vmem>>) target(%dma_start3A_2365 : memref<384x128xf32, #tpu.memory_space<hbm>>) target_semaphore(%arg15 : memref<!tpu.dma_semaphore, #tpu.memory_space<semaphore_mem>>)
    %dma_wait3A_2369 = arith.constant 0 : i32
    %dma_wait3A_2370 = arith.constant 0 : i32
    %dma_wait3A_2371 = tpu.memref_slice %arg7[%dma_wait3A_2369, %dma_wait3A_2370] : memref<768x128xf32, #tpu.memory_space<vmem>> -> memref<384x128xf32, #tpu.memory_space<vmem>>
    %dma_wait3A_2372 = arith.constant 0 : i32
    %dma_wait3A_2373 = tpu.memref_slice %arg4[%add3A_2358, %dma_wait3A_2372] : memref<100000x128xf32, #tpu.memory_space<hbm>> -> memref<384x128xf32, #tpu.memory_space<hbm>>
    %dma_wait3A_2374 = arith.constant 0 : i32
    %dma_wait3A_2375 = tpu.memref_slice %arg4[%add3A_2358, %dma_wait3A_2374] : memref<100000x128xf32, #tpu.memory_space<hbm>> -> memref<384x128xf32, #tpu.memory_space<hbm>>
    %dma_wait3A_2376 = arith.constant 0 : i32
    %dma_wait3A_2377 = arith.constant 0 : i32
    %dma_wait3A_2378 = tpu.memref_slice %arg7[%dma_wait3A_2376, %dma_wait3A_2377] : memref<768x128xf32, #tpu.memory_space<vmem>> -> memref<384x128xf32, #tpu.memory_space<vmem>>
    tpu.wait_dma2 semaphore(%arg15 : memref<!tpu.dma_semaphore, #tpu.memory_space<semaphore_mem>>) src(%dma_wait3A_2378 : memref<384x128xf32, #tpu.memory_space<vmem>>) dst(%dma_wait3A_2375 : memref<384x128xf32, #tpu.memory_space<hbm>>)
    %dma_start3A_2379 = arith.constant 0 : i32
    %dma_start3A_2380 = arith.constant 0 : i32
    %dma_start3A_2381 = tpu.memref_slice %arg7[%dma_start3A_2379, %dma_start3A_2380] : memref<768x128xf32, #tpu.memory_space<vmem>> -> memref<128x128xf32, #tpu.memory_space<vmem>>
    %dma_start3A_2382 = arith.constant 2304 : i32
    %dma_start3A_2383 = tpu.memref_slice %arg6[%dma_start3A_2382] : memref<3200xi32, #tpu.memory_space<vmem>> -> memref<128xi32, #tpu.memory_space<vmem>>
    %dma_start3A_2384 = arith.constant 0 : i32
    %dma_start3A_2385 = arith.constant 0 : i32
    %dma_start3A_2386 = tpu.memref_slice %arg5[%dma_start3A_2384, %dma_start3A_2385] : memref<93x128xf32, #tpu.memory_space<vmem_shared>> -> memref<93x128xf32, #tpu.memory_space<vmem_shared>>
    tpu.enqueue_indirect_dma source(%dma_start3A_2386 : memref<93x128xf32, #tpu.memory_space<vmem_shared>>) target(%dma_start3A_2381 : memref<128x128xf32, #tpu.memory_space<vmem>>) offsets(%dma_start3A_2383 : memref<128xi32, #tpu.memory_space<vmem>>) semaphore(%arg9 : memref<!tpu.dma_semaphore, #tpu.memory_space<semaphore_mem>>)
    %dma_start3A_2387 = arith.constant 128 : i32
    %dma_start3A_2388 = arith.constant 0 : i32
    %dma_start3A_2389 = tpu.memref_slice %arg7[%dma_start3A_2387, %dma_start3A_2388] : memref<768x128xf32, #tpu.memory_space<vmem>> -> memref<128x128xf32, #tpu.memory_space<vmem>>
    %dma_start3A_2390 = arith.constant 2432 : i32
    %dma_start3A_2391 = tpu.memref_slice %arg6[%dma_start3A_2390] : memref<3200xi32, #tpu.memory_space<vmem>> -> memref<128xi32, #tpu.memory_space<vmem>>
    %dma_start3A_2392 = arith.constant 0 : i32
    %dma_start3A_2393 = arith.constant 0 : i32
    %dma_start3A_2394 = tpu.memref_slice %arg5[%dma_start3A_2392, %dma_start3A_2393] : memref<93x128xf32, #tpu.memory_space<vmem_shared>> -> memref<93x128xf32, #tpu.memory_space<vmem_shared>>
    tpu.enqueue_indirect_dma source(%dma_start3A_2394 : memref<93x128xf32, #tpu.memory_space<vmem_shared>>) target(%dma_start3A_2389 : memref<128x128xf32, #tpu.memory_space<vmem>>) offsets(%dma_start3A_2391 : memref<128xi32, #tpu.memory_space<vmem>>) semaphore(%arg10 : memref<!tpu.dma_semaphore, #tpu.memory_space<semaphore_mem>>)
    %dma_start3A_2395 = arith.constant 256 : i32
    %dma_start3A_2396 = arith.constant 0 : i32
    %dma_start3A_2397 = tpu.memref_slice %arg7[%dma_start3A_2395, %dma_start3A_2396] : memref<768x128xf32, #tpu.memory_space<vmem>> -> memref<128x128xf32, #tpu.memory_space<vmem>>
    %dma_start3A_2398 = arith.constant 2560 : i32
    %dma_start3A_2399 = tpu.memref_slice %arg6[%dma_start3A_2398] : memref<3200xi32, #tpu.memory_space<vmem>> -> memref<128xi32, #tpu.memory_space<vmem>>
    %dma_start3A_2400 = arith.constant 0 : i32
    %dma_start3A_2401 = arith.constant 0 : i32
    %dma_start3A_2402 = tpu.memref_slice %arg5[%dma_start3A_2400, %dma_start3A_2401] : memref<93x128xf32, #tpu.memory_space<vmem_shared>> -> memref<93x128xf32, #tpu.memory_space<vmem_shared>>
    tpu.enqueue_indirect_dma source(%dma_start3A_2402 : memref<93x128xf32, #tpu.memory_space<vmem_shared>>) target(%dma_start3A_2397 : memref<128x128xf32, #tpu.memory_space<vmem>>) offsets(%dma_start3A_2399 : memref<128xi32, #tpu.memory_space<vmem>>) semaphore(%arg11 : memref<!tpu.dma_semaphore, #tpu.memory_space<semaphore_mem>>)
    %dma_wait3A_2403 = arith.constant 384 : i32
    %dma_wait3A_2404 = arith.constant 0 : i32
    %dma_wait3A_2405 = tpu.memref_slice %arg7[%dma_wait3A_2403, %dma_wait3A_2404] : memref<768x128xf32, #tpu.memory_space<vmem>> -> memref<128x128xf32, #tpu.memory_space<vmem>>
    %dma_wait3A_2406 = arith.constant 1920 : i32
    %dma_wait3A_2407 = tpu.memref_slice %arg6[%dma_wait3A_2406] : memref<3200xi32, #tpu.memory_space<vmem>> -> memref<128xi32, #tpu.memory_space<vmem>>
    %dma_wait3A_2408 = arith.constant 0 : i32
    %dma_wait3A_2409 = arith.constant 0 : i32
    %dma_wait3A_2410 = tpu.memref_slice %arg5[%dma_wait3A_2408, %dma_wait3A_2409] : memref<93x128xf32, #tpu.memory_space<vmem_shared>> -> memref<93x128xf32, #tpu.memory_space<vmem_shared>>
    tpu.wait_indirect_dma semaphore(%arg12 : memref<!tpu.dma_semaphore, #tpu.memory_space<semaphore_mem>>) src(%dma_wait3A_2410 : memref<93x128xf32, #tpu.memory_space<vmem_shared>>) dst(%dma_wait3A_2405 : memref<128x128xf32, #tpu.memory_space<vmem>>)
    %dma_wait3A_2411 = arith.constant 512 : i32
    %dma_wait3A_2412 = arith.constant 0 : i32
    %dma_wait3A_2413 = tpu.memref_slice %arg7[%dma_wait3A_2411, %dma_wait3A_2412] : memref<768x128xf32, #tpu.memory_space<vmem>> -> memref<128x128xf32, #tpu.memory_space<vmem>>
    %dma_wait3A_2414 = arith.constant 2048 : i32
    %dma_wait3A_2415 = tpu.memref_slice %arg6[%dma_wait3A_2414] : memref<3200xi32, #tpu.memory_space<vmem>> -> memref<128xi32, #tpu.memory_space<vmem>>
    %dma_wait3A_2416 = arith.constant 0 : i32
    %dma_wait3A_2417 = arith.constant 0 : i32
    %dma_wait3A_2418 = tpu.memref_slice %arg5[%dma_wait3A_2416, %dma_wait3A_2417] : memref<93x128xf32, #tpu.memory_space<vmem_shared>> -> memref<93x128xf32, #tpu.memory_space<vmem_shared>>
    tpu.wait_indirect_dma semaphore(%arg13 : memref<!tpu.dma_semaphore, #tpu.memory_space<semaphore_mem>>) src(%dma_wait3A_2418 : memref<93x128xf32, #tpu.memory_space<vmem_shared>>) dst(%dma_wait3A_2413 : memref<128x128xf32, #tpu.memory_space<vmem>>)
    %dma_wait3A_2419 = arith.constant 640 : i32
    %dma_wait3A_2420 = arith.constant 0 : i32
    %dma_wait3A_2421 = tpu.memref_slice %arg7[%dma_wait3A_2419, %dma_wait3A_2420] : memref<768x128xf32, #tpu.memory_space<vmem>> -> memref<128x128xf32, #tpu.memory_space<vmem>>
    %dma_wait3A_2422 = arith.constant 2176 : i32
    %dma_wait3A_2423 = tpu.memref_slice %arg6[%dma_wait3A_2422] : memref<3200xi32, #tpu.memory_space<vmem>> -> memref<128xi32, #tpu.memory_space<vmem>>
    %dma_wait3A_2424 = arith.constant 0 : i32
    %dma_wait3A_2425 = arith.constant 0 : i32
    %dma_wait3A_2426 = tpu.memref_slice %arg5[%dma_wait3A_2424, %dma_wait3A_2425] : memref<93x128xf32, #tpu.memory_space<vmem_shared>> -> memref<93x128xf32, #tpu.memory_space<vmem_shared>>
    tpu.wait_indirect_dma semaphore(%arg14 : memref<!tpu.dma_semaphore, #tpu.memory_space<semaphore_mem>>) src(%dma_wait3A_2426 : memref<93x128xf32, #tpu.memory_space<vmem_shared>>) dst(%dma_wait3A_2421 : memref<128x128xf32, #tpu.memory_space<vmem>>)
    %add3A_2427 = arith.constant 1920 : i32
    %add3A_2428 = arith.addi %min3A_3, %add3A_2427 : i32
    %dma_start3A_2429 = arith.constant 384 : i32
    %dma_start3A_2430 = arith.constant 0 : i32
    %dma_start3A_2431 = tpu.memref_slice %arg7[%dma_start3A_2429, %dma_start3A_2430] : memref<768x128xf32, #tpu.memory_space<vmem>> -> memref<384x128xf32, #tpu.memory_space<vmem>>
    %dma_start3A_2432 = arith.constant 0 : i32
    %dma_start3A_2433 = tpu.memref_slice %arg4[%add3A_2428, %dma_start3A_2432] : memref<100000x128xf32, #tpu.memory_space<hbm>> -> memref<384x128xf32, #tpu.memory_space<hbm>>
    %dma_start3A_2434 = arith.constant 0 : i32
    %dma_start3A_2435 = tpu.memref_slice %arg4[%add3A_2428, %dma_start3A_2434] : memref<100000x128xf32, #tpu.memory_space<hbm>> -> memref<384x128xf32, #tpu.memory_space<hbm>>
    %dma_start3A_2436 = arith.constant 384 : i32
    %dma_start3A_2437 = arith.constant 0 : i32
    %dma_start3A_2438 = tpu.memref_slice %arg7[%dma_start3A_2436, %dma_start3A_2437] : memref<768x128xf32, #tpu.memory_space<vmem>> -> memref<384x128xf32, #tpu.memory_space<vmem>>
    tpu.enqueue_dma source(%dma_start3A_2438 : memref<384x128xf32, #tpu.memory_space<vmem>>) target(%dma_start3A_2435 : memref<384x128xf32, #tpu.memory_space<hbm>>) target_semaphore(%arg16 : memref<!tpu.dma_semaphore, #tpu.memory_space<semaphore_mem>>)
    %dma_wait3A_2439 = arith.constant 384 : i32
    %dma_wait3A_2440 = arith.constant 0 : i32
    %dma_wait3A_2441 = tpu.memref_slice %arg7[%dma_wait3A_2439, %dma_wait3A_2440] : memref<768x128xf32, #tpu.memory_space<vmem>> -> memref<384x128xf32, #tpu.memory_space<vmem>>
    %dma_wait3A_2442 = arith.constant 0 : i32
    %dma_wait3A_2443 = tpu.memref_slice %arg4[%add3A_2428, %dma_wait3A_2442] : memref<100000x128xf32, #tpu.memory_space<hbm>> -> memref<384x128xf32, #tpu.memory_space<hbm>>
    %dma_wait3A_2444 = arith.constant 0 : i32
    %dma_wait3A_2445 = tpu.memref_slice %arg4[%add3A_2428, %dma_wait3A_2444] : memref<100000x128xf32, #tpu.memory_space<hbm>> -> memref<384x128xf32, #tpu.memory_space<hbm>>
    %dma_wait3A_2446 = arith.constant 384 : i32
    %dma_wait3A_2447 = arith.constant 0 : i32
    %dma_wait3A_2448 = tpu.memref_slice %arg7[%dma_wait3A_2446, %dma_wait3A_2447] : memref<768x128xf32, #tpu.memory_space<vmem>> -> memref<384x128xf32, #tpu.memory_space<vmem>>
    tpu.wait_dma2 semaphore(%arg16 : memref<!tpu.dma_semaphore, #tpu.memory_space<semaphore_mem>>) src(%dma_wait3A_2448 : memref<384x128xf32, #tpu.memory_space<vmem>>) dst(%dma_wait3A_2445 : memref<384x128xf32, #tpu.memory_space<hbm>>)
    %dma_start3A_2449 = arith.constant 384 : i32
    %dma_start3A_2450 = arith.constant 0 : i32
    %dma_start3A_2451 = tpu.memref_slice %arg7[%dma_start3A_2449, %dma_start3A_2450] : memref<768x128xf32, #tpu.memory_space<vmem>> -> memref<128x128xf32, #tpu.memory_space<vmem>>
    %dma_start3A_2452 = arith.constant 2688 : i32
    %dma_start3A_2453 = tpu.memref_slice %arg6[%dma_start3A_2452] : memref<3200xi32, #tpu.memory_space<vmem>> -> memref<128xi32, #tpu.memory_space<vmem>>
    %dma_start3A_2454 = arith.constant 0 : i32
    %dma_start3A_2455 = arith.constant 0 : i32
    %dma_start3A_2456 = tpu.memref_slice %arg5[%dma_start3A_2454, %dma_start3A_2455] : memref<93x128xf32, #tpu.memory_space<vmem_shared>> -> memref<93x128xf32, #tpu.memory_space<vmem_shared>>
    tpu.enqueue_indirect_dma source(%dma_start3A_2456 : memref<93x128xf32, #tpu.memory_space<vmem_shared>>) target(%dma_start3A_2451 : memref<128x128xf32, #tpu.memory_space<vmem>>) offsets(%dma_start3A_2453 : memref<128xi32, #tpu.memory_space<vmem>>) semaphore(%arg12 : memref<!tpu.dma_semaphore, #tpu.memory_space<semaphore_mem>>)
    %dma_start3A_2457 = arith.constant 512 : i32
    %dma_start3A_2458 = arith.constant 0 : i32
    %dma_start3A_2459 = tpu.memref_slice %arg7[%dma_start3A_2457, %dma_start3A_2458] : memref<768x128xf32, #tpu.memory_space<vmem>> -> memref<128x128xf32, #tpu.memory_space<vmem>>
    %dma_start3A_2460 = arith.constant 2816 : i32
    %dma_start3A_2461 = tpu.memref_slice %arg6[%dma_start3A_2460] : memref<3200xi32, #tpu.memory_space<vmem>> -> memref<128xi32, #tpu.memory_space<vmem>>
    %dma_start3A_2462 = arith.constant 0 : i32
    %dma_start3A_2463 = arith.constant 0 : i32
    %dma_start3A_2464 = tpu.memref_slice %arg5[%dma_start3A_2462, %dma_start3A_2463] : memref<93x128xf32, #tpu.memory_space<vmem_shared>> -> memref<93x128xf32, #tpu.memory_space<vmem_shared>>
    tpu.enqueue_indirect_dma source(%dma_start3A_2464 : memref<93x128xf32, #tpu.memory_space<vmem_shared>>) target(%dma_start3A_2459 : memref<128x128xf32, #tpu.memory_space<vmem>>) offsets(%dma_start3A_2461 : memref<128xi32, #tpu.memory_space<vmem>>) semaphore(%arg13 : memref<!tpu.dma_semaphore, #tpu.memory_space<semaphore_mem>>)
    %dma_start3A_2465 = arith.constant 640 : i32
    %dma_start3A_2466 = arith.constant 0 : i32
    %dma_start3A_2467 = tpu.memref_slice %arg7[%dma_start3A_2465, %dma_start3A_2466] : memref<768x128xf32, #tpu.memory_space<vmem>> -> memref<128x128xf32, #tpu.memory_space<vmem>>
    %dma_start3A_2468 = arith.constant 2944 : i32
    %dma_start3A_2469 = tpu.memref_slice %arg6[%dma_start3A_2468] : memref<3200xi32, #tpu.memory_space<vmem>> -> memref<128xi32, #tpu.memory_space<vmem>>
    %dma_start3A_2470 = arith.constant 0 : i32
    %dma_start3A_2471 = arith.constant 0 : i32
    %dma_start3A_2472 = tpu.memref_slice %arg5[%dma_start3A_2470, %dma_start3A_2471] : memref<93x128xf32, #tpu.memory_space<vmem_shared>> -> memref<93x128xf32, #tpu.memory_space<vmem_shared>>
    tpu.enqueue_indirect_dma source(%dma_start3A_2472 : memref<93x128xf32, #tpu.memory_space<vmem_shared>>) target(%dma_start3A_2467 : memref<128x128xf32, #tpu.memory_space<vmem>>) offsets(%dma_start3A_2469 : memref<128xi32, #tpu.memory_space<vmem>>) semaphore(%arg14 : memref<!tpu.dma_semaphore, #tpu.memory_space<semaphore_mem>>)
    %dma_wait3A_2473 = arith.constant 0 : i32
    %dma_wait3A_2474 = arith.constant 0 : i32
    %dma_wait3A_2475 = tpu.memref_slice %arg7[%dma_wait3A_2473, %dma_wait3A_2474] : memref<768x128xf32, #tpu.memory_space<vmem>> -> memref<128x128xf32, #tpu.memory_space<vmem>>
    %dma_wait3A_2476 = arith.constant 2304 : i32
    %dma_wait3A_2477 = tpu.memref_slice %arg6[%dma_wait3A_2476] : memref<3200xi32, #tpu.memory_space<vmem>> -> memref<128xi32, #tpu.memory_space<vmem>>
    %dma_wait3A_2478 = arith.constant 0 : i32
    %dma_wait3A_2479 = arith.constant 0 : i32
    %dma_wait3A_2480 = tpu.memref_slice %arg5[%dma_wait3A_2478, %dma_wait3A_2479] : memref<93x128xf32, #tpu.memory_space<vmem_shared>> -> memref<93x128xf32, #tpu.memory_space<vmem_shared>>
    tpu.wait_indirect_dma semaphore(%arg9 : memref<!tpu.dma_semaphore, #tpu.memory_space<semaphore_mem>>) src(%dma_wait3A_2480 : memref<93x128xf32, #tpu.memory_space<vmem_shared>>) dst(%dma_wait3A_2475 : memref<128x128xf32, #tpu.memory_space<vmem>>)
    %dma_wait3A_2481 = arith.constant 128 : i32
    %dma_wait3A_2482 = arith.constant 0 : i32
    %dma_wait3A_2483 = tpu.memref_slice %arg7[%dma_wait3A_2481, %dma_wait3A_2482] : memref<768x128xf32, #tpu.memory_space<vmem>> -> memref<128x128xf32, #tpu.memory_space<vmem>>
    %dma_wait3A_2484 = arith.constant 2432 : i32
    %dma_wait3A_2485 = tpu.memref_slice %arg6[%dma_wait3A_2484] : memref<3200xi32, #tpu.memory_space<vmem>> -> memref<128xi32, #tpu.memory_space<vmem>>
    %dma_wait3A_2486 = arith.constant 0 : i32
    %dma_wait3A_2487 = arith.constant 0 : i32
    %dma_wait3A_2488 = tpu.memref_slice %arg5[%dma_wait3A_2486, %dma_wait3A_2487] : memref<93x128xf32, #tpu.memory_space<vmem_shared>> -> memref<93x128xf32, #tpu.memory_space<vmem_shared>>
    tpu.wait_indirect_dma semaphore(%arg10 : memref<!tpu.dma_semaphore, #tpu.memory_space<semaphore_mem>>) src(%dma_wait3A_2488 : memref<93x128xf32, #tpu.memory_space<vmem_shared>>) dst(%dma_wait3A_2483 : memref<128x128xf32, #tpu.memory_space<vmem>>)
    %dma_wait3A_2489 = arith.constant 256 : i32
    %dma_wait3A_2490 = arith.constant 0 : i32
    %dma_wait3A_2491 = tpu.memref_slice %arg7[%dma_wait3A_2489, %dma_wait3A_2490] : memref<768x128xf32, #tpu.memory_space<vmem>> -> memref<128x128xf32, #tpu.memory_space<vmem>>
    %dma_wait3A_2492 = arith.constant 2560 : i32
    %dma_wait3A_2493 = tpu.memref_slice %arg6[%dma_wait3A_2492] : memref<3200xi32, #tpu.memory_space<vmem>> -> memref<128xi32, #tpu.memory_space<vmem>>
    %dma_wait3A_2494 = arith.constant 0 : i32
    %dma_wait3A_2495 = arith.constant 0 : i32
    %dma_wait3A_2496 = tpu.memref_slice %arg5[%dma_wait3A_2494, %dma_wait3A_2495] : memref<93x128xf32, #tpu.memory_space<vmem_shared>> -> memref<93x128xf32, #tpu.memory_space<vmem_shared>>
    tpu.wait_indirect_dma semaphore(%arg11 : memref<!tpu.dma_semaphore, #tpu.memory_space<semaphore_mem>>) src(%dma_wait3A_2496 : memref<93x128xf32, #tpu.memory_space<vmem_shared>>) dst(%dma_wait3A_2491 : memref<128x128xf32, #tpu.memory_space<vmem>>)
    %add3A_2497 = arith.constant 2304 : i32
    %add3A_2498 = arith.addi %min3A_3, %add3A_2497 : i32
    %dma_start3A_2499 = arith.constant 0 : i32
    %dma_start3A_2500 = arith.constant 0 : i32
    %dma_start3A_2501 = tpu.memref_slice %arg7[%dma_start3A_2499, %dma_start3A_2500] : memref<768x128xf32, #tpu.memory_space<vmem>> -> memref<384x128xf32, #tpu.memory_space<vmem>>
    %dma_start3A_2502 = arith.constant 0 : i32
    %dma_start3A_2503 = tpu.memref_slice %arg4[%add3A_2498, %dma_start3A_2502] : memref<100000x128xf32, #tpu.memory_space<hbm>> -> memref<384x128xf32, #tpu.memory_space<hbm>>
    %dma_start3A_2504 = arith.constant 0 : i32
    %dma_start3A_2505 = tpu.memref_slice %arg4[%add3A_2498, %dma_start3A_2504] : memref<100000x128xf32, #tpu.memory_space<hbm>> -> memref<384x128xf32, #tpu.memory_space<hbm>>
    %dma_start3A_2506 = arith.constant 0 : i32
    %dma_start3A_2507 = arith.constant 0 : i32
    %dma_start3A_2508 = tpu.memref_slice %arg7[%dma_start3A_2506, %dma_start3A_2507] : memref<768x128xf32, #tpu.memory_space<vmem>> -> memref<384x128xf32, #tpu.memory_space<vmem>>
    tpu.enqueue_dma source(%dma_start3A_2508 : memref<384x128xf32, #tpu.memory_space<vmem>>) target(%dma_start3A_2505 : memref<384x128xf32, #tpu.memory_space<hbm>>) target_semaphore(%arg15 : memref<!tpu.dma_semaphore, #tpu.memory_space<semaphore_mem>>)
    %dma_wait3A_2509 = arith.constant 0 : i32
    %dma_wait3A_2510 = arith.constant 0 : i32
    %dma_wait3A_2511 = tpu.memref_slice %arg7[%dma_wait3A_2509, %dma_wait3A_2510] : memref<768x128xf32, #tpu.memory_space<vmem>> -> memref<384x128xf32, #tpu.memory_space<vmem>>
    %dma_wait3A_2512 = arith.constant 0 : i32
    %dma_wait3A_2513 = tpu.memref_slice %arg4[%add3A_2498, %dma_wait3A_2512] : memref<100000x128xf32, #tpu.memory_space<hbm>> -> memref<384x128xf32, #tpu.memory_space<hbm>>
    %dma_wait3A_2514 = arith.constant 0 : i32
    %dma_wait3A_2515 = tpu.memref_slice %arg4[%add3A_2498, %dma_wait3A_2514] : memref<100000x128xf32, #tpu.memory_space<hbm>> -> memref<384x128xf32, #tpu.memory_space<hbm>>
    %dma_wait3A_2516 = arith.constant 0 : i32
    %dma_wait3A_2517 = arith.constant 0 : i32
    %dma_wait3A_2518 = tpu.memref_slice %arg7[%dma_wait3A_2516, %dma_wait3A_2517] : memref<768x128xf32, #tpu.memory_space<vmem>> -> memref<384x128xf32, #tpu.memory_space<vmem>>
    tpu.wait_dma2 semaphore(%arg15 : memref<!tpu.dma_semaphore, #tpu.memory_space<semaphore_mem>>) src(%dma_wait3A_2518 : memref<384x128xf32, #tpu.memory_space<vmem>>) dst(%dma_wait3A_2515 : memref<384x128xf32, #tpu.memory_space<hbm>>)
    %dma_start3A_2519 = arith.constant 0 : i32
    %dma_start3A_2520 = arith.constant 0 : i32
    %dma_start3A_2521 = tpu.memref_slice %arg7[%dma_start3A_2519, %dma_start3A_2520] : memref<768x128xf32, #tpu.memory_space<vmem>> -> memref<128x128xf32, #tpu.memory_space<vmem>>
    %dma_start3A_2522 = arith.constant 3072 : i32
    %dma_start3A_2523 = tpu.memref_slice %arg6[%dma_start3A_2522] : memref<3200xi32, #tpu.memory_space<vmem>> -> memref<128xi32, #tpu.memory_space<vmem>>
    %dma_start3A_2524 = arith.constant 0 : i32
    %dma_start3A_2525 = arith.constant 0 : i32
    %dma_start3A_2526 = tpu.memref_slice %arg5[%dma_start3A_2524, %dma_start3A_2525] : memref<93x128xf32, #tpu.memory_space<vmem_shared>> -> memref<93x128xf32, #tpu.memory_space<vmem_shared>>
    tpu.enqueue_indirect_dma source(%dma_start3A_2526 : memref<93x128xf32, #tpu.memory_space<vmem_shared>>) target(%dma_start3A_2521 : memref<128x128xf32, #tpu.memory_space<vmem>>) offsets(%dma_start3A_2523 : memref<128xi32, #tpu.memory_space<vmem>>) semaphore(%arg9 : memref<!tpu.dma_semaphore, #tpu.memory_space<semaphore_mem>>)
    %dma_wait3A_2527 = arith.constant 384 : i32
    %dma_wait3A_2528 = arith.constant 0 : i32
    %dma_wait3A_2529 = tpu.memref_slice %arg7[%dma_wait3A_2527, %dma_wait3A_2528] : memref<768x128xf32, #tpu.memory_space<vmem>> -> memref<128x128xf32, #tpu.memory_space<vmem>>
    %dma_wait3A_2530 = arith.constant 2688 : i32
    %dma_wait3A_2531 = tpu.memref_slice %arg6[%dma_wait3A_2530] : memref<3200xi32, #tpu.memory_space<vmem>> -> memref<128xi32, #tpu.memory_space<vmem>>
    %dma_wait3A_2532 = arith.constant 0 : i32
    %dma_wait3A_2533 = arith.constant 0 : i32
    %dma_wait3A_2534 = tpu.memref_slice %arg5[%dma_wait3A_2532, %dma_wait3A_2533] : memref<93x128xf32, #tpu.memory_space<vmem_shared>> -> memref<93x128xf32, #tpu.memory_space<vmem_shared>>
    tpu.wait_indirect_dma semaphore(%arg12 : memref<!tpu.dma_semaphore, #tpu.memory_space<semaphore_mem>>) src(%dma_wait3A_2534 : memref<93x128xf32, #tpu.memory_space<vmem_shared>>) dst(%dma_wait3A_2529 : memref<128x128xf32, #tpu.memory_space<vmem>>)
    %dma_wait3A_2535 = arith.constant 512 : i32
    %dma_wait3A_2536 = arith.constant 0 : i32
    %dma_wait3A_2537 = tpu.memref_slice %arg7[%dma_wait3A_2535, %dma_wait3A_2536] : memref<768x128xf32, #tpu.memory_space<vmem>> -> memref<128x128xf32, #tpu.memory_space<vmem>>
    %dma_wait3A_2538 = arith.constant 2816 : i32
    %dma_wait3A_2539 = tpu.memref_slice %arg6[%dma_wait3A_2538] : memref<3200xi32, #tpu.memory_space<vmem>> -> memref<128xi32, #tpu.memory_space<vmem>>
    %dma_wait3A_2540 = arith.constant 0 : i32
    %dma_wait3A_2541 = arith.constant 0 : i32
    %dma_wait3A_2542 = tpu.memref_slice %arg5[%dma_wait3A_2540, %dma_wait3A_2541] : memref<93x128xf32, #tpu.memory_space<vmem_shared>> -> memref<93x128xf32, #tpu.memory_space<vmem_shared>>
    tpu.wait_indirect_dma semaphore(%arg13 : memref<!tpu.dma_semaphore, #tpu.memory_space<semaphore_mem>>) src(%dma_wait3A_2542 : memref<93x128xf32, #tpu.memory_space<vmem_shared>>) dst(%dma_wait3A_2537 : memref<128x128xf32, #tpu.memory_space<vmem>>)
    %dma_wait3A_2543 = arith.constant 640 : i32
    %dma_wait3A_2544 = arith.constant 0 : i32
    %dma_wait3A_2545 = tpu.memref_slice %arg7[%dma_wait3A_2543, %dma_wait3A_2544] : memref<768x128xf32, #tpu.memory_space<vmem>> -> memref<128x128xf32, #tpu.memory_space<vmem>>
    %dma_wait3A_2546 = arith.constant 2944 : i32
    %dma_wait3A_2547 = tpu.memref_slice %arg6[%dma_wait3A_2546] : memref<3200xi32, #tpu.memory_space<vmem>> -> memref<128xi32, #tpu.memory_space<vmem>>
    %dma_wait3A_2548 = arith.constant 0 : i32
    %dma_wait3A_2549 = arith.constant 0 : i32
    %dma_wait3A_2550 = tpu.memref_slice %arg5[%dma_wait3A_2548, %dma_wait3A_2549] : memref<93x128xf32, #tpu.memory_space<vmem_shared>> -> memref<93x128xf32, #tpu.memory_space<vmem_shared>>
    tpu.wait_indirect_dma semaphore(%arg14 : memref<!tpu.dma_semaphore, #tpu.memory_space<semaphore_mem>>) src(%dma_wait3A_2550 : memref<93x128xf32, #tpu.memory_space<vmem_shared>>) dst(%dma_wait3A_2545 : memref<128x128xf32, #tpu.memory_space<vmem>>)
    %add3A_2551 = arith.constant 2688 : i32
    %add3A_2552 = arith.addi %min3A_3, %add3A_2551 : i32
    %dma_start3A_2553 = arith.constant 384 : i32
    %dma_start3A_2554 = arith.constant 0 : i32
    %dma_start3A_2555 = tpu.memref_slice %arg7[%dma_start3A_2553, %dma_start3A_2554] : memref<768x128xf32, #tpu.memory_space<vmem>> -> memref<384x128xf32, #tpu.memory_space<vmem>>
    %dma_start3A_2556 = arith.constant 0 : i32
    %dma_start3A_2557 = tpu.memref_slice %arg4[%add3A_2552, %dma_start3A_2556] : memref<100000x128xf32, #tpu.memory_space<hbm>> -> memref<384x128xf32, #tpu.memory_space<hbm>>
    %dma_start3A_2558 = arith.constant 0 : i32
    %dma_start3A_2559 = tpu.memref_slice %arg4[%add3A_2552, %dma_start3A_2558] : memref<100000x128xf32, #tpu.memory_space<hbm>> -> memref<384x128xf32, #tpu.memory_space<hbm>>
    %dma_start3A_2560 = arith.constant 384 : i32
    %dma_start3A_2561 = arith.constant 0 : i32
    %dma_start3A_2562 = tpu.memref_slice %arg7[%dma_start3A_2560, %dma_start3A_2561] : memref<768x128xf32, #tpu.memory_space<vmem>> -> memref<384x128xf32, #tpu.memory_space<vmem>>
    tpu.enqueue_dma source(%dma_start3A_2562 : memref<384x128xf32, #tpu.memory_space<vmem>>) target(%dma_start3A_2559 : memref<384x128xf32, #tpu.memory_space<hbm>>) target_semaphore(%arg16 : memref<!tpu.dma_semaphore, #tpu.memory_space<semaphore_mem>>)
    %dma_wait3A_2563 = arith.constant 0 : i32
    %dma_wait3A_2564 = arith.constant 0 : i32
    %dma_wait3A_2565 = tpu.memref_slice %arg7[%dma_wait3A_2563, %dma_wait3A_2564] : memref<768x128xf32, #tpu.memory_space<vmem>> -> memref<128x128xf32, #tpu.memory_space<vmem>>
    %dma_wait3A_2566 = arith.constant 3072 : i32
    %dma_wait3A_2567 = tpu.memref_slice %arg6[%dma_wait3A_2566] : memref<3200xi32, #tpu.memory_space<vmem>> -> memref<128xi32, #tpu.memory_space<vmem>>
    %dma_wait3A_2568 = arith.constant 0 : i32
    %dma_wait3A_2569 = arith.constant 0 : i32
    %dma_wait3A_2570 = tpu.memref_slice %arg5[%dma_wait3A_2568, %dma_wait3A_2569] : memref<93x128xf32, #tpu.memory_space<vmem_shared>> -> memref<93x128xf32, #tpu.memory_space<vmem_shared>>
    tpu.wait_indirect_dma semaphore(%arg9 : memref<!tpu.dma_semaphore, #tpu.memory_space<semaphore_mem>>) src(%dma_wait3A_2570 : memref<93x128xf32, #tpu.memory_space<vmem_shared>>) dst(%dma_wait3A_2565 : memref<128x128xf32, #tpu.memory_space<vmem>>)
    %add3A_2571 = arith.constant 3072 : i32
    %add3A_2572 = arith.addi %min3A_3, %add3A_2571 : i32
    %dma_start3A_2573 = arith.constant 0 : i32
    %dma_start3A_2574 = arith.constant 0 : i32
    %dma_start3A_2575 = tpu.memref_slice %arg7[%dma_start3A_2573, %dma_start3A_2574] : memref<768x128xf32, #tpu.memory_space<vmem>> -> memref<128x128xf32, #tpu.memory_space<vmem>>
    %dma_start3A_2576 = arith.constant 0 : i32
    %dma_start3A_2577 = tpu.memref_slice %arg4[%add3A_2572, %dma_start3A_2576] : memref<100000x128xf32, #tpu.memory_space<hbm>> -> memref<128x128xf32, #tpu.memory_space<hbm>>
    %dma_start3A_2578 = arith.constant 0 : i32
    %dma_start3A_2579 = tpu.memref_slice %arg4[%add3A_2572, %dma_start3A_2578] : memref<100000x128xf32, #tpu.memory_space<hbm>> -> memref<128x128xf32, #tpu.memory_space<hbm>>
    %dma_start3A_2580 = arith.constant 0 : i32
    %dma_start3A_2581 = arith.constant 0 : i32
    %dma_start3A_2582 = tpu.memref_slice %arg7[%dma_start3A_2580, %dma_start3A_2581] : memref<768x128xf32, #tpu.memory_space<vmem>> -> memref<128x128xf32, #tpu.memory_space<vmem>>
    tpu.enqueue_dma source(%dma_start3A_2582 : memref<128x128xf32, #tpu.memory_space<vmem>>) target(%dma_start3A_2579 : memref<128x128xf32, #tpu.memory_space<hbm>>) target_semaphore(%arg15 : memref<!tpu.dma_semaphore, #tpu.memory_space<semaphore_mem>>)
    %dma_wait3A_2583 = arith.constant 384 : i32
    %dma_wait3A_2584 = arith.constant 0 : i32
    %dma_wait3A_2585 = tpu.memref_slice %arg7[%dma_wait3A_2583, %dma_wait3A_2584] : memref<768x128xf32, #tpu.memory_space<vmem>> -> memref<384x128xf32, #tpu.memory_space<vmem>>
    %dma_wait3A_2586 = arith.constant 0 : i32
    %dma_wait3A_2587 = tpu.memref_slice %arg4[%add3A_2552, %dma_wait3A_2586] : memref<100000x128xf32, #tpu.memory_space<hbm>> -> memref<384x128xf32, #tpu.memory_space<hbm>>
    %dma_wait3A_2588 = arith.constant 0 : i32
    %dma_wait3A_2589 = tpu.memref_slice %arg4[%add3A_2552, %dma_wait3A_2588] : memref<100000x128xf32, #tpu.memory_space<hbm>> -> memref<384x128xf32, #tpu.memory_space<hbm>>
    %dma_wait3A_2590 = arith.constant 384 : i32
    %dma_wait3A_2591 = arith.constant 0 : i32
    %dma_wait3A_2592 = tpu.memref_slice %arg7[%dma_wait3A_2590, %dma_wait3A_2591] : memref<768x128xf32, #tpu.memory_space<vmem>> -> memref<384x128xf32, #tpu.memory_space<vmem>>
    tpu.wait_dma2 semaphore(%arg16 : memref<!tpu.dma_semaphore, #tpu.memory_space<semaphore_mem>>) src(%dma_wait3A_2592 : memref<384x128xf32, #tpu.memory_space<vmem>>) dst(%dma_wait3A_2589 : memref<384x128xf32, #tpu.memory_space<hbm>>)
    %dma_wait3A_2593 = arith.constant 0 : i32
    %dma_wait3A_2594 = arith.constant 0 : i32
    %dma_wait3A_2595 = tpu.memref_slice %arg7[%dma_wait3A_2593, %dma_wait3A_2594] : memref<768x128xf32, #tpu.memory_space<vmem>> -> memref<128x128xf32, #tpu.memory_space<vmem>>
    %dma_wait3A_2596 = arith.constant 0 : i32
    %dma_wait3A_2597 = tpu.memref_slice %arg4[%add3A_2572, %dma_wait3A_2596] : memref<100000x128xf32, #tpu.memory_space<hbm>> -> memref<128x128xf32, #tpu.memory_space<hbm>>
    %dma_wait3A_2598 = arith.constant 0 : i32
    %dma_wait3A_2599 = tpu.memref_slice %arg4[%add3A_2572, %dma_wait3A_2598] : memref<100000x128xf32, #tpu.memory_space<hbm>> -> memref<128x128xf32, #tpu.memory_space<hbm>>
    %dma_wait3A_2600 = arith.constant 0 : i32
    %dma_wait3A_2601 = arith.constant 0 : i32
    %dma_wait3A_2602 = tpu.memref_slice %arg7[%dma_wait3A_2600, %dma_wait3A_2601] : memref<768x128xf32, #tpu.memory_space<vmem>> -> memref<128x128xf32, #tpu.memory_space<vmem>>
    tpu.wait_dma2 semaphore(%arg15 : memref<!tpu.dma_semaphore, #tpu.memory_space<semaphore_mem>>) src(%dma_wait3A_2602 : memref<128x128xf32, #tpu.memory_space<vmem>>) dst(%dma_wait3A_2599 : memref<128x128xf32, #tpu.memory_space<hbm>>)
    return
  }
}

</mosaic_0001>

<sc_bundles>
// kernel: kernel.3.cloned.1.call-start
scs
__scs_entry_jumppad:
0x0: {  	(pc) =	sbr.rel $0x88, $3  }
0x1: {  	(tag) =	ssettag $0x0;
	lr =	simm.s32 $0x1  }
0x2: {  	[smem:$0x3F9F] =	sst lr;
	_ =	strace $0xD0000000  }
0x3: {  	_ = 	snop  }
0x4: {  	_ = 	snop  }
0x5: {  	_ = 	snop  }
0x6: {  	_ = 	snop  }
0x7: {  	_ = 	snop  }
__scs_overlays_trampoline_lowered:
0x8: {  	[smem:$0x3FAE] =	sst s0  }
0x9: {  	[smem:$0x3FAF] =	sst s1  }
0xa: {  	[smem:$0x3FB0] =	sst s2  }
0xb: {  	[smem:$0x3FB1] =	sst s3  }
0xc: {  	[smem:$0x3FB2] =	sst s4  }
0xd: {  	[smem:$0x3FB3] =	sst s5  }
0xe: {  	[smem:$0x3FB4] =	sst s6  }
0xf: {  	[smem:$0x3FB5] =	sst s7  }
0x10: {  	[smem:$0x3FB6] =	sst s8  }
0x11: {  	[smem:$0x3FB7] =	sst s9;
	s0 =	simm.s32 @!p0 $0x0  }
0x12: {  	s1 =	sld [smem:$0x3F9D];
	s0 =	simm.s32 @p0 $0x1  }
0x13: {  	[smem:$0x3FB8] =	sst s0;
	s0 =	simm.s32 @!p1 $0x0  }
0x14: {  	s2 =	sld [smem:$0x3F9C];
	s0 =	simm.s32 @p1 $0x1  }
0x15: {  	[smem:$0x3FB9] =	sst s0;
	s0 =	simm.s32 @!p2 $0x0  }
0x16: {  	s3 =	sld [smem:$0x3FDB];
	s0 =	simm.s32 @p2 $0x1  }
0x17: {  	s4 =	simm.s32 $0x1BF5;
	[smem:$0x3FBB] =	sst s0  }
0x18: {  	s0 =	sld [smem:$0x3F9E];
	_ =	swait.ge [sflag:s4], $0x0  }
0x19: {  	s7 =	sld [smem:$0x3F9F]  }
0x1a: {  	s8 =	sadd.s32 $0xFFFFE003, lr  }
0x1b: {  	s9 =	sadd.s32 $0xFFFFFEF7, lr;
	s5 =	simm.s32 $0xFFFFFFFF;
	p2 =	slt.u32 s8, $0xFFFFF086  }
0x1c: {  	p1 =	slt.u32 s9, $0xF7A;
	s5 =	simm.s32 @!p2 $0x0  }
0x1d: {  	s5 =	simm.s32 @p1 $0x1;
	p0 =	seq.s32 s7, s2  }
0x1e: {  	s7 =	smul.u32 @!p0 $0xF7A, s2;
	p2 =	seq.s32 @!p0 s5, $0x0  }
0x1f: {  	s9 =	smul.u32 $0xF7A, s1;
	s8 =	simm.s32 @!p0 $0x1BF5;
	p2 =	por !p2, p0  }
0x20: {  	[sflag:s8] =	ssyncset.s32 @!p0 $0xFFFFF086;
	s6 =	sadd.s32 @!p0 s3, s7;
	s7 =	simm.s32 @!p0 $0x108  }
0x21: {  	s3 =	sadd.s32 s3, s9;
	s6 =	sadd.s32 @!p0 $0x88, s6;
	s7 =	simm.s32 @p2 $0x1082  }
0x22: {  	[simem:s7], [sflag:s8] =	dma.local @!p0 [hbm:s6], $0xF7A  }
0x23: {  	s9 =	sor.u32 $0xD0000000, s2;
	s6 =	simm.s32 $0x108;
	_ =	swait.ge @!p0 [sflag:s8], $0x0  }
0x24: {  	s3 =	sadd.s32 $0x88, s3;
	s6 =	simm.s32 @!p1 $0x1082;
	[sflag:s4] =	ssyncset.s32 $0xFFFFF086  }
0x25: {  	[simem:s6], [sflag:s4] =	dma.local [hbm:s3], $0xF7A  }
0x26: {  	[smem:$0x3F9F] =	sst s1;
	(tag) =	ssettag s2;
	_ =	strace s9  }
0x27: {  	s1 =	sld [smem:$0x3FAF]  }
0x28: {  	s2 =	sld [smem:$0x3FB0]  }
0x29: {  	s4 =	sld [smem:$0x3FB2]  }
0x2a: {  	p0 =	seq.s32 s5, $0x0;
	s5 =	sld [smem:$0x3FB3]  }
0x2b: {  	s6 =	sld [smem:$0x3FB4]  }
0x2c: {  	s7 =	sld [smem:$0x3FB5]  }
0x2d: {  	s3 =	simm.s32 $0x108;
	s8 =	sld [smem:$0x3FB6]  }
0x2e: {  	s3 =	simm.s32 @!p0 $0x1082;
	s9 =	sld [smem:$0x3FB7]  }
0x2f: {  	lr =	sadd.s32 s0, s3;
	s0 =	sld [smem:$0x3FAE]  }
0x30: {  	s3 =	sld [smem:$0x3FB1]  }
0x31: {  	[smem:$0x3FBA] =	sst s10  }
0x32: {  	s10 =	sld [smem:$0x3FB8];
	_ =	sdelay $0x3  }
0x33: {  	p0 =	seq.s32 s10, $0x1;
	s10 =	sld [smem:$0x3FBA];
	_ =	sdelay $0x3  }
0x34: {  	[smem:$0x3FBA] =	sst s10  }
0x35: {  	s10 =	sld [smem:$0x3FB9];
	_ =	sdelay $0x3  }
0x36: {  	p1 =	seq.s32 s10, $0x1;
	s10 =	sld [smem:$0x3FBA];
	_ =	sdelay $0x3  }
0x37: {  	[smem:$0x3FBA] =	sst s10  }
0x38: {  	s10 =	sld [smem:$0x3FBB]  }
0x39: {  	_ = 	snop;
	(pc) =	sbr.ind lr, $3  }
0x3a: {  	_ = 	snop  }
0x3b: {  	_ = 	snop  }
0x3c: {  	p2 =	seq.s32 s10, $0x1;
	s10 =	sld [smem:$0x3FBA]  }
0x3d: {  	_ =	shalt  }
0x3e: {  	_ =	shalt  }
0x3f: {  	_ =	shalt  }
0x40: {  	_ =	shalt  }
0x41: {  	_ =	shalt  }
0x42: {  	_ =	shalt  }
0x43: {  	_ =	shalt  }
0x44: {  	_ =	shalt  }
0x45: {  	_ =	shalt  }
0x46: {  	_ =	shalt  }
0x47: {  	_ =	shalt  }
0x48: {  	_ =	shalt  }
0x49: {  	_ =	shalt  }
0x4a: {  	_ =	shalt  }
0x4b: {  	_ =	shalt  }
0x4c: {  	_ =	shalt  }
0x4d: {  	_ =	shalt  }
0x4e: {  	_ =	shalt  }
0x4f: {  	_ =	shalt  }
0x50: {  	_ =	shalt  }
0x51: {  	_ =	shalt  }
0x52: {  	_ =	shalt  }
0x53: {  	_ =	shalt  }
0x54: {  	_ =	shalt  }
0x55: {  	_ =	shalt  }
0x56: {  	_ =	shalt  }
0x57: {  	_ =	shalt  }
0x58: {  	_ =	shalt  }
0x59: {  	_ =	shalt  }
0x5a: {  	_ =	shalt  }
0x5b: {  	_ =	shalt  }
0x5c: {  	_ =	shalt  }
0x5d: {  	_ =	shalt  }
0x5e: {  	_ =	shalt  }
0x5f: {  	_ =	shalt  }
0x60: {  	_ =	shalt  }
0x61: {  	_ =	shalt  }
0x62: {  	_ =	shalt  }
0x63: {  	_ =	shalt  }
0x64: {  	_ =	shalt  }
0x65: {  	_ =	shalt  }
0x66: {  	_ =	shalt  }
0x67: {  	_ =	shalt  }
0x68: {  	_ =	shalt  }
0x69: {  	_ =	shalt  }
0x6a: {  	_ =	shalt  }
0x6b: {  	_ =	shalt  }
0x6c: {  	_ =	shalt  }
0x6d: {  	_ =	shalt  }
0x6e: {  	_ =	shalt  }
0x6f: {  	_ =	shalt  }
0x70: {  	_ =	shalt  }
0x71: {  	_ =	shalt  }
0x72: {  	_ =	shalt  }
0x73: {  	_ =	shalt  }
0x74: {  	_ =	shalt  }
0x75: {  	_ =	shalt  }
0x76: {  	_ =	shalt  }
0x77: {  	_ =	shalt  }
0x78: {  	_ =	shalt  }
0x79: {  	_ =	shalt  }
0x7a: {  	_ =	shalt  }
0x7b: {  	_ =	shalt  }
0x7c: {  	_ =	shalt  }
0x7d: {  	_ =	shalt  }
0x7e: {  	_ =	shalt  }
0x7f: {  	_ =	shalt  }
0x80: {  	_ =	shalt  }
0x81: {  	_ =	shalt  }
0x82: {  	_ =	shalt  }
0x83: {  	_ =	shalt  }
0x84: {  	_ =	shalt  }
0x85: {  	_ =	shalt  }
0x86: {  	_ =	shalt  }
0x87: {  	_ =	shalt  }
.Lfunc_end0:
.L_simem_size_0:
called_computation_lowered:
.L_overlay_start_0:
0x88: {  	s2 =	sld [smem:$0x3FD9]  }
0x89: {  	s3 =	sld [smem:$0x3FFE];
	_ =	sdelay $0x1  }
0x8a: {  	s1 =	srdreg.scid  }
0x8b: {  	s0 =	sand.u32 $0x1, s1  }
0x8c: {  	s18 =	sshll.u32 s0, $0xA;
	s2 =	sadd.s32 s3, s2  }
0x8d: {  	s2 =	sadd.s32 s2, s18  }
0x8e: {  	[smem:$0x3FC6] =	sst s2  }
0x8f: {  	_ = 	snop  }
0x90: {  	s2 =	sld [smem:$0x3FC9]  }
0x91: {  	s19 =	sld [smem:$0x3FC8]  }
0x92: {  	s4 =	sld [smem:$0x3FD0];
	(tm) =	ssettm $0x1  }
0x93: {  	s5 =	sld [smem:$0x3FFB];
	_ =	sdelay $0x3  }
0x94: {  	_ =	strace s5  }
0x95: {  	s5 =	sld [smem:$0x3FFC];
	_ =	sdelay $0x3  }
0x96: {  	_ =	strace s5  }
0x97: {  	s5 =	sld [smem:$0x3FFD];
	_ =	sdelay $0x3  }
0x98: {  	_ =	strace s5  }
0x99: {  	_ =	strace $0x8FFFFFFF  }
0x9a: {  	s20 =	sld [smem:$0x3FDB];
	_ =	sdelay $0x1  }
0x9b: {  	s6 =	simm.s32 $_scs_section_size  }
0x9c: {  	s7 =	simm.s32 $_size__tile_overlayer_lowered;
	s8 =	simm.s32 $_tile_overlayer_lowered  }
0x9d: {  	s23 =	simm.s32 $0x1BFF;
	s22 =	sshll.u32 s8, $0x1;
	s5 =	sadd.s32 s6, s20  }
0x9e: {  	s9 =	simm.s32 $0x0;
	s21 =	sshll.u32 s7, $0x1;
	s7 =	sadd.s32 s22, s5  }
0x9f: {  	[timem:s9], [sflag:s23] =	dma.local [hbm:s7], s21  }
0xa0: {  	_ =	swait.ge [sflag:s23], s21  }
0xa1: {  	s6 =	ssub.s32 $0x0, s21;
	[sflag:s23] =	ssyncset.done $0x0  }
0xa2: {  	[sflag:s23] =	ssyncadd.s32 s6;
	_ =	sdelay $0x1  }
0xa3: {  	s24 =	simm.s32 $0x1B8B  }
0xa4: {  	_ =	swait.ge [sflag:s24], $0x1  }
0xa5: {  	[sflag:s24] =	ssyncset.done $0x0  }
0xa6: {  	s25 =	simm.s32 $0x1B8E;
	[sflag:s24] =	ssyncadd.s32 $0xFFFFFFFF  }
0xa7: {  	s26 =	simm.s32 $execute0_lowered;
	[smem:$0x3FD2] =	sst s25  }
0xa8: {  	s6 =	sshll.u32 s26, $0x1;
	_ =	strace $0x80000046;
	[dreg:$0x1] =	wrdreg $0xFFFFFFFF  }
0xa9: {  	s28 =	simm.s32 $_size_execute0_lowered;
	s5 =	sadd.s32 s5, s6;
	[dreg:$0x0] =	wrdreg $0x0  }
0xaa: {  	s6 =	sshll.u32 s28, $0x1;
	[dreg:$0x2] =	wrdreg s5  }
0xab: {  	[dreg:$0x3] =	wrdreg s6  }
0xac: {  	[dreg:$0x4] =	wrdreg $0xC0  }
0xad: {  	_ =	task [dreg:s9], $0x5FFFF  }
0xae: {  	[dreg:$0x1] =	wrdreg $0xFFFFFFFF  }
0xaf: {  	[dreg:$0x0] =	wrdreg $0x60  }
0xb0: {  	[dreg:$0x2] =	wrdreg s19  }
0xb1: {  	[dreg:$0x3] =	wrdreg s2  }
0xb2: {  	[dreg:$0x4] =	wrdreg s4  }
0xb3: {  	[dreg:$0x5] =	wrdreg $0x0  }
0xb4: {  	[dreg:$0x6] =	wrdreg $0x9  }
0xb5: {  	_ =	task.clear_ibuf [dreg:s9], $0x7FFFF;
	_ =	strace $0x90000046  }
0xb6: {  	s29 =	simm.s32 $0x9;
	_ =	strace $0x80000048  }
0xb7: {  	_ =	swait.ge [sflag:s29], $0x1  }
0xb8: {  	[sflag:s29] =	ssyncadd.s32 $0xFFFFFFFF  }
0xb9: {  	_ =	strace $0x90000048  }
0xba: {  	_ =	sfence  }
0xbb: {  	s30 =	sld [smem:$0x0];
	_ =	sdelay $0x2  }
0xbc: {  	s31 =	sshll.u32 s1, $0xD;
	s1 =	sshrl.u32 s1, $0x2  }
0xbd: {  	s3 =	sand.u32 $0x4000, s31;
	s1 =	sadd.s32 s1, s30  }
0xbe: {  	s0 =	sor.u32 s3, s0;
	s1 =	sshll.u32 s1, $0x11  }
0xbf: {  	s0 =	sor.u32 s1, s0  }
0xc0: {  	s0 =	sadd.s32 $0x8F2B, s0  }
0xc1: {  	[sflag:s0] =	ssyncadd.remote.s32 $0x1  }
0xc2: {  	_ =	sfence.sel $0xFFFF  }
0xc3: {  	[dreg:$0x0] =	wrdreg $0xFFFFFFFF;
	(pc) =	sbr.abs _section_cstart, $3  }
0xc4: {  	[dreg:$0x1] =	wrdreg $0xFFFFFFFF  }
0xc5: {  	_ =	task.clear_ibuf [dreg:s9], $0x2FFFF;
	_ =	strace $0x9FFFFFFF  }
0xc6: {  	(tm) =	ssettm $0x7FFFFFFF  }
0xc7: {  	_ =	shalt  }
tec
execute0_lowered:
.L_overlay_start_1:
0x0: {  	(tag) =	ssettag $0x1  }
0x1: {  	s0 =	rddreg [dreg:$0x0]  }
0x2: {  	s3 =	rddreg [dreg:$0x1]  }
0x3: {  	s6 =	rddreg [dreg:$0x2]  }
0x4: {  	s1 =	srdreg.scid;
	[dreg:$0x5] =	wrdreg s0  }
0x5: {  	s2 =	simm.s32 $0x0;
	s5 =	sand.u32 $0x1, s1;
	s1 =	rddreg [dreg:$0x3]  }
0x6: {  	s4 =	stileid.u32;
	s26 =	simm.s32 $0x368;
	[smem:$0x7FF] =	sst s2  }
0x7: {  	s30 =	simm.s32 $0x3E8;
	_ =	strace $0x80000047;
	[dreg:$0x10] =	wrdreg s26  }
0x8: {  	s31 =	simm.s32 $0x468;
	s9 =	simm.s32 $0x4E8;
	[dreg:$0x11] =	wrdreg s30  }
0x9: {  	s10 =	simm.s32 $0x568;
	s11 =	simm.s32 $0x5E8;
	[dreg:$0x12] =	wrdreg s31  }
0xa: {  	s12 =	simm.s32 $0x668;
	s13 =	simm.s32 $0x6E8;
	[dreg:$0x13] =	wrdreg s9  }
0xb: {  	s14 =	simm.s32 $0x768;
	s15 =	simm.s32 $0x7E8;
	[dreg:$0x14] =	wrdreg s10  }
0xc: {  	s28 =	simm.s32 $0xE68;
	s29 =	simm.s32 $0xEE8;
	[dreg:$0x15] =	wrdreg s11  }
0xd: {  	s16 =	sshll.u32 s4, $0x1;
	p0 =	sne.s32 s4, $0x0;
	[dreg:$0x16] =	wrdreg s12  }
0xe: {  	s0 =	sor.u32 s5, s16;
	s5 =	ssub.s32 $0x2, s5;
	[dreg:$0x17] =	wrdreg s13  }
0xf: {  	s9 =	simm.s32 $0x4F68;
	s10 =	simm.s32 $0x8F68;
	[dreg:$0x18] =	wrdreg s14  }
0x10: {  	s11 =	simm.s32 $0xCF68;
	s12 =	simm.s32 $0x10F68;
	[dreg:$0x19] =	wrdreg s15  }
0x11: {  	s16 =	simm.s32 $0x868;
	s7 =	smul.u32 $0xC80, s0;
	s22 =	sshrl.u32 s5, $0x1  }
0x12: {  	s13 =	simm.s32 $0x14F68;
	[dreg:$0x1a] =	wrdreg s16;
	s25 =	ssub.s32 s5, s22  }
0x13: {  	s5 =	sshrl.u32 @!p0 s1, $0x3;
	s22 =	simm.s32 $0xB68;
	s7 =	smin.u32 s7, $0x17A20  }
0x14: {  	[dreg:$0xf] =	wrdreg s5;
	s8 =	sshrl.u32 s7, $0x3;
	s7 =	sshll.u32 s7, $0x4  }
0x15: {  	[smem:$0x7FD] =	sst s22;
	s8 =	sadd.s32 s3, s8;
	s3 =	sadd.s32 s6, s7  }
0x16: {  	s14 =	simm.s32 $0x2;
	[dreg:$0x6] =	wrdreg s8;
	s6 =	sadd.s32 $0x1800, s3  }
0x17: {  	s15 =	simm.s32 $0x3;
	s17 =	sadd.s32 $0x3000, s3;
	[dreg:$0x7] =	wrdreg s6  }
0x18: {  	s26 =	simm.s32 $0xDE8;
	s18 =	sadd.s32 $0x4800, s3;
	[dreg:$0x8] =	wrdreg s17  }
0x19: {  	s16 =	simm.s32 $0x4;
	s19 =	sadd.s32 $0x6000, s3;
	[dreg:$0x9] =	wrdreg s18  }
0x1a: {  	s4 =	smax.u32 s25, $0x1;
	s20 =	sadd.s32 $0x7800, s3;
	[dreg:$0xa] =	wrdreg s19  }
0x1b: {  	s5 =	simm.s32 $0x2E8;
	s21 =	sadd.s32 $0x9000, s3;
	[dreg:$0xb] =	wrdreg s20  }
0x1c: {  	s22 =	simm.s32 $0xBE8;
	s23 =	sadd.s32 $0xA800, s3;
	[dreg:$0xc] =	wrdreg s21  }
0x1d: {  	s25 =	simm.s32 $0xD68;
	s24 =	sadd.s32 $0xC000, s3;
	[dreg:$0xd] =	wrdreg s23  }
0x1e: {  	s7 =	simm.s32 $0x80;
	s8 =	simm.s32 $0xF68;
	[dreg:$0xe] =	wrdreg s24  }
0x1f: {  	s6 =	simm.s32 $0x1;
	s17 =	simm.s32 $0x8E8;
	s18 =	simm.s32 $0x968  }
0x20: {  	s19 =	simm.s32 $0x9E8;
	s20 =	simm.s32 $0xA68;
	[dreg:$0x1b] =	wrdreg s17  }
0x21: {  	s21 =	simm.s32 $0xAE8;
	s23 =	simm.s32 $0xC68;
	[dreg:$0x1c] =	wrdreg s18  }
0x22: {  	s24 =	simm.s32 $0xCE8;
	s17 =	simm.s32 $0x8;
	[dreg:$0x1d] =	wrdreg s19  }
0x23: {  	s18 =	simm.s32 $0x5;
	s19 =	simm.s32 $0x6;
	[dreg:$0x1e] =	wrdreg s20  }
0x24: {  	s20 =	simm.s32 $0x7;
	[dreg:$0x1f] =	wrdreg s21;
	s21 =	simm.s32 $0x9  }
.LBB2_1:
0x25: {  	s30 =	rddreg [dreg:$0x5]  }
0x26: {  	s31 =	rddreg [dreg:$0xf];
	s0 =	simm.s32 @!p0 $0x1C0A  }
0x27: {  	[spmem:s31], [sflag:s0] =	dma.local @!p0 [hbm:s30], $0x5D0  }
0x28: {  	s0 =	simm.s32 @!p0 $0xA  }
0x29: {  	_ =	swait.ge @!p0 [sflag:s0], $0x5D0  }
0x2a: {  	[sflag:s0] =	ssyncset.done @!p0 $0x0  }
0x2b: {  	s31 =	rddreg [dreg:$0x6];
	[sflag:s0] =	ssyncadd.s32 @!p0 $0xFFFFFA30  }
0x2c: {  	[tilespmem:s5], [sflag:$0x1] =	stream.linear.gather [hbm4b:s31+s2], $0xC80, $0x38;
	[tilespmem:$0x18F68] =	vst v63  }
0x2d: {  	_ =	swait.ge [sflag:s6], $0xC80  }
0x2e: {  	[sflag:s6] =	ssyncset.done $0x0  }
0x2f: {  	[sflag:s6] =	ssyncadd.s32 $0xFFFFF380  }
0x30: {  	v0 =	vld [tilespmem:$0x2E8]  }
0x31: {  	v1 =	vld [tilespmem:$0x2F8]  }
0x32: {  	v2 =	vld [tilespmem:$0x308]  }
0x33: {  	v3 =	vld [tilespmem:$0x318]  }
0x34: {  	v4 =	vld [tilespmem:$0x328]  }
0x35: {  	v5 =	vld [tilespmem:$0x338];
	v0 =	vadd.s32 $0xFFFFFFFF, v0  }
0x36: {  	v11 =	vld [tilespmem:$0x348];
	v10 =	vadd.s32 $0xFFFFFFFF, v1;
	[tilespmem:$0x2E8] =	vst v0  }
0x37: {  	v13 =	vld [tilespmem:$0x358];
	v12 =	vadd.s32 $0xFFFFFFFF, v2;
	[tilespmem:$0x2F8] =	vst v10  }
0x38: {  	v15 =	vld [tilespmem:$0x368];
	v14 =	vadd.s32 $0xFFFFFFFF, v3;
	[tilespmem:$0x308] =	vst v12  }
0x39: {  	v17 =	vld [tilespmem:$0x378];
	v16 =	vadd.s32 $0xFFFFFFFF, v4;
	[tilespmem:$0x318] =	vst v14  }
0x3a: {  	v19 =	vld [tilespmem:$0x388];
	v18 =	vadd.s32 $0xFFFFFFFF, v5;
	[tilespmem:$0x328] =	vst v16  }
0x3b: {  	v21 =	vld [tilespmem:$0x398];
	v20 =	vadd.s32 $0xFFFFFFFF, v11;
	[tilespmem:$0x338] =	vst v18  }
0x3c: {  	v23 =	vld [tilespmem:$0x3A8];
	v22 =	vadd.s32 $0xFFFFFFFF, v13;
	[tilespmem:$0x348] =	vst v20  }
0x3d: {  	v25 =	vld [tilespmem:$0x3B8];
	v24 =	vadd.s32 $0xFFFFFFFF, v15;
	[tilespmem:$0x358] =	vst v22  }
0x3e: {  	v26 =	vadd.s32 $0xFFFFFFFF, v17;
	[tilespmem:$0x368] =	vst v24  }
0x3f: {  	v27 =	vadd.s32 $0xFFFFFFFF, v19;
	[tilespmem:$0x378] =	vst v26  }
0x40: {  	v28 =	vadd.s32 $0xFFFFFFFF, v21;
	[tilespmem:$0x388] =	vst v27  }
0x41: {  	v29 =	vadd.s32 $0xFFFFFFFF, v23;
	[tilespmem:$0x398] =	vst v28  }
0x42: {  	v30 =	vadd.s32 $0xFFFFFFFF, v25;
	[tilespmem:$0x3A8] =	vst v29  }
0x43: {  	[tilespmem:$0x3B8] =	vst v30  }
0x44: {  	v0 =	vld [tilespmem:$0x3C8]  }
0x45: {  	v31 =	vld [tilespmem:$0x3D8]  }
0x46: {  	v32 =	vld [tilespmem:$0x3E8]  }
0x47: {  	v33 =	vld [tilespmem:$0x3F8]  }
0x48: {  	v34 =	vld [tilespmem:$0x408]  }
0x49: {  	v35 =	vld [tilespmem:$0x418];
	v0 =	vadd.s32 $0xFFFFFFFF, v0  }
0x4a: {  	v37 =	vld [tilespmem:$0x428];
	v36 =	vadd.s32 $0xFFFFFFFF, v31;
	[tilespmem:$0x3C8] =	vst v0  }
0x4b: {  	v39 =	vld [tilespmem:$0x438];
	v38 =	vadd.s32 $0xFFFFFFFF, v32;
	[tilespmem:$0x3D8] =	vst v36  }
0x4c: {  	v41 =	vld [tilespmem:$0x448];
	v40 =	vadd.s32 $0xFFFFFFFF, v33;
	[tilespmem:$0x3E8] =	vst v38  }
0x4d: {  	v43 =	vld [tilespmem:$0x458];
	v42 =	vadd.s32 $0xFFFFFFFF, v34;
	[tilespmem:$0x3F8] =	vst v40  }
0x4e: {  	v45 =	vld [tilespmem:$0x468];
	v44 =	vadd.s32 $0xFFFFFFFF, v35;
	[tilespmem:$0x408] =	vst v42  }
0x4f: {  	v47 =	vld [tilespmem:$0x478];
	v46 =	vadd.s32 $0xFFFFFFFF, v37;
	[tilespmem:$0x418] =	vst v44  }
0x50: {  	v49 =	vld [tilespmem:$0x488];
	v48 =	vadd.s32 $0xFFFFFFFF, v39;
	[tilespmem:$0x428] =	vst v46  }
0x51: {  	v51 =	vld [tilespmem:$0x498];
	v50 =	vadd.s32 $0xFFFFFFFF, v41;
	[tilespmem:$0x438] =	vst v48  }
0x52: {  	v53 =	vld [tilespmem:$0x4A8];
	v52 =	vadd.s32 $0xFFFFFFFF, v43;
	[tilespmem:$0x448] =	vst v50  }
0x53: {  	v55 =	vld [tilespmem:$0x4B8];
	v54 =	vadd.s32 $0xFFFFFFFF, v45;
	[tilespmem:$0x458] =	vst v52  }
0x54: {  	v57 =	vld [tilespmem:$0x4C8];
	v56 =	vadd.s32 $0xFFFFFFFF, v47;
	[tilespmem:$0x468] =	vst v54  }
0x55: {  	v59 =	vld [tilespmem:$0x4D8];
	v58 =	vadd.s32 $0xFFFFFFFF, v49;
	[tilespmem:$0x478] =	vst v56  }
0x56: {  	v61 =	vld [tilespmem:$0x4E8];
	v60 =	vadd.s32 $0xFFFFFFFF, v51;
	[tilespmem:$0x488] =	vst v58  }
0x57: {  	v63 =	vld [tilespmem:$0x4F8];
	v62 =	vadd.s32 $0xFFFFFFFF, v53;
	[tilespmem:$0x498] =	vst v60  }
0x58: {  	v9 =	vld [tilespmem:$0x508];
	v8 =	vadd.s32 $0xFFFFFFFF, v55;
	[tilespmem:$0x4A8] =	vst v62  }
0x59: {  	v11 =	vld [tilespmem:$0x518];
	v10 =	vadd.s32 $0xFFFFFFFF, v57;
	[tilespmem:$0x4B8] =	vst v8  }
0x5a: {  	v13 =	vld [tilespmem:$0x528];
	v12 =	vadd.s32 $0xFFFFFFFF, v59;
	[tilespmem:$0x4C8] =	vst v10  }
0x5b: {  	v15 =	vld [tilespmem:$0x538];
	v14 =	vadd.s32 $0xFFFFFFFF, v61;
	[tilespmem:$0x4D8] =	vst v12  }
0x5c: {  	v17 =	vld [tilespmem:$0x548];
	v16 =	vadd.s32 $0xFFFFFFFF, v63;
	[tilespmem:$0x4E8] =	vst v14  }
0x5d: {  	v19 =	vld [tilespmem:$0x558];
	v18 =	vadd.s32 $0xFFFFFFFF, v9;
	[tilespmem:$0x4F8] =	vst v16  }
0x5e: {  	v21 =	vld [tilespmem:$0x568];
	v20 =	vadd.s32 $0xFFFFFFFF, v11;
	[tilespmem:$0x508] =	vst v18  }
0x5f: {  	v23 =	vld [tilespmem:$0x578];
	v22 =	vadd.s32 $0xFFFFFFFF, v13;
	[tilespmem:$0x518] =	vst v20  }
0x60: {  	v25 =	vld [tilespmem:$0x588];
	v24 =	vadd.s32 $0xFFFFFFFF, v15;
	[tilespmem:$0x528] =	vst v22  }
0x61: {  	v27 =	vld [tilespmem:$0x598];
	v26 =	vadd.s32 $0xFFFFFFFF, v17;
	[tilespmem:$0x538] =	vst v24  }
0x62: {  	v29 =	vld [tilespmem:$0x5A8];
	v28 =	vadd.s32 $0xFFFFFFFF, v19;
	[tilespmem:$0x548] =	vst v26  }
0x63: {  	v30 =	vadd.s32 $0xFFFFFFFF, v21;
	v31 =	vld [tilespmem:$0x5B8];
	[tilespmem:$0x558] =	vst v28  }
0x64: {  	v32 =	vadd.s32 $0xFFFFFFFF, v23;
	v33 =	vld [tilespmem:$0x5C8];
	[tilespmem:$0x568] =	vst v30  }
0x65: {  	v34 =	vadd.s32 $0xFFFFFFFF, v25;
	v35 =	vld [tilespmem:$0x5D8];
	[tilespmem:$0x578] =	vst v32  }
0x66: {  	v37 =	vld [tilespmem:$0x5E8];
	[tilespmem:$0x588] =	vst v34;
	v36 =	vadd.s32 $0xFFFFFFFF, v27  }
0x67: {  	v39 =	vld [tilespmem:$0x5F8];
	v38 =	vadd.s32 $0xFFFFFFFF, v29;
	[tilespmem:$0x598] =	vst v36  }
0x68: {  	v41 =	vld [tilespmem:$0x608];
	[tilespmem:$0x5A8] =	vst v38;
	v40 =	vadd.s32 $0xFFFFFFFF, v31  }
0x69: {  	v43 =	vld [tilespmem:$0x618];
	v42 =	vadd.s32 $0xFFFFFFFF, v33;
	[tilespmem:$0x5B8] =	vst v40  }
0x6a: {  	v45 =	vld [tilespmem:$0x628];
	v44 =	vadd.s32 $0xFFFFFFFF, v35;
	[tilespmem:$0x5C8] =	vst v42  }
0x6b: {  	v47 =	vld [tilespmem:$0x638];
	v46 =	vadd.s32 $0xFFFFFFFF, v37;
	[tilespmem:$0x5D8] =	vst v44  }
0x6c: {  	v49 =	vld [tilespmem:$0x648];
	v48 =	vadd.s32 $0xFFFFFFFF, v39;
	[tilespmem:$0x5E8] =	vst v46  }
0x6d: {  	v51 =	vld [tilespmem:$0x658];
	v50 =	vadd.s32 $0xFFFFFFFF, v41;
	[tilespmem:$0x5F8] =	vst v48  }
0x6e: {  	v53 =	vld [tilespmem:$0x668];
	v52 =	vadd.s32 $0xFFFFFFFF, v43;
	[tilespmem:$0x608] =	vst v50  }
0x6f: {  	v55 =	vld [tilespmem:$0x678];
	v54 =	vadd.s32 $0xFFFFFFFF, v45;
	[tilespmem:$0x618] =	vst v52  }
0x70: {  	v57 =	vld [tilespmem:$0x688];
	v56 =	vadd.s32 $0xFFFFFFFF, v47;
	[tilespmem:$0x628] =	vst v54  }
0x71: {  	v59 =	vld [tilespmem:$0x698];
	v58 =	vadd.s32 $0xFFFFFFFF, v49;
	[tilespmem:$0x638] =	vst v56  }
0x72: {  	v61 =	vld [tilespmem:$0x6A8];
	v60 =	vadd.s32 $0xFFFFFFFF, v51;
	[tilespmem:$0x648] =	vst v58  }
0x73: {  	v63 =	vld [tilespmem:$0x6B8];
	v62 =	vadd.s32 $0xFFFFFFFF, v53;
	[tilespmem:$0x658] =	vst v60  }
0x74: {  	v9 =	vld [tilespmem:$0x6C8];
	v8 =	vadd.s32 $0xFFFFFFFF, v55;
	[tilespmem:$0x668] =	vst v62  }
0x75: {  	v11 =	vld [tilespmem:$0x6D8];
	v10 =	vadd.s32 $0xFFFFFFFF, v57;
	[tilespmem:$0x678] =	vst v8  }
0x76: {  	v13 =	vld [tilespmem:$0x6E8];
	v12 =	vadd.s32 $0xFFFFFFFF, v59;
	[tilespmem:$0x688] =	vst v10  }
0x77: {  	v15 =	vld [tilespmem:$0x6F8];
	v14 =	vadd.s32 $0xFFFFFFFF, v61;
	[tilespmem:$0x698] =	vst v12  }
0x78: {  	v17 =	vld [tilespmem:$0x708];
	v16 =	vadd.s32 $0xFFFFFFFF, v63;
	[tilespmem:$0x6A8] =	vst v14  }
0x79: {  	v19 =	vld [tilespmem:$0x718];
	v18 =	vadd.s32 $0xFFFFFFFF, v9;
	[tilespmem:$0x6B8] =	vst v16  }
0x7a: {  	v21 =	vld [tilespmem:$0x728];
	v20 =	vadd.s32 $0xFFFFFFFF, v11;
	[tilespmem:$0x6C8] =	vst v18  }
0x7b: {  	v23 =	vld [tilespmem:$0x738];
	v22 =	vadd.s32 $0xFFFFFFFF, v13;
	[tilespmem:$0x6D8] =	vst v20  }
0x7c: {  	v25 =	vld [tilespmem:$0x748];
	v24 =	vadd.s32 $0xFFFFFFFF, v15;
	[tilespmem:$0x6E8] =	vst v22  }
0x7d: {  	v27 =	vld [tilespmem:$0x758];
	v26 =	vadd.s32 $0xFFFFFFFF, v17;
	[tilespmem:$0x6F8] =	vst v24  }
0x7e: {  	v29 =	vld [tilespmem:$0x768];
	v28 =	vadd.s32 $0xFFFFFFFF, v19;
	[tilespmem:$0x708] =	vst v26  }
0x7f: {  	v30 =	vadd.s32 $0xFFFFFFFF, v21;
	v31 =	vld [tilespmem:$0x778];
	[tilespmem:$0x718] =	vst v28  }
0x80: {  	v32 =	vadd.s32 $0xFFFFFFFF, v23;
	v33 =	vld [tilespmem:$0x788];
	[tilespmem:$0x728] =	vst v30  }
0x81: {  	v34 =	vadd.s32 $0xFFFFFFFF, v25;
	v35 =	vld [tilespmem:$0x798];
	[tilespmem:$0x738] =	vst v32  }
0x82: {  	v37 =	vld [tilespmem:$0x7A8];
	[tilespmem:$0x748] =	vst v34;
	v36 =	vadd.s32 $0xFFFFFFFF, v27  }
0x83: {  	v39 =	vld [tilespmem:$0x7B8];
	v38 =	vadd.s32 $0xFFFFFFFF, v29;
	[tilespmem:$0x758] =	vst v36  }
0x84: {  	v41 =	vld [tilespmem:$0x7C8];
	[tilespmem:$0x768] =	vst v38;
	v40 =	vadd.s32 $0xFFFFFFFF, v31  }
0x85: {  	v43 =	vld [tilespmem:$0x7D8];
	v42 =	vadd.s32 $0xFFFFFFFF, v33;
	[tilespmem:$0x778] =	vst v40  }
0x86: {  	v45 =	vld [tilespmem:$0x7E8];
	v44 =	vadd.s32 $0xFFFFFFFF, v35;
	[tilespmem:$0x788] =	vst v42  }
0x87: {  	v47 =	vld [tilespmem:$0x7F8];
	v46 =	vadd.s32 $0xFFFFFFFF, v37;
	[tilespmem:$0x798] =	vst v44  }
0x88: {  	v49 =	vld [tilespmem:$0x808];
	v48 =	vadd.s32 $0xFFFFFFFF, v39;
	[tilespmem:$0x7A8] =	vst v46  }
0x89: {  	v51 =	vld [tilespmem:$0x818];
	v50 =	vadd.s32 $0xFFFFFFFF, v41;
	[tilespmem:$0x7B8] =	vst v48  }
0x8a: {  	v53 =	vld [tilespmem:$0x828];
	v52 =	vadd.s32 $0xFFFFFFFF, v43;
	[tilespmem:$0x7C8] =	vst v50  }
0x8b: {  	v55 =	vld [tilespmem:$0x838];
	v54 =	vadd.s32 $0xFFFFFFFF, v45;
	[tilespmem:$0x7D8] =	vst v52  }
0x8c: {  	v57 =	vld [tilespmem:$0x848];
	v56 =	vadd.s32 $0xFFFFFFFF, v47;
	[tilespmem:$0x7E8] =	vst v54  }
0x8d: {  	v59 =	vld [tilespmem:$0x858];
	v58 =	vadd.s32 $0xFFFFFFFF, v49;
	[tilespmem:$0x7F8] =	vst v56  }
0x8e: {  	v61 =	vld [tilespmem:$0x868];
	v60 =	vadd.s32 $0xFFFFFFFF, v51;
	[tilespmem:$0x808] =	vst v58  }
0x8f: {  	v63 =	vld [tilespmem:$0x878];
	v62 =	vadd.s32 $0xFFFFFFFF, v53;
	[tilespmem:$0x818] =	vst v60  }
0x90: {  	v9 =	vld [tilespmem:$0x888];
	v8 =	vadd.s32 $0xFFFFFFFF, v55;
	[tilespmem:$0x828] =	vst v62  }
0x91: {  	v11 =	vld [tilespmem:$0x898];
	v10 =	vadd.s32 $0xFFFFFFFF, v57;
	[tilespmem:$0x838] =	vst v8  }
0x92: {  	v13 =	vld [tilespmem:$0x8A8];
	v12 =	vadd.s32 $0xFFFFFFFF, v59;
	[tilespmem:$0x848] =	vst v10  }
0x93: {  	v15 =	vld [tilespmem:$0x8B8];
	v14 =	vadd.s32 $0xFFFFFFFF, v61;
	[tilespmem:$0x858] =	vst v12  }
0x94: {  	v17 =	vld [tilespmem:$0x8C8];
	v16 =	vadd.s32 $0xFFFFFFFF, v63;
	[tilespmem:$0x868] =	vst v14  }
0x95: {  	v19 =	vld [tilespmem:$0x8D8];
	v18 =	vadd.s32 $0xFFFFFFFF, v9;
	[tilespmem:$0x878] =	vst v16  }
0x96: {  	v21 =	vld [tilespmem:$0x8E8];
	v20 =	vadd.s32 $0xFFFFFFFF, v11;
	[tilespmem:$0x888] =	vst v18  }
0x97: {  	v23 =	vld [tilespmem:$0x8F8];
	v22 =	vadd.s32 $0xFFFFFFFF, v13;
	[tilespmem:$0x898] =	vst v20  }
0x98: {  	v25 =	vld [tilespmem:$0x908];
	v24 =	vadd.s32 $0xFFFFFFFF, v15;
	[tilespmem:$0x8A8] =	vst v22  }
0x99: {  	v27 =	vld [tilespmem:$0x918];
	v26 =	vadd.s32 $0xFFFFFFFF, v17;
	[tilespmem:$0x8B8] =	vst v24  }
0x9a: {  	v29 =	vld [tilespmem:$0x928];
	v28 =	vadd.s32 $0xFFFFFFFF, v19;
	[tilespmem:$0x8C8] =	vst v26  }
0x9b: {  	v30 =	vadd.s32 $0xFFFFFFFF, v21;
	v31 =	vld [tilespmem:$0x938];
	[tilespmem:$0x8D8] =	vst v28  }
0x9c: {  	v32 =	vadd.s32 $0xFFFFFFFF, v23;
	v33 =	vld [tilespmem:$0x948];
	[tilespmem:$0x8E8] =	vst v30  }
0x9d: {  	v34 =	vadd.s32 $0xFFFFFFFF, v25;
	v35 =	vld [tilespmem:$0x958];
	[tilespmem:$0x8F8] =	vst v32  }
0x9e: {  	v37 =	vld [tilespmem:$0x968];
	[tilespmem:$0x908] =	vst v34;
	v36 =	vadd.s32 $0xFFFFFFFF, v27  }
0x9f: {  	v39 =	vld [tilespmem:$0x978];
	v38 =	vadd.s32 $0xFFFFFFFF, v29;
	[tilespmem:$0x918] =	vst v36  }
0xa0: {  	v41 =	vld [tilespmem:$0x988];
	[tilespmem:$0x928] =	vst v38;
	v40 =	vadd.s32 $0xFFFFFFFF, v31  }
0xa1: {  	v43 =	vld [tilespmem:$0x998];
	v42 =	vadd.s32 $0xFFFFFFFF, v33;
	[tilespmem:$0x938] =	vst v40  }
0xa2: {  	v45 =	vld [tilespmem:$0x9A8];
	v44 =	vadd.s32 $0xFFFFFFFF, v35;
	[tilespmem:$0x948] =	vst v42  }
0xa3: {  	v47 =	vld [tilespmem:$0x9B8];
	v46 =	vadd.s32 $0xFFFFFFFF, v37;
	[tilespmem:$0x958] =	vst v44  }
0xa4: {  	v49 =	vld [tilespmem:$0x9C8];
	v48 =	vadd.s32 $0xFFFFFFFF, v39;
	[tilespmem:$0x968] =	vst v46  }
0xa5: {  	v51 =	vld [tilespmem:$0x9D8];
	v50 =	vadd.s32 $0xFFFFFFFF, v41;
	[tilespmem:$0x978] =	vst v48  }
0xa6: {  	v53 =	vld [tilespmem:$0x9E8];
	v52 =	vadd.s32 $0xFFFFFFFF, v43;
	[tilespmem:$0x988] =	vst v50  }
0xa7: {  	v55 =	vld [tilespmem:$0x9F8];
	v54 =	vadd.s32 $0xFFFFFFFF, v45;
	[tilespmem:$0x998] =	vst v52  }
0xa8: {  	v57 =	vld [tilespmem:$0xA08];
	v56 =	vadd.s32 $0xFFFFFFFF, v47;
	[tilespmem:$0x9A8] =	vst v54  }
0xa9: {  	v59 =	vld [tilespmem:$0xA18];
	v58 =	vadd.s32 $0xFFFFFFFF, v49;
	[tilespmem:$0x9B8] =	vst v56  }
0xaa: {  	v61 =	vld [tilespmem:$0xA28];
	v60 =	vadd.s32 $0xFFFFFFFF, v51;
	[tilespmem:$0x9C8] =	vst v58  }
0xab: {  	v63 =	vld [tilespmem:$0xA38];
	v62 =	vadd.s32 $0xFFFFFFFF, v53;
	[tilespmem:$0x9D8] =	vst v60  }
0xac: {  	v9 =	vld [tilespmem:$0xA48];
	v8 =	vadd.s32 $0xFFFFFFFF, v55;
	[tilespmem:$0x9E8] =	vst v62  }
0xad: {  	v11 =	vld [tilespmem:$0xA58];
	v10 =	vadd.s32 $0xFFFFFFFF, v57;
	[tilespmem:$0x9F8] =	vst v8  }
0xae: {  	v13 =	vld [tilespmem:$0xA68];
	v12 =	vadd.s32 $0xFFFFFFFF, v59;
	[tilespmem:$0xA08] =	vst v10  }
0xaf: {  	v15 =	vld [tilespmem:$0xA78];
	v14 =	vadd.s32 $0xFFFFFFFF, v61;
	[tilespmem:$0xA18] =	vst v12  }
0xb0: {  	v17 =	vld [tilespmem:$0xA88];
	v16 =	vadd.s32 $0xFFFFFFFF, v63;
	[tilespmem:$0xA28] =	vst v14  }
0xb1: {  	v19 =	vld [tilespmem:$0xA98];
	v18 =	vadd.s32 $0xFFFFFFFF, v9;
	[tilespmem:$0xA38] =	vst v16  }
0xb2: {  	v21 =	vld [tilespmem:$0xAA8];
	v20 =	vadd.s32 $0xFFFFFFFF, v11;
	[tilespmem:$0xA48] =	vst v18  }
0xb3: {  	v23 =	vld [tilespmem:$0xAB8];
	v22 =	vadd.s32 $0xFFFFFFFF, v13;
	[tilespmem:$0xA58] =	vst v20  }
0xb4: {  	v25 =	vld [tilespmem:$0xAC8];
	v24 =	vadd.s32 $0xFFFFFFFF, v15;
	[tilespmem:$0xA68] =	vst v22  }
0xb5: {  	v27 =	vld [tilespmem:$0xAD8];
	v26 =	vadd.s32 $0xFFFFFFFF, v17;
	[tilespmem:$0xA78] =	vst v24  }
0xb6: {  	v29 =	vld [tilespmem:$0xAE8];
	v28 =	vadd.s32 $0xFFFFFFFF, v19;
	[tilespmem:$0xA88] =	vst v26  }
0xb7: {  	v30 =	vadd.s32 $0xFFFFFFFF, v21;
	v31 =	vld [tilespmem:$0xAF8];
	[tilespmem:$0xA98] =	vst v28  }
0xb8: {  	v32 =	vadd.s32 $0xFFFFFFFF, v23;
	v33 =	vld [tilespmem:$0xB08];
	[tilespmem:$0xAA8] =	vst v30  }
0xb9: {  	v34 =	vadd.s32 $0xFFFFFFFF, v25;
	v35 =	vld [tilespmem:$0xB18];
	[tilespmem:$0xAB8] =	vst v32  }
0xba: {  	v37 =	vld [tilespmem:$0xB28];
	[tilespmem:$0xAC8] =	vst v34;
	v36 =	vadd.s32 $0xFFFFFFFF, v27  }
0xbb: {  	v39 =	vld [tilespmem:$0xB38];
	v38 =	vadd.s32 $0xFFFFFFFF, v29;
	[tilespmem:$0xAD8] =	vst v36  }
0xbc: {  	v41 =	vld [tilespmem:$0xB48];
	[tilespmem:$0xAE8] =	vst v38;
	v40 =	vadd.s32 $0xFFFFFFFF, v31  }
0xbd: {  	v43 =	vld [tilespmem:$0xB58];
	v42 =	vadd.s32 $0xFFFFFFFF, v33;
	[tilespmem:$0xAF8] =	vst v40  }
0xbe: {  	v45 =	vld [tilespmem:$0xB68];
	v44 =	vadd.s32 $0xFFFFFFFF, v35;
	[tilespmem:$0xB08] =	vst v42  }
0xbf: {  	v47 =	vld [tilespmem:$0xB78];
	v46 =	vadd.s32 $0xFFFFFFFF, v37;
	[tilespmem:$0xB18] =	vst v44  }
0xc0: {  	v49 =	vld [tilespmem:$0xB88];
	v48 =	vadd.s32 $0xFFFFFFFF, v39;
	[tilespmem:$0xB28] =	vst v46  }
0xc1: {  	v51 =	vld [tilespmem:$0xB98];
	v50 =	vadd.s32 $0xFFFFFFFF, v41;
	[tilespmem:$0xB38] =	vst v48  }
0xc2: {  	v53 =	vld [tilespmem:$0xBA8];
	v52 =	vadd.s32 $0xFFFFFFFF, v43;
	[tilespmem:$0xB48] =	vst v50  }
0xc3: {  	v55 =	vld [tilespmem:$0xBB8];
	v54 =	vadd.s32 $0xFFFFFFFF, v45;
	[tilespmem:$0xB58] =	vst v52  }
0xc4: {  	v57 =	vld [tilespmem:$0xBC8];
	v56 =	vadd.s32 $0xFFFFFFFF, v47;
	[tilespmem:$0xB68] =	vst v54  }
0xc5: {  	v59 =	vld [tilespmem:$0xBD8];
	v58 =	vadd.s32 $0xFFFFFFFF, v49;
	[tilespmem:$0xB78] =	vst v56  }
0xc6: {  	v61 =	vld [tilespmem:$0xBE8];
	v60 =	vadd.s32 $0xFFFFFFFF, v51;
	[tilespmem:$0xB88] =	vst v58  }
0xc7: {  	v63 =	vld [tilespmem:$0xBF8];
	v62 =	vadd.s32 $0xFFFFFFFF, v53;
	[tilespmem:$0xB98] =	vst v60  }
0xc8: {  	v8 =	vld [tilespmem:$0xC08];
	v7 =	vadd.s32 $0xFFFFFFFF, v55;
	[tilespmem:$0xBA8] =	vst v62  }
0xc9: {  	v10 =	vld [tilespmem:$0xC18];
	v9 =	vadd.s32 $0xFFFFFFFF, v57;
	[tilespmem:$0xBB8] =	vst v7  }
0xca: {  	v12 =	vld [tilespmem:$0xC28];
	v11 =	vadd.s32 $0xFFFFFFFF, v59;
	[tilespmem:$0xBC8] =	vst v9  }
0xcb: {  	v14 =	vld [tilespmem:$0xC38];
	v13 =	vadd.s32 $0xFFFFFFFF, v61;
	[tilespmem:$0xBD8] =	vst v11  }
0xcc: {  	v16 =	vld [tilespmem:$0xC48];
	v15 =	vadd.s32 $0xFFFFFFFF, v63;
	[tilespmem:$0xBE8] =	vst v13  }
0xcd: {  	v18 =	vld [tilespmem:$0xC58];
	[tilespmem:$0xBF8] =	vst v15;
	v17 =	vadd.s32 $0xFFFFFFFF, v8  }
0xce: {  	v20 =	vld [tilespmem:$0xC68];
	v19 =	vadd.s32 $0xFFFFFFFF, v10;
	[tilespmem:$0xC08] =	vst v17  }
0xcf: {  	v22 =	vld [tilespmem:$0xC78];
	v21 =	vadd.s32 $0xFFFFFFFF, v12;
	[tilespmem:$0xC18] =	vst v19  }
0xd0: {  	v24 =	vld [tilespmem:$0xC88];
	v23 =	vadd.s32 $0xFFFFFFFF, v14;
	[tilespmem:$0xC28] =	vst v21  }
0xd1: {  	v26 =	vld [tilespmem:$0xC98];
	v25 =	vadd.s32 $0xFFFFFFFF, v16;
	[tilespmem:$0xC38] =	vst v23  }
0xd2: {  	v28 =	vld [tilespmem:$0xCA8];
	v27 =	vadd.s32 $0xFFFFFFFF, v18;
	[tilespmem:$0xC48] =	vst v25  }
0xd3: {  	v30 =	vld [tilespmem:$0xCB8];
	v29 =	vadd.s32 $0xFFFFFFFF, v20;
	[tilespmem:$0xC58] =	vst v27  }
0xd4: {  	v32 =	vld [tilespmem:$0xCC8];
	v31 =	vadd.s32 $0xFFFFFFFF, v22;
	[tilespmem:$0xC68] =	vst v29  }
0xd5: {  	v34 =	vld [tilespmem:$0xCD8];
	v33 =	vadd.s32 $0xFFFFFFFF, v24;
	[tilespmem:$0xC78] =	vst v31  }
0xd6: {  	v36 =	vld [tilespmem:$0xCE8];
	v35 =	vadd.s32 $0xFFFFFFFF, v26;
	[tilespmem:$0xC88] =	vst v33  }
0xd7: {  	v38 =	vld [tilespmem:$0xCF8];
	v37 =	vadd.s32 $0xFFFFFFFF, v28;
	[tilespmem:$0xC98] =	vst v35  }
0xd8: {  	v39 =	vadd.s32 $0xFFFFFFFF, v30;
	v40 =	vld [tilespmem:$0xD08];
	[tilespmem:$0xCA8] =	vst v37  }
0xd9: {  	v41 =	vadd.s32 $0xFFFFFFFF, v32;
	v42 =	vld [tilespmem:$0xD18];
	[tilespmem:$0xCB8] =	vst v39  }
0xda: {  	v43 =	vadd.s32 $0xFFFFFFFF, v34;
	v44 =	vld [tilespmem:$0xD28];
	[tilespmem:$0xCC8] =	vst v41  }
0xdb: {  	v46 =	vld [tilespmem:$0xD38];
	[tilespmem:$0xCD8] =	vst v43;
	v45 =	vadd.s32 $0xFFFFFFFF, v36  }
0xdc: {  	v48 =	vld [tilespmem:$0xD48];
	v47 =	vadd.s32 $0xFFFFFFFF, v38;
	[tilespmem:$0xCE8] =	vst v45  }
0xdd: {  	v50 =	vld [tilespmem:$0xD58];
	[tilespmem:$0xCF8] =	vst v47;
	v49 =	vadd.s32 $0xFFFFFFFF, v40  }
0xde: {  	v52 =	vld [tilespmem:$0xD68];
	v51 =	vadd.s32 $0xFFFFFFFF, v42;
	[tilespmem:$0xD08] =	vst v49  }
0xdf: {  	v54 =	vld [tilespmem:$0xD78];
	v53 =	vadd.s32 $0xFFFFFFFF, v44;
	[tilespmem:$0xD18] =	vst v51  }
0xe0: {  	v56 =	vld [tilespmem:$0xD88];
	v55 =	vadd.s32 $0xFFFFFFFF, v46;
	[tilespmem:$0xD28] =	vst v53  }
0xe1: {  	v58 =	vld [tilespmem:$0xD98];
	v57 =	vadd.s32 $0xFFFFFFFF, v48;
	[tilespmem:$0xD38] =	vst v55  }
0xe2: {  	v60 =	vld [tilespmem:$0xDA8];
	v59 =	vadd.s32 $0xFFFFFFFF, v50;
	[tilespmem:$0xD48] =	vst v57  }
0xe3: {  	v62 =	vld [tilespmem:$0xDB8];
	v61 =	vadd.s32 $0xFFFFFFFF, v52;
	[tilespmem:$0xD58] =	vst v59  }
0xe4: {  	v8 =	vld [tilespmem:$0xDC8];
	v63 =	vadd.s32 $0xFFFFFFFF, v54;
	[tilespmem:$0xD68] =	vst v61  }
0xe5: {  	v10 =	vld [tilespmem:$0xDD8];
	v9 =	vadd.s32 $0xFFFFFFFF, v56;
	[tilespmem:$0xD78] =	vst v63  }
0xe6: {  	v12 =	vld [tilespmem:$0xDE8];
	v11 =	vadd.s32 $0xFFFFFFFF, v58;
	[tilespmem:$0xD88] =	vst v9  }
0xe7: {  	v14 =	vld [tilespmem:$0xDF8];
	v13 =	vadd.s32 $0xFFFFFFFF, v60;
	[tilespmem:$0xD98] =	vst v11  }
0xe8: {  	v16 =	vld [tilespmem:$0xE08];
	v15 =	vadd.s32 $0xFFFFFFFF, v62;
	[tilespmem:$0xDA8] =	vst v13  }
0xe9: {  	v18 =	vld [tilespmem:$0xE18];
	v17 =	vadd.s32 $0xFFFFFFFF, v8;
	[tilespmem:$0xDB8] =	vst v15  }
0xea: {  	v20 =	vld [tilespmem:$0xE28];
	v19 =	vadd.s32 $0xFFFFFFFF, v10;
	[tilespmem:$0xDC8] =	vst v17  }
0xeb: {  	v22 =	vld [tilespmem:$0xE38];
	v21 =	vadd.s32 $0xFFFFFFFF, v12;
	[tilespmem:$0xDD8] =	vst v19  }
0xec: {  	v24 =	vld [tilespmem:$0xE48];
	v23 =	vadd.s32 $0xFFFFFFFF, v14;
	[tilespmem:$0xDE8] =	vst v21  }
0xed: {  	v26 =	vld [tilespmem:$0xE58];
	v25 =	vadd.s32 $0xFFFFFFFF, v16;
	[tilespmem:$0xDF8] =	vst v23  }
0xee: {  	v28 =	vld [tilespmem:$0xE68];
	v27 =	vadd.s32 $0xFFFFFFFF, v18;
	[tilespmem:$0xE08] =	vst v25  }
0xef: {  	v30 =	vld [tilespmem:$0xE78];
	v29 =	vadd.s32 $0xFFFFFFFF, v20;
	[tilespmem:$0xE18] =	vst v27  }
0xf0: {  	v32 =	vld [tilespmem:$0xE88];
	v31 =	vadd.s32 $0xFFFFFFFF, v22;
	[tilespmem:$0xE28] =	vst v29  }
0xf1: {  	v34 =	vld [tilespmem:$0xE98];
	v33 =	vadd.s32 $0xFFFFFFFF, v24;
	[tilespmem:$0xE38] =	vst v31  }
0xf2: {  	v36 =	vld [tilespmem:$0xEA8];
	v35 =	vadd.s32 $0xFFFFFFFF, v26;
	[tilespmem:$0xE48] =	vst v33  }
0xf3: {  	v38 =	vld [tilespmem:$0xEB8];
	v37 =	vadd.s32 $0xFFFFFFFF, v28;
	[tilespmem:$0xE58] =	vst v35  }
0xf4: {  	v39 =	vadd.s32 $0xFFFFFFFF, v30;
	v40 =	vld [tilespmem:$0xEC8];
	[tilespmem:$0xE68] =	vst v37  }
0xf5: {  	v41 =	vadd.s32 $0xFFFFFFFF, v32;
	v42 =	vld [tilespmem:$0xED8];
	[tilespmem:$0xE78] =	vst v39  }
0xf6: {  	v43 =	vadd.s32 $0xFFFFFFFF, v34;
	v44 =	vld [tilespmem:$0xEE8];
	[tilespmem:$0xE88] =	vst v41  }
0xf7: {  	v46 =	vld [tilespmem:$0xEF8];
	[tilespmem:$0xE98] =	vst v43;
	v45 =	vadd.s32 $0xFFFFFFFF, v36  }
0xf8: {  	v48 =	vld [tilespmem:$0xF08];
	v47 =	vadd.s32 $0xFFFFFFFF, v38;
	[tilespmem:$0xEA8] =	vst v45  }
0xf9: {  	v50 =	vld [tilespmem:$0xF18];
	[tilespmem:$0xEB8] =	vst v47;
	v49 =	vadd.s32 $0xFFFFFFFF, v40  }
0xfa: {  	v52 =	vld [tilespmem:$0xF28];
	v51 =	vadd.s32 $0xFFFFFFFF, v42;
	[tilespmem:$0xEC8] =	vst v49  }
0xfb: {  	v54 =	vld [tilespmem:$0xF38];
	v53 =	vadd.s32 $0xFFFFFFFF, v44;
	[tilespmem:$0xED8] =	vst v51  }
0xfc: {  	v56 =	vld [tilespmem:$0xF48];
	v55 =	vadd.s32 $0xFFFFFFFF, v46;
	[tilespmem:$0xEE8] =	vst v53  }
0xfd: {  	v58 =	vld [tilespmem:$0xF58];
	v57 =	vadd.s32 $0xFFFFFFFF, v48;
	[tilespmem:$0xEF8] =	vst v55  }
0xfe: {  	v59 =	vadd.s32 $0xFFFFFFFF, v50;
	[tilespmem:$0xF08] =	vst v57  }
0xff: {  	v60 =	vadd.s32 $0xFFFFFFFF, v52;
	[tilespmem:$0xF18] =	vst v59  }
0x100: {  	v61 =	vadd.s32 $0xFFFFFFFF, v54;
	[tilespmem:$0xF28] =	vst v60  }
0x101: {  	v62 =	vadd.s32 $0xFFFFFFFF, v56;
	[tilespmem:$0xF38] =	vst v61  }
0x102: {  	v63 =	vadd.s32 $0xFFFFFFFF, v58;
	[tilespmem:$0xF48] =	vst v62  }
0x103: {  	[tilespmem:$0xF58] =	vst v63  }
0x104: {  	[bflag:$0x0] =	sbarrier.arrive $0xFFFF  }
0x105: {  	[tilespmem:s8], [sflag:$0x2] =	stream.indirect.gather [spmem:s1], $0x80, s5, s7, $0xb8;
	[tilespmem:$0x18F68] =	vst v63  }
0x106: {  	s31 =	rddreg [dreg:$0x10]  }
0x107: {  	[tilespmem:s9], [sflag:$0x3] =	stream.indirect.gather [spmem:s1], $0x80, s31, s7, $0xb8;
	[tilespmem:$0x18F68] =	vst v63  }
0x108: {  	s30 =	rddreg [dreg:$0x11]  }
0x109: {  	[tilespmem:s10], [sflag:$0x4] =	stream.indirect.gather [spmem:s1], $0x80, s30, s7, $0xb8;
	[tilespmem:$0x18F68] =	vst v63  }
0x10a: {  	s31 =	rddreg [dreg:$0x12]  }
0x10b: {  	[tilespmem:s11], [sflag:$0x5] =	stream.indirect.gather [spmem:s1], $0x80, s31, s7, $0xb8;
	[tilespmem:$0x18F68] =	vst v63  }
0x10c: {  	s30 =	rddreg [dreg:$0x13]  }
0x10d: {  	[tilespmem:s12], [sflag:$0x6] =	stream.indirect.gather [spmem:s1], $0x80, s30, s7, $0xb8;
	[tilespmem:$0x18F68] =	vst v63  }
0x10e: {  	s31 =	rddreg [dreg:$0x14]  }
0x10f: {  	[tilespmem:s13], [sflag:$0x7] =	stream.indirect.gather [spmem:s1], $0x80, s31, s7, $0xb8;
	[tilespmem:$0x18F68] =	vst v63  }
0x110: {  	_ =	swait.ge [sflag:s14], $0x4000  }
0x111: {  	[sflag:s14] =	ssyncset.done $0x0  }
0x112: {  	[sflag:s14] =	ssyncadd.s32 $0xFFFFC000  }
0x113: {  	_ =	swait.ge [sflag:s15], $0x4000  }
0x114: {  	[sflag:s15] =	ssyncset.done $0x0  }
0x115: {  	[sflag:s15] =	ssyncadd.s32 $0xFFFFC000  }
0x116: {  	_ =	swait.ge [sflag:s16], $0x4000  }
0x117: {  	[sflag:s16] =	ssyncset.done $0x0  }
0x118: {  	[sflag:s16] =	ssyncadd.s32 $0xFFFFC000  }
0x119: {  	[hbm4b:s3+s2] =	stream.linear.scatter [tilespmem:s8], [sflag:$0x8], $0xC000, $0x38;
	[tilespmem:$0x18F68] =	vst v63  }
0x11a: {  	_ =	swait.ge [sflag:s17], $0xC000  }
0x11b: {  	[sflag:s17] =	ssyncset.done $0x0  }
0x11c: {  	s31 =	rddreg [dreg:$0x15];
	[sflag:s17] =	ssyncadd.s32 $0xFFFF4000  }
0x11d: {  	[tilespmem:s8], [sflag:$0x2] =	stream.indirect.gather [spmem:s1], $0x80, s31, s7, $0xb8;
	[tilespmem:$0x18F68] =	vst v63  }
0x11e: {  	s30 =	rddreg [dreg:$0x16]  }
0x11f: {  	[tilespmem:s9], [sflag:$0x3] =	stream.indirect.gather [spmem:s1], $0x80, s30, s7, $0xb8;
	[tilespmem:$0x18F68] =	vst v63  }
0x120: {  	s31 =	rddreg [dreg:$0x17]  }
0x121: {  	[tilespmem:s10], [sflag:$0x4] =	stream.indirect.gather [spmem:s1], $0x80, s31, s7, $0xb8;
	[tilespmem:$0x18F68] =	vst v63  }
0x122: {  	_ =	swait.ge [sflag:s18], $0x4000  }
0x123: {  	[sflag:s18] =	ssyncset.done $0x0  }
0x124: {  	[sflag:s18] =	ssyncadd.s32 $0xFFFFC000  }
0x125: {  	_ =	swait.ge [sflag:s19], $0x4000  }
0x126: {  	[sflag:s19] =	ssyncset.done $0x0  }
0x127: {  	[sflag:s19] =	ssyncadd.s32 $0xFFFFC000  }
0x128: {  	_ =	swait.ge [sflag:s20], $0x4000  }
0x129: {  	[sflag:s20] =	ssyncset.done $0x0  }
0x12a: {  	s30 =	rddreg [dreg:$0x7];
	[sflag:s20] =	ssyncadd.s32 $0xFFFFC000  }
0x12b: {  	[hbm4b:s30+s2] =	stream.linear.scatter [tilespmem:s11], [sflag:$0x9], $0xC000, $0x38;
	[tilespmem:$0x18F68] =	vst v63  }
0x12c: {  	_ =	swait.ge [sflag:s21], $0xC000  }
0x12d: {  	[sflag:s21] =	ssyncset.done $0x0  }
0x12e: {  	s31 =	rddreg [dreg:$0x18];
	[sflag:s21] =	ssyncadd.s32 $0xFFFF4000  }
0x12f: {  	[tilespmem:s11], [sflag:$0x5] =	stream.indirect.gather [spmem:s1], $0x80, s31, s7, $0xb8;
	[tilespmem:$0x18F68] =	vst v63  }
0x130: {  	s30 =	rddreg [dreg:$0x19]  }
0x131: {  	[tilespmem:s12], [sflag:$0x6] =	stream.indirect.gather [spmem:s1], $0x80, s30, s7, $0xb8;
	[tilespmem:$0x18F68] =	vst v63  }
0x132: {  	s31 =	rddreg [dreg:$0x1a]  }
0x133: {  	[tilespmem:s13], [sflag:$0x7] =	stream.indirect.gather [spmem:s1], $0x80, s31, s7, $0xb8;
	[tilespmem:$0x18F68] =	vst v63  }
0x134: {  	_ =	swait.ge [sflag:s14], $0x4000  }
0x135: {  	[sflag:s14] =	ssyncset.done $0x0  }
0x136: {  	[sflag:s14] =	ssyncadd.s32 $0xFFFFC000  }
0x137: {  	_ =	swait.ge [sflag:s15], $0x4000  }
0x138: {  	[sflag:s15] =	ssyncset.done $0x0  }
0x139: {  	[sflag:s15] =	ssyncadd.s32 $0xFFFFC000  }
0x13a: {  	_ =	swait.ge [sflag:s16], $0x4000  }
0x13b: {  	[sflag:s16] =	ssyncset.done $0x0  }
0x13c: {  	s30 =	rddreg [dreg:$0x8];
	[sflag:s16] =	ssyncadd.s32 $0xFFFFC000  }
0x13d: {  	[hbm4b:s30+s2] =	stream.linear.scatter [tilespmem:s8], [sflag:$0x8], $0xC000, $0x38;
	[tilespmem:$0x18F68] =	vst v63  }
0x13e: {  	_ =	swait.ge [sflag:s17], $0xC000  }
0x13f: {  	[sflag:s17] =	ssyncset.done $0x0  }
0x140: {  	s31 =	rddreg [dreg:$0x1b];
	[sflag:s17] =	ssyncadd.s32 $0xFFFF4000  }
0x141: {  	[tilespmem:s8], [sflag:$0x2] =	stream.indirect.gather [spmem:s1], $0x80, s31, s7, $0xb8;
	[tilespmem:$0x18F68] =	vst v63  }
0x142: {  	s30 =	rddreg [dreg:$0x1c]  }
0x143: {  	[tilespmem:s9], [sflag:$0x3] =	stream.indirect.gather [spmem:s1], $0x80, s30, s7, $0xb8;
	[tilespmem:$0x18F68] =	vst v63  }
0x144: {  	s31 =	rddreg [dreg:$0x1d]  }
0x145: {  	[tilespmem:s10], [sflag:$0x4] =	stream.indirect.gather [spmem:s1], $0x80, s31, s7, $0xb8;
	[tilespmem:$0x18F68] =	vst v63  }
0x146: {  	_ =	swait.ge [sflag:s18], $0x4000  }
0x147: {  	[sflag:s18] =	ssyncset.done $0x0  }
0x148: {  	[sflag:s18] =	ssyncadd.s32 $0xFFFFC000  }
0x149: {  	_ =	swait.ge [sflag:s19], $0x4000  }
0x14a: {  	[sflag:s19] =	ssyncset.done $0x0  }
0x14b: {  	[sflag:s19] =	ssyncadd.s32 $0xFFFFC000  }
0x14c: {  	_ =	swait.ge [sflag:s20], $0x4000  }
0x14d: {  	[sflag:s20] =	ssyncset.done $0x0  }
0x14e: {  	s30 =	rddreg [dreg:$0x9];
	[sflag:s20] =	ssyncadd.s32 $0xFFFFC000  }
0x14f: {  	[hbm4b:s30+s2] =	stream.linear.scatter [tilespmem:s11], [sflag:$0x9], $0xC000, $0x38;
	[tilespmem:$0x18F68] =	vst v63  }
0x150: {  	_ =	swait.ge [sflag:s21], $0xC000  }
0x151: {  	s31 =	rddreg [dreg:$0x1e];
	[sflag:s21] =	ssyncset.done $0x0  }
0x152: {  	s30 =	rddreg [dreg:$0x1f];
	[sflag:s21] =	ssyncadd.s32 $0xFFFF4000  }
0x153: {  	[tilespmem:s11], [sflag:$0x5] =	stream.indirect.gather [spmem:s1], $0x80, s31, s7, $0xb8;
	[tilespmem:$0x18F68] =	vst v63  }
0x154: {  	s31 =	sld [smem:$0x7FD]  }
0x155: {  	[tilespmem:s12], [sflag:$0x6] =	stream.indirect.gather [spmem:s1], $0x80, s30, s7, $0xb8;
	[tilespmem:$0x18F68] =	vst v63  }
0x156: {  	_ = 	snop  }
0x157: {  	[tilespmem:s13], [sflag:$0x7] =	stream.indirect.gather [spmem:s1], $0x80, s31, s7, $0xb8;
	[tilespmem:$0x18F68] =	vst v63  }
0x158: {  	_ =	swait.ge [sflag:s14], $0x4000  }
0x159: {  	[sflag:s14] =	ssyncset.done $0x0  }
0x15a: {  	[sflag:s14] =	ssyncadd.s32 $0xFFFFC000  }
0x15b: {  	_ =	swait.ge [sflag:s15], $0x4000  }
0x15c: {  	[sflag:s15] =	ssyncset.done $0x0  }
0x15d: {  	[sflag:s15] =	ssyncadd.s32 $0xFFFFC000  }
0x15e: {  	_ =	swait.ge [sflag:s16], $0x4000  }
0x15f: {  	[sflag:s16] =	ssyncset.done $0x0  }
0x160: {  	s31 =	rddreg [dreg:$0xa];
	[sflag:s16] =	ssyncadd.s32 $0xFFFFC000  }
0x161: {  	[hbm4b:s31+s2] =	stream.linear.scatter [tilespmem:s8], [sflag:$0x8], $0xC000, $0x38;
	[tilespmem:$0x18F68] =	vst v63  }
0x162: {  	_ =	swait.ge [sflag:s17], $0xC000  }
0x163: {  	[sflag:s17] =	ssyncset.done $0x0  }
0x164: {  	[sflag:s17] =	ssyncadd.s32 $0xFFFF4000  }
0x165: {  	[tilespmem:s8], [sflag:$0x2] =	stream.indirect.gather [spmem:s1], $0x80, s22, s7, $0xb8;
	[tilespmem:$0x18F68] =	vst v63  }
0x166: {  	_ = 	snop  }
0x167: {  	[tilespmem:s9], [sflag:$0x3] =	stream.indirect.gather [spmem:s1], $0x80, s23, s7, $0xb8;
	[tilespmem:$0x18F68] =	vst v63  }
0x168: {  	_ = 	snop  }
0x169: {  	[tilespmem:s10], [sflag:$0x4] =	stream.indirect.gather [spmem:s1], $0x80, s24, s7, $0xb8;
	[tilespmem:$0x18F68] =	vst v63  }
0x16a: {  	_ =	swait.ge [sflag:s18], $0x4000  }
0x16b: {  	[sflag:s18] =	ssyncset.done $0x0  }
0x16c: {  	[sflag:s18] =	ssyncadd.s32 $0xFFFFC000  }
0x16d: {  	_ =	swait.ge [sflag:s19], $0x4000  }
0x16e: {  	[sflag:s19] =	ssyncset.done $0x0  }
0x16f: {  	[sflag:s19] =	ssyncadd.s32 $0xFFFFC000  }
0x170: {  	_ =	swait.ge [sflag:s20], $0x4000  }
0x171: {  	[sflag:s20] =	ssyncset.done $0x0  }
0x172: {  	s30 =	rddreg [dreg:$0xb];
	[sflag:s20] =	ssyncadd.s32 $0xFFFFC000  }
0x173: {  	[hbm4b:s30+s2] =	stream.linear.scatter [tilespmem:s11], [sflag:$0x9], $0xC000, $0x38;
	[tilespmem:$0x18F68] =	vst v63  }
0x174: {  	_ =	swait.ge [sflag:s21], $0xC000  }
0x175: {  	[sflag:s21] =	ssyncset.done $0x0  }
0x176: {  	[sflag:s21] =	ssyncadd.s32 $0xFFFF4000  }
0x177: {  	[tilespmem:s11], [sflag:$0x5] =	stream.indirect.gather [spmem:s1], $0x80, s25, s7, $0xb8;
	[tilespmem:$0x18F68] =	vst v63  }
0x178: {  	_ = 	snop  }
0x179: {  	[tilespmem:s12], [sflag:$0x6] =	stream.indirect.gather [spmem:s1], $0x80, s26, s7, $0xb8;
	[tilespmem:$0x18F68] =	vst v63  }
0x17a: {  	_ = 	snop  }
0x17b: {  	[tilespmem:s13], [sflag:$0x7] =	stream.indirect.gather [spmem:s1], $0x80, s28, s7, $0xb8;
	[tilespmem:$0x18F68] =	vst v63  }
0x17c: {  	_ =	swait.ge [sflag:s14], $0x4000  }
0x17d: {  	[sflag:s14] =	ssyncset.done $0x0  }
0x17e: {  	[sflag:s14] =	ssyncadd.s32 $0xFFFFC000  }
0x17f: {  	_ =	swait.ge [sflag:s15], $0x4000  }
0x180: {  	[sflag:s15] =	ssyncset.done $0x0  }
0x181: {  	[sflag:s15] =	ssyncadd.s32 $0xFFFFC000  }
0x182: {  	_ =	swait.ge [sflag:s16], $0x4000  }
0x183: {  	[sflag:s16] =	ssyncset.done $0x0  }
0x184: {  	s31 =	rddreg [dreg:$0xc];
	[sflag:s16] =	ssyncadd.s32 $0xFFFFC000  }
0x185: {  	[hbm4b:s31+s2] =	stream.linear.scatter [tilespmem:s8], [sflag:$0x8], $0xC000, $0x38;
	[tilespmem:$0x18F68] =	vst v63  }
0x186: {  	_ =	swait.ge [sflag:s17], $0xC000  }
0x187: {  	[sflag:s17] =	ssyncset.done $0x0  }
0x188: {  	[sflag:s17] =	ssyncadd.s32 $0xFFFF4000  }
0x189: {  	[tilespmem:s8], [sflag:$0x2] =	stream.indirect.gather [spmem:s1], $0x80, s29, s7, $0xb8;
	[tilespmem:$0x18F68] =	vst v63  }
0x18a: {  	_ =	swait.ge [sflag:s18], $0x4000  }
0x18b: {  	[sflag:s18] =	ssyncset.done $0x0  }
0x18c: {  	[sflag:s18] =	ssyncadd.s32 $0xFFFFC000  }
0x18d: {  	_ =	swait.ge [sflag:s19], $0x4000  }
0x18e: {  	[sflag:s19] =	ssyncset.done $0x0  }
0x18f: {  	[sflag:s19] =	ssyncadd.s32 $0xFFFFC000  }
0x190: {  	_ =	swait.ge [sflag:s20], $0x4000  }
0x191: {  	[sflag:s20] =	ssyncset.done $0x0  }
0x192: {  	s30 =	rddreg [dreg:$0xd];
	[sflag:s20] =	ssyncadd.s32 $0xFFFFC000  }
0x193: {  	[hbm4b:s30+s2] =	stream.linear.scatter [tilespmem:s11], [sflag:$0x9], $0xC000, $0x38;
	[tilespmem:$0x18F68] =	vst v63  }
0x194: {  	_ =	swait.ge [sflag:s14], $0x4000  }
0x195: {  	[sflag:s14] =	ssyncset.done $0x0  }
0x196: {  	s4 =	sadd.s32 $0xFFFFFFFF, s4;
	s31 =	rddreg [dreg:$0xe];
	[sflag:s14] =	ssyncadd.s32 $0xFFFFC000  }
0x197: {  	[hbm4b:s31+s2] =	stream.linear.scatter [tilespmem:s8], [sflag:$0x8], $0x4000, $0x38;
	[tilespmem:$0x18F68] =	vst v63  }
0x198: {  	p1 =	sne.s32 s4, $0x0;
	_ =	swait.ge [sflag:s21], $0xC000  }
.Ltmp0:
0x199: {  	[sflag:s21] =	ssyncset.done $0x0;
	(pc) =	sbr.rel @p1 .LBB2_1-.Ltmp0, $4  }
0x19a: {  	[sflag:s21] =	ssyncadd.s32 $0xFFFF4000  }
0x19b: {  	_ =	swait.ge [sflag:s17], $0x4000  }
0x19c: {  	[sflag:s17] =	ssyncset.done $0x0  }
0x19d: {  	[sflag:s17] =	ssyncadd.s32 $0xFFFFC000  }
0x19e: {  	_ =	sfence.sel $0x180000  }
0x19f: {  	[bflag:$0x0] =	sbarrier.arrive $0xFFFF  }
0x1a0: {  	_ =	strace $0x90000047  }
0x1a1: {  	[bflag:$0x2] =	sbarrier.arrive $0xFFFF  }
0x1a2: {  	s0 =	rddreg [dreg:$0x4]  }
0x1a3: {  	s0 =	sadd.s32 @!p0 $0x100000, s0  }
0x1a4: {  	[sflag:s0] =	ssyncadd.tile.s32 @!p0 $0x1;
	_ =	shalt  }
.Lfunc_end2:
_tile_overlayer_lowered:
.L_overlay_start_2:
0x1a5: {  	(tag) =	ssettag $0x2  }
0x1a6: {  	s0 =	rddreg [dreg:$0x0];
	s2 =	stileid.u32  }
0x1a7: {  	s1 =	rddreg [dreg:$0x1];
	p0 =	sne.s32 s2, $0x0  }
0x1a8: {  	s3 =	rddreg [dreg:$0x2];
	[bflag:$0x3] =	sbarrier.arrive $0xFFFF;
	s2 =	simm.s32 @!p0 $0x1C0A  }
0x1a9: {  	[timem:s3], [sflag:s2] =	dma.local @!p0 [hbm:s0], s1  }
0x1aa: {  	s0 =	simm.s32 @!p0 $0xA  }
0x1ab: {  	_ =	swait.ge @!p0 [sflag:s0], s1  }
0x1ac: {  	s1 =	ssub.s32 @!p0 $0x0, s1;
	[sflag:s0] =	ssyncset.done @!p0 $0x0  }
0x1ad: {  	[sflag:s0] =	ssyncadd.s32 @!p0 s1  }
0x1ae: {  	[bflag:$0x3] =	sbarrier.arrive $0xFFFF  }
0x1af: {  	_ =	shalt  }

</sc_bundles>
